<compile_context>
chip_gen: v7x
topology: tpu7x:2x2x1
jax: 0.10.2.dev20260603
libtpu: 0.0.44.dev20260713+nightly
codegen_flags: <defaults>
</compile_context>

<pallas_src>
import functools

import jax
import jax.numpy as jnp
from jax import lax
from jax.experimental import pallas as pl
from jax.experimental.pallas import tpu as pltpu
from jax.experimental.pallas import tpu_sc as plsc

NN = 10000
NP = 10240
RR = 3
EE = 320000
DD = 128
CH = 80
NT = 16
NCORE = 2

_DEG = RR * NP
_DEG_PER_TILE = _DEG // NT
_A_EDGES_PER_TILE = (RR * EE) // (NCORE * NT)
_A_CH = 1200
_A_CHUNKS = _A_EDGES_PER_TILE // _A_CH
_P_CHUNKS_PER_REL = NN // CH



def _stage_a_body(dstoff, permf, x, ones_w, zer1_w, zer2_w,
                  degp, xp,
                  eidx, pidx, ones_v, zb1_v, zb2_v, rows_v, degtbl, sem):
    c = lax.axis_index("c")
    s = lax.axis_index("s")
    wid = c * NT + s
    pltpu.sync_copy(ones_w, ones_v)
    pltpu.sync_copy(zer1_w, zb1_v)
    pltpu.sync_copy(zer2_w, zb2_v)
    pltpu.sync_copy(zb1_v, degtbl.at[pl.ds(s * _DEG_PER_TILE, _DEG_PER_TILE)])
    plsc.subcore_barrier()

    ebase = wid * _A_EDGES_PER_TILE

    def dbody(j, carry):
        pltpu.sync_copy(dstoff.at[pl.ds(ebase + j * _A_CH, _A_CH)], eidx)
        pltpu.sync_copy(ones_v, degtbl.at[eidx], add=True)
        return carry

    lax.fori_loop(0, _A_CHUNKS, dbody, 0)
    plsc.subcore_barrier()
    pltpu.sync_copy(degtbl.at[pl.ds(s * _DEG_PER_TILE, _DEG_PER_TILE)],
                    degp.at[pl.ds(c * _DEG + s * _DEG_PER_TILE, _DEG_PER_TILE)])

    nz = jnp.where(wid < RR, 2, 0)

    def zbody(part, carry):
        pltpu.sync_copy(zb2_v, xp.at[pl.ds(wid * NP + NN + part * 120, 120)])
        return carry

    lax.fori_loop(0, nz, zbody, 0)

    for rel in range(RR):
        nk = (_P_CHUNKS_PER_REL - 1 - wid) // (NCORE * NT) + 1

        def gbody(k, carry):
            j = k * (NCORE * NT) + wid
            pltpu.sync_copy(permf.at[pl.ds(rel * NN + j * CH, CH)], pidx)
            pltpu.async_copy(x.at[pidx], rows_v, sem).wait()
            pltpu.sync_copy(rows_v, xp.at[pl.ds(rel * NP + j * CH, CH)])
            return carry

        lax.fori_loop(0, nk, gbody, 0)


def _stage_a(dstoff, permf, x):
    ones_w = jnp.ones((_A_CH,), jnp.float32)
    zer1_w = jnp.zeros((_DEG_PER_TILE,), jnp.float32)
    zer2_w = jnp.zeros((120, DD), jnp.float32)
    mesh = plsc.VectorSubcoreMesh(core_axis_name="c", subcore_axis_name="s")
    f = functools.partial(
        pl.kernel, mesh=mesh,
        out_type=[jax.ShapeDtypeStruct((NCORE * _DEG,), jnp.float32),
                  jax.ShapeDtypeStruct((RR * NP, DD), jnp.float32)],
        scratch_types=[
            pltpu.VMEM((_A_CH,), jnp.int32),
            pltpu.VMEM((CH,), jnp.int32),
            pltpu.VMEM((_A_CH,), jnp.float32),
            pltpu.VMEM((_DEG_PER_TILE,), jnp.float32),
            pltpu.VMEM((120, DD), jnp.float32),
            pltpu.VMEM((CH, DD), jnp.float32),
            pltpu.VMEM_SHARED((_DEG,), jnp.float32),
            pltpu.SemaphoreType.DMA,
        ],
    )(_stage_a_body)
    return f(dstoff, permf, x, ones_w, zer1_w, zer2_w)



_BB = 8
_NBLK = NP // (_BB * DD)


def _stage_b_kernel(deg_ref, x_ref, xp_ref, w_ref, g_ref):
    deg = deg_ref[0] + deg_ref[1] + 1.0
    dis = lax.rsqrt(deg)[:, :, None]
    w = w_ref[0]
    g_ref[0, 0] = jax.lax.dot_general(
        dis * x_ref[...], w, (((2,), (0,)), ((), ())),
        preferred_element_type=jnp.float32)
    g_ref[1, 0] = jax.lax.dot_general(
        dis * xp_ref[0], w, (((2,), (0,)), ((), ())),
        preferred_element_type=jnp.float32)


def _stage_b(degp, x3, xp3, W):
    return pl.pallas_call(
        _stage_b_kernel,
        grid=(RR, _NBLK),
        in_specs=[
            pl.BlockSpec((NCORE, _BB, DD), lambda r, i: (0, r * _NBLK + i, 0)),
            pl.BlockSpec((_BB, DD, DD), lambda r, i: (i, 0, 0)),
            pl.BlockSpec((1, _BB, DD, DD), lambda r, i: (r, i, 0, 0)),
            pl.BlockSpec((1, DD, DD), lambda r, i: (r, 0, 0)),
        ],
        out_specs=pl.BlockSpec((NCORE, 1, _BB, DD, DD),
                               lambda r, i: (0, r, i, 0, 0)),
        out_shape=jax.ShapeDtypeStruct((NCORE, RR, NP // DD, DD, DD), jnp.float32),
    )(degp, x3, xp3, W)



CHC = 128
_C_RING = 2
_C_EDGES_PER_TILE = 20480
EPAD = _C_EDGES_PER_TILE * NT
_C_CHUNKS = _C_EDGES_PER_TILE // CHC
_ACC_PER_TILE = NP // NT


def _stage_c_body(gflat, srcg, dstf, zeros_w,
                  agg,
                  si_a, si_b, di_a, di_b, rows_a, rows_b,
                  acc, gsem):
    c = lax.axis_index("c")
    s = lax.axis_index("s")
    for rel in range(RR):
        pltpu.sync_copy(zeros_w, rows_a)
        for z in range(_ACC_PER_TILE // CHC):
            pltpu.sync_copy(rows_a, acc.at[pl.ds(s * _ACC_PER_TILE + z * CHC, CHC)])
        plsc.subcore_barrier()

        sbase = (c * RR + rel) * EPAD + s * _C_EDGES_PER_TILE
        dbase = rel * EPAD + s * _C_EDGES_PER_TILE

        def load_idx(q, si, di):
            pltpu.sync_copy(srcg.at[pl.ds(sbase + q * CHC, CHC)], si)
            pltpu.sync_copy(dstf.at[pl.ds(dbase + q * CHC, CHC)], di)

        def gstart(si, rv):
            pltpu.async_copy(gflat.at[si], rv, gsem)

        def gwait(rv):
            pltpu.make_async_copy(gflat.at[si_a], rv, gsem).wait()

        load_idx(0, si_a, di_a)
        gstart(si_a, rows_a)
        load_idx(1, si_b, di_b)

        def cbody(k, carry):
            gwait(rows_a)
            gstart(si_b, rows_b)
            pltpu.sync_copy(rows_a, acc.at[di_a], add=True)
            load_idx(2 * k + 2, si_a, di_a)
            gstart(si_a, rows_a)
            gwait(rows_b)
            pltpu.sync_copy(rows_b, acc.at[di_b], add=True)
            load_idx(2 * k + 3, si_b, di_b)
            return carry

        lax.fori_loop(0, _C_CHUNKS // 2 - 1, cbody, 0)
        gwait(rows_a)
        gstart(si_b, rows_b)
        pltpu.sync_copy(rows_a, acc.at[di_a], add=True)
        gwait(rows_b)
        pltpu.sync_copy(rows_b, acc.at[di_b], add=True)
        plsc.subcore_barrier()
        abase = (c * RR + rel) * NP
        for z in range(5):
            off = s * _ACC_PER_TILE + z * 128
            pltpu.sync_copy(acc.at[pl.ds(off, 128)],
                            agg.at[pl.ds(abase + off, 128)])
        plsc.subcore_barrier()


def _stage_c(gflat, srcg, dstf):
    zeros_w = jnp.zeros((CHC, DD), jnp.float32)
    mesh = plsc.VectorSubcoreMesh(core_axis_name="c", subcore_axis_name="s")
    f = functools.partial(
        pl.kernel, mesh=mesh,
        out_type=jax.ShapeDtypeStruct((NCORE * RR * NP, DD), jnp.float32),
        scratch_types=(
            [pltpu.VMEM((CHC,), jnp.int32)] * 4
            + [pltpu.VMEM((CHC, DD), jnp.float32)] * 2
            + [pltpu.VMEM_SHARED((NP, DD), jnp.float32),
               pltpu.SemaphoreType.DMA]
        ),
    )(_stage_c_body)
    return f(gflat, srcg, dstf, zeros_w)




def _stage_d_kernel(agg_ref, g_ref, deg_ref, b_ref,
                    pos_ref, neg_ref, sum_ref):
    i = pl.program_id(1)
    nblk = pl.num_programs(1)
    deg = deg_ref[0] + deg_ref[1] + 1.0
    dis = lax.rsqrt(deg)[:, :, None]
    bb = b_ref[0, 0][None, None, :]
    p = jnp.maximum(dis * (agg_ref[0, 0] + g_ref[0, 0]) + bb, 0.0)
    q = jnp.maximum(dis * (agg_ref[1, 0] + g_ref[1, 0]) + bb, 0.0)
    pos_ref[0] = p
    neg_ref[0] = q

    a_ids = lax.broadcasted_iota(jnp.int32, (_BB, DD, 1), 0)
    s_ids = lax.broadcasted_iota(jnp.int32, (_BB, DD, 1), 1)
    node = i * (_BB * DD) + a_ids * DD + s_ids
    pm = jnp.where(node < NN, p, 0.0)

    @pl.when(i == 0)
    def _():
        sum_ref[...] = jnp.zeros_like(sum_ref)

    sum_ref[0, 0] += jnp.sum(pm, axis=(0, 1))

    @pl.when(i == nblk - 1)
    def _():
        sum_ref[...] = jax.nn.sigmoid(sum_ref[...] * (1.0 / NN))


def _stage_d(agg5, g5, degp, b):
    return pl.pallas_call(
        _stage_d_kernel,
        grid=(RR, _NBLK),
        in_specs=[
            pl.BlockSpec((NCORE, 1, _BB, DD, DD), lambda r, i: (0, r, i, 0, 0)),
            pl.BlockSpec((NCORE, 1, _BB, DD, DD), lambda r, i: (0, r, i, 0, 0)),
            pl.BlockSpec((NCORE, _BB, DD), lambda r, i: (0, r * _NBLK + i, 0)),
            pl.BlockSpec((1, 1, DD), lambda r, i: (r, 0, 0)),
        ],
        out_specs=[
            pl.BlockSpec((1, _BB, DD, DD), lambda r, i: (r, i, 0, 0)),
            pl.BlockSpec((1, _BB, DD, DD), lambda r, i: (r, i, 0, 0)),
            pl.BlockSpec((1, 1, DD), lambda r, i: (r, 0, 0)),
        ],
        out_shape=[
            jax.ShapeDtypeStruct((RR, NP // DD, DD, DD), jnp.float32),
            jax.ShapeDtypeStruct((RR, NP // DD, DD, DD), jnp.float32),
            jax.ShapeDtypeStruct((RR, 1, DD), jnp.float32),
        ],
    )(agg5, g5, degp, b)




def kernel(x, edge_index, dropout_probability, W, b, perm):
    x = x.astype(jnp.float32)
    ei = edge_index.astype(jnp.int32)
    src = ei[:, 0, :]
    dst = ei[:, 1, :]
    roff = (jnp.arange(RR, dtype=jnp.int32) * NP)[:, None]
    dstoff = (dst + roff).reshape(-1)
    permf = perm.astype(jnp.int32).reshape(-1)

    degp_flat, xp = _stage_a(dstoff, permf, x)
    degp = degp_flat.reshape(NCORE, RR * NP // DD, DD)

    xpad = jnp.concatenate(
        [x, jnp.zeros((NP - NN, DD), jnp.float32)]).reshape(NP // DD, DD, DD)
    xp3 = xp.reshape(RR, NP // DD, DD, DD)
    g5 = _stage_b(degp, xpad, xp3, W.astype(jnp.float32))

    coff = (jnp.arange(NCORE, dtype=jnp.int32) * (RR * NP))[:, None, None]
    convoff = (coff + roff[None]).astype(jnp.int32)
    srcg3 = src[None] + convoff
    pad_idx = NN + jnp.arange(EPAD - EE, dtype=jnp.int32) % (NP - NN)
    pad_src = jnp.broadcast_to(convoff + pad_idx, (NCORE, RR, EPAD - EE))
    srcg = jnp.concatenate([srcg3, pad_src], axis=-1).reshape(-1)
    pad_dst = jnp.broadcast_to(pad_idx, (RR, EPAD - EE))
    dstf = jnp.concatenate([dst, pad_dst], axis=-1).reshape(-1)
    agg_flat = _stage_c(g5.reshape(NCORE * RR * NP, DD), srcg, dstf)
    agg5 = agg_flat.reshape(NCORE, RR, NP // DD, DD, DD)

    posp, negp, sums = _stage_d(agg5, g5, degp,
                                b.astype(jnp.float32).reshape(RR, 1, DD))
    pos = posp.reshape(RR, NP, DD)[:, :NN]
    neg = negp.reshape(RR, NP, DD)[:, :NN]
    return pos, neg, sums

# --- scband reference (transcript-rebuilt; emitter-appended) ---
"""Pipeline reference for scband-dmgi-32658931319513 (READ-ONLY COPY).

The authoritative reference and input builder live on the scoring server;
editing this copy changes nothing except your own understanding.
"""

import jax, jax.numpy as jnp
import numpy as np

N = 10000
R = 3
E = 320000
IN = 128
OUT = 128


def gcn_conv(x, W, b, src, dst, n):
    # PyG GCNConv: linear transform, add self loops, symmetric normalization, scatter-add, bias
    h = x @ W
    loop = jnp.arange(n, dtype=src.dtype)
    s = jnp.concatenate([src, loop])
    d = jnp.concatenate([dst, loop])
    deg = jnp.zeros((n,), h.dtype).at[d].add(1.0)
    dis = jnp.where(deg > 0, jax.lax.rsqrt(jnp.maximum(deg, 1e-12)), 0.0)
    norm = dis[s] * dis[d]
    msg = h[s] * norm[:, None]
    out = jnp.zeros((n, h.shape[1]), h.dtype).at[d].add(msg)
    return out + b


def setup_inputs(seed: int = 0) -> dict:
    key = jax.random.key(seed)
    k1, k2, k3, k4 = jax.random.split(key, 4)
    x = jax.random.normal(k1, (N, IN), dtype=jnp.float32)
    edge_index = jax.random.randint(k2, (R, 2, E), 0, N)
    # GCNConv linear weight per relation (glorot-ish scale) and bias (zeros)
    W = jax.random.normal(k3, (R, IN, OUT), dtype=jnp.float32) * (1.0 / np.sqrt(IN))
    b = jnp.zeros((R, OUT), dtype=jnp.float32)
    # fixed permutations standing in for torch.randperm (one per relation)
    perm = jnp.stack([jax.random.permutation(jax.random.fold_in(k4, r), N) for r in range(R)])
    return {"x": x, "edge_index": edge_index, "dropout_probability": 0, "W": W, "b": b, "perm": perm}


def reference(x, edge_index, dropout_probability, W, b, perm):
    # dropout_probability = 0 (eval-mode determinism): dropout is identity
    n = x.shape[0]
    pos_hs, neg_hs, summaries = [], [], []
    for r in range(edge_index.shape[0]):
        src = edge_index[r, 0]
        dst = edge_index[r, 1]
        pos_h = jax.nn.relu(gcn_conv(x, W[r], b[r], src, dst, n))
        pos_hs.append(pos_h)
        summaries.append(jax.nn.sigmoid(pos_h.mean(axis=0, keepdims=True)))
        x_shuf = x[perm[r]]
        neg_h = jax.nn.relu(gcn_conv(x_shuf, W[r], b[r], src, dst, n))
        neg_hs.append(neg_h)
    return (jnp.stack(pos_hs), jnp.stack(neg_hs), jnp.stack(summaries))

if __name__ == "__main__":
    import jax
    _d = setup_inputs()
    print(jax.jit(kernel)(*tuple(_d.values())))

</pallas_src>

<mosaic_0001>
#map = affine_map<(d0, d1) -> (0)>
#map1 = affine_map<(d0, d1) -> (0, 0)>
module attributes {stable_mosaic.version = 14 : i64} {
  func.func @_stage_a_body(%arg0: i32, %arg1: i32, %arg2: memref<960000xi32, #tpu.memory_space<hbm>>, %arg3: memref<30000xi32, #tpu.memory_space<hbm>>, %arg4: memref<10000x128xf32, #tpu.memory_space<hbm>>, %arg5: memref<1200xf32, #tpu.memory_space<hbm>>, %arg6: memref<1920xf32, #tpu.memory_space<hbm>>, %arg7: memref<120x128xf32, #tpu.memory_space<hbm>>, %arg8: memref<61440xf32, #tpu.memory_space<hbm>>, %arg9: memref<30720x128xf32, #tpu.memory_space<hbm>>, %arg10: memref<1200xi32, #tpu.memory_space<vmem>>, %arg11: memref<80xi32, #tpu.memory_space<vmem>>, %arg12: memref<1200xf32, #tpu.memory_space<vmem>>, %arg13: memref<1920xf32, #tpu.memory_space<vmem>>, %arg14: memref<120x128xf32, #tpu.memory_space<vmem>>, %arg15: memref<80x128xf32, #tpu.memory_space<vmem>>, %arg16: memref<30720xf32, #tpu.memory_space<vmem_shared>>, %arg17: memref<!tpu.dma_semaphore, #tpu.memory_space<semaphore_mem>>) attributes {dimension_semantics = [#tpu.dimension_semantics<core_parallel>, #tpu.dimension_semantics<subcore_parallel>], iteration_bounds = array<i64: 2, 16>, scalar_prefetch = 0 : i64, scratch_operands = 8 : i64, tpu.core_type = #tpu.core_type<sc_vector_subcore>, window_params = [{transform_indices = #map}, {transform_indices = #map}, {transform_indices = #map1}, {transform_indices = #map}, {transform_indices = #map}, {transform_indices = #map1}, {transform_indices = #map}, {transform_indices = #map1}]} {
    %mul3A = arith.constant 16 : i32
    %mul3A_0 = arith.muli %arg0, %mul3A : i32
    %add3A = arith.addi %mul3A_0, %arg1 : i32
    "tpu.region"() ({
      %run_scoped3A = tpu.sem_alloc : memref<!tpu.dma_semaphore, #tpu.memory_space<semaphore_mem>>
      tpu.enqueue_dma source(%arg5 : memref<1200xf32, #tpu.memory_space<hbm>>) target(%arg12 : memref<1200xf32, #tpu.memory_space<vmem>>) target_semaphore(%run_scoped3A : memref<!tpu.dma_semaphore, #tpu.memory_space<semaphore_mem>>)
      tpu.wait_dma2 semaphore(%run_scoped3A : memref<!tpu.dma_semaphore, #tpu.memory_space<semaphore_mem>>) src(%arg5 : memref<1200xf32, #tpu.memory_space<hbm>>) dst(%arg12 : memref<1200xf32, #tpu.memory_space<vmem>>)
      tpu.yield
    }) : () -> ()
    "tpu.region"() ({
      %run_scoped3A = tpu.sem_alloc : memref<!tpu.dma_semaphore, #tpu.memory_space<semaphore_mem>>
      tpu.enqueue_dma source(%arg6 : memref<1920xf32, #tpu.memory_space<hbm>>) target(%arg13 : memref<1920xf32, #tpu.memory_space<vmem>>) target_semaphore(%run_scoped3A : memref<!tpu.dma_semaphore, #tpu.memory_space<semaphore_mem>>)
      tpu.wait_dma2 semaphore(%run_scoped3A : memref<!tpu.dma_semaphore, #tpu.memory_space<semaphore_mem>>) src(%arg6 : memref<1920xf32, #tpu.memory_space<hbm>>) dst(%arg13 : memref<1920xf32, #tpu.memory_space<vmem>>)
      tpu.yield
    }) : () -> ()
    "tpu.region"() ({
      %run_scoped3A = tpu.sem_alloc : memref<!tpu.dma_semaphore, #tpu.memory_space<semaphore_mem>>
      tpu.enqueue_dma source(%arg7 : memref<120x128xf32, #tpu.memory_space<hbm>>) target(%arg14 : memref<120x128xf32, #tpu.memory_space<vmem>>) target_semaphore(%run_scoped3A : memref<!tpu.dma_semaphore, #tpu.memory_space<semaphore_mem>>)
      tpu.wait_dma2 semaphore(%run_scoped3A : memref<!tpu.dma_semaphore, #tpu.memory_space<semaphore_mem>>) src(%arg7 : memref<120x128xf32, #tpu.memory_space<hbm>>) dst(%arg14 : memref<120x128xf32, #tpu.memory_space<vmem>>)
      tpu.yield
    }) : () -> ()
    %mul3A_1 = arith.constant 1920 : i32
    %mul3A_2 = arith.muli %arg1, %mul3A_1 : i32
    "tpu.region"() ({
      %run_scoped3A = tpu.sem_alloc : memref<!tpu.dma_semaphore, #tpu.memory_space<semaphore_mem>>
      %dma_start3A = tpu.memref_slice %arg16[%mul3A_2] : memref<30720xf32, #tpu.memory_space<vmem_shared>> -> memref<1920xf32, #tpu.memory_space<vmem_shared>>
      %dma_start3A_137 = tpu.memref_slice %arg16[%mul3A_2] : memref<30720xf32, #tpu.memory_space<vmem_shared>> -> memref<1920xf32, #tpu.memory_space<vmem_shared>>
      tpu.enqueue_dma source(%arg13 : memref<1920xf32, #tpu.memory_space<vmem>>) target(%dma_start3A_137 : memref<1920xf32, #tpu.memory_space<vmem_shared>>) target_semaphore(%run_scoped3A : memref<!tpu.dma_semaphore, #tpu.memory_space<semaphore_mem>>)
      %dma_wait3A = tpu.memref_slice %arg16[%mul3A_2] : memref<30720xf32, #tpu.memory_space<vmem_shared>> -> memref<1920xf32, #tpu.memory_space<vmem_shared>>
      %dma_wait3A_138 = tpu.memref_slice %arg16[%mul3A_2] : memref<30720xf32, #tpu.memory_space<vmem_shared>> -> memref<1920xf32, #tpu.memory_space<vmem_shared>>
      tpu.wait_dma2 semaphore(%run_scoped3A : memref<!tpu.dma_semaphore, #tpu.memory_space<semaphore_mem>>) src(%arg13 : memref<1920xf32, #tpu.memory_space<vmem>>) dst(%dma_wait3A_138 : memref<1920xf32, #tpu.memory_space<vmem_shared>>)
      tpu.yield
    }) : () -> ()
    %barrier3A = arith.constant 0 : index
    tpu.barrier barrier_id(%barrier3A)
    %mul3A_3 = arith.constant 30000 : i32
    %mul3A_4 = arith.muli %add3A, %mul3A_3 : i32
    %scan3A = arith.constant 0 : i32
    %scan3A_5 = arith.constant 0 : i32
    %scan3A_6 = arith.constant 25 : i32
    %scan3A_7 = arith.addi %scan3A_5, %scan3A_6 : i32
    %scan3A_8 = arith.constant 1 : i32
    scf.for %scan3A_137 = %scan3A_5 to %scan3A_7 step %scan3A_8  : i32 {
      %mul3A_138 = arith.constant 1200 : i32
      %mul3A_139 = arith.muli %scan3A_137, %mul3A_138 : i32
      %add3A_140 = arith.addi %mul3A_4, %mul3A_139 : i32
      "tpu.region"() ({
        %run_scoped3A = tpu.sem_alloc : memref<!tpu.dma_semaphore, #tpu.memory_space<semaphore_mem>>
        %dma_start3A = tpu.memref_slice %arg2[%add3A_140] : memref<960000xi32, #tpu.memory_space<hbm>> -> memref<1200xi32, #tpu.memory_space<hbm>>
        %dma_start3A_141 = tpu.memref_slice %arg2[%add3A_140] : memref<960000xi32, #tpu.memory_space<hbm>> -> memref<1200xi32, #tpu.memory_space<hbm>>
        tpu.enqueue_dma source(%dma_start3A_141 : memref<1200xi32, #tpu.memory_space<hbm>>) target(%arg10 : memref<1200xi32, #tpu.memory_space<vmem>>) target_semaphore(%run_scoped3A : memref<!tpu.dma_semaphore, #tpu.memory_space<semaphore_mem>>)
        %dma_wait3A = tpu.memref_slice %arg2[%add3A_140] : memref<960000xi32, #tpu.memory_space<hbm>> -> memref<1200xi32, #tpu.memory_space<hbm>>
        %dma_wait3A_142 = tpu.memref_slice %arg2[%add3A_140] : memref<960000xi32, #tpu.memory_space<hbm>> -> memref<1200xi32, #tpu.memory_space<hbm>>
        tpu.wait_dma2 semaphore(%run_scoped3A : memref<!tpu.dma_semaphore, #tpu.memory_space<semaphore_mem>>) src(%dma_wait3A_142 : memref<1200xi32, #tpu.memory_space<hbm>>) dst(%arg10 : memref<1200xi32, #tpu.memory_space<vmem>>)
        tpu.yield
      }) : () -> ()
      "tpu.region"() ({
        %run_scoped3A = tpu.sem_alloc : memref<!tpu.dma_semaphore, #tpu.memory_space<semaphore_mem>>
        %dma_start3A = arith.constant 0 : i32
        %dma_start3A_141 = tpu.memref_slice %arg16[%dma_start3A] : memref<30720xf32, #tpu.memory_space<vmem_shared>> -> memref<30720xf32, #tpu.memory_space<vmem_shared>>
        tpu.enqueue_indirect_dma source(%arg12 : memref<1200xf32, #tpu.memory_space<vmem>>) target(%dma_start3A_141 : memref<30720xf32, #tpu.memory_space<vmem_shared>>) offsets(%arg10 : memref<1200xi32, #tpu.memory_space<vmem>>) semaphore(%run_scoped3A : memref<!tpu.dma_semaphore, #tpu.memory_space<semaphore_mem>>) {add = true}
        %dma_wait3A = arith.constant 0 : i32
        %dma_wait3A_142 = tpu.memref_slice %arg16[%dma_wait3A] : memref<30720xf32, #tpu.memory_space<vmem_shared>> -> memref<30720xf32, #tpu.memory_space<vmem_shared>>
        tpu.wait_indirect_dma semaphore(%run_scoped3A : memref<!tpu.dma_semaphore, #tpu.memory_space<semaphore_mem>>) src(%arg12 : memref<1200xf32, #tpu.memory_space<vmem>>) dst(%dma_wait3A_142 : memref<30720xf32, #tpu.memory_space<vmem_shared>>)
        tpu.yield
      }) : () -> ()
    }
    %scan3A_9 = arith.constant 25 : i32
    %barrier3A_10 = arith.constant 0 : index
    tpu.barrier barrier_id(%barrier3A_10)
    %mul3A_11 = arith.constant 1920 : i32
    %mul3A_12 = arith.muli %arg1, %mul3A_11 : i32
    %mul3A_13 = arith.constant 30720 : i32
    %mul3A_14 = arith.muli %arg0, %mul3A_13 : i32
    %mul3A_15 = arith.constant 1920 : i32
    %mul3A_16 = arith.muli %arg1, %mul3A_15 : i32
    %add3A_17 = arith.addi %mul3A_14, %mul3A_16 : i32
    "tpu.region"() ({
      %run_scoped3A = tpu.sem_alloc : memref<!tpu.dma_semaphore, #tpu.memory_space<semaphore_mem>>
      %dma_start3A = tpu.memref_slice %arg8[%add3A_17] : memref<61440xf32, #tpu.memory_space<hbm>> -> memref<1920xf32, #tpu.memory_space<hbm>>
      %dma_start3A_137 = tpu.memref_slice %arg16[%mul3A_12] : memref<30720xf32, #tpu.memory_space<vmem_shared>> -> memref<1920xf32, #tpu.memory_space<vmem_shared>>
      tpu.enqueue_dma source(%dma_start3A_137 : memref<1920xf32, #tpu.memory_space<vmem_shared>>) target(%dma_start3A : memref<1920xf32, #tpu.memory_space<hbm>>) target_semaphore(%run_scoped3A : memref<!tpu.dma_semaphore, #tpu.memory_space<semaphore_mem>>)
      %dma_wait3A = tpu.memref_slice %arg8[%add3A_17] : memref<61440xf32, #tpu.memory_space<hbm>> -> memref<1920xf32, #tpu.memory_space<hbm>>
      %dma_wait3A_138 = tpu.memref_slice %arg16[%mul3A_12] : memref<30720xf32, #tpu.memory_space<vmem_shared>> -> memref<1920xf32, #tpu.memory_space<vmem_shared>>
      tpu.wait_dma2 semaphore(%run_scoped3A : memref<!tpu.dma_semaphore, #tpu.memory_space<semaphore_mem>>) src(%dma_wait3A_138 : memref<1920xf32, #tpu.memory_space<vmem_shared>>) dst(%dma_wait3A : memref<1920xf32, #tpu.memory_space<hbm>>)
      tpu.yield
    }) : () -> ()
    %lt3A = arith.constant 3 : i32
    %lt3A_18 = arith.cmpi slt, %add3A, %lt3A : i32
    %jit3A = arith.constant 2 : i32
    %jit3A_19 = arith.constant 0 : i32
    %select_n3A = arith.select %lt3A_18, %jit3A, %jit3A_19 : i32
    %while3A = arith.constant 0 : i32
    %while3A_20 = arith.constant 0 : i32
    %while3A_21 = arith.subi %select_n3A, %while3A_20 : i32
    %while3A_22 = arith.addi %while3A_20, %while3A_21 : i32
    %while3A_23 = arith.constant 1 : i32
    %while3A_24 = arith.divsi %while3A_21, %while3A_23 : i32
    %while3A_25 = arith.muli %while3A_24, %while3A_23 : i32
    %while3A_26 = arith.addi %while3A_20, %while3A_25 : i32
    %while3A_27 = arith.constant 1 : i32
    scf.for %while3A_137 = %while3A_20 to %while3A_26 step %while3A_27  : i32 {
      %mul3A_138 = arith.constant 10240 : i32
      %mul3A_139 = arith.muli %add3A, %mul3A_138 : i32
      %add3A_140 = arith.constant 10000 : i32
      %add3A_141 = arith.addi %mul3A_139, %add3A_140 : i32
      %mul3A_142 = arith.constant 120 : i32
      %mul3A_143 = arith.muli %while3A_137, %mul3A_142 : i32
      %add3A_144 = arith.addi %add3A_141, %mul3A_143 : i32
      "tpu.region"() ({
        %run_scoped3A = tpu.sem_alloc : memref<!tpu.dma_semaphore, #tpu.memory_space<semaphore_mem>>
        %dma_start3A = arith.constant 0 : i32
        %dma_start3A_145 = tpu.memref_slice %arg9[%add3A_144, %dma_start3A] : memref<30720x128xf32, #tpu.memory_space<hbm>> -> memref<120x128xf32, #tpu.memory_space<hbm>>
        %dma_start3A_146 = arith.constant 0 : i32
        %dma_start3A_147 = tpu.memref_slice %arg9[%add3A_144, %dma_start3A_146] : memref<30720x128xf32, #tpu.memory_space<hbm>> -> memref<120x128xf32, #tpu.memory_space<hbm>>
        tpu.enqueue_dma source(%arg14 : memref<120x128xf32, #tpu.memory_space<vmem>>) target(%dma_start3A_147 : memref<120x128xf32, #tpu.memory_space<hbm>>) target_semaphore(%run_scoped3A : memref<!tpu.dma_semaphore, #tpu.memory_space<semaphore_mem>>)
        %dma_wait3A = arith.constant 0 : i32
        %dma_wait3A_148 = tpu.memref_slice %arg9[%add3A_144, %dma_wait3A] : memref<30720x128xf32, #tpu.memory_space<hbm>> -> memref<120x128xf32, #tpu.memory_space<hbm>>
        %dma_wait3A_149 = arith.constant 0 : i32
        %dma_wait3A_150 = tpu.memref_slice %arg9[%add3A_144, %dma_wait3A_149] : memref<30720x128xf32, #tpu.memory_space<hbm>> -> memref<120x128xf32, #tpu.memory_space<hbm>>
        tpu.wait_dma2 semaphore(%run_scoped3A : memref<!tpu.dma_semaphore, #tpu.memory_space<semaphore_mem>>) src(%arg14 : memref<120x128xf32, #tpu.memory_space<vmem>>) dst(%dma_wait3A_150 : memref<120x128xf32, #tpu.memory_space<hbm>>)
        tpu.yield
      }) : () -> ()
    }
    %while3A_28 = arith.constant 1 : i32
    scf.for %while3A_137 = %while3A_26 to %while3A_22 step %while3A_28  : i32 {
      %mul3A_138 = arith.constant 10240 : i32
      %mul3A_139 = arith.muli %add3A, %mul3A_138 : i32
      %add3A_140 = arith.constant 10000 : i32
      %add3A_141 = arith.addi %mul3A_139, %add3A_140 : i32
      %mul3A_142 = arith.constant 120 : i32
      %mul3A_143 = arith.muli %while3A_137, %mul3A_142 : i32
      %add3A_144 = arith.addi %add3A_141, %mul3A_143 : i32
      "tpu.region"() ({
        %run_scoped3A = tpu.sem_alloc : memref<!tpu.dma_semaphore, #tpu.memory_space<semaphore_mem>>
        %dma_start3A = arith.constant 0 : i32
        %dma_start3A_145 = tpu.memref_slice %arg9[%add3A_144, %dma_start3A] : memref<30720x128xf32, #tpu.memory_space<hbm>> -> memref<120x128xf32, #tpu.memory_space<hbm>>
        %dma_start3A_146 = arith.constant 0 : i32
        %dma_start3A_147 = tpu.memref_slice %arg9[%add3A_144, %dma_start3A_146] : memref<30720x128xf32, #tpu.memory_space<hbm>> -> memref<120x128xf32, #tpu.memory_space<hbm>>
        tpu.enqueue_dma source(%arg14 : memref<120x128xf32, #tpu.memory_space<vmem>>) target(%dma_start3A_147 : memref<120x128xf32, #tpu.memory_space<hbm>>) target_semaphore(%run_scoped3A : memref<!tpu.dma_semaphore, #tpu.memory_space<semaphore_mem>>)
        %dma_wait3A = arith.constant 0 : i32
        %dma_wait3A_148 = tpu.memref_slice %arg9[%add3A_144, %dma_wait3A] : memref<30720x128xf32, #tpu.memory_space<hbm>> -> memref<120x128xf32, #tpu.memory_space<hbm>>
        %dma_wait3A_149 = arith.constant 0 : i32
        %dma_wait3A_150 = tpu.memref_slice %arg9[%add3A_144, %dma_wait3A_149] : memref<30720x128xf32, #tpu.memory_space<hbm>> -> memref<120x128xf32, #tpu.memory_space<hbm>>
        tpu.wait_dma2 semaphore(%run_scoped3A : memref<!tpu.dma_semaphore, #tpu.memory_space<semaphore_mem>>) src(%arg14 : memref<120x128xf32, #tpu.memory_space<vmem>>) dst(%dma_wait3A_150 : memref<120x128xf32, #tpu.memory_space<hbm>>)
        tpu.yield
      }) : () -> ()
    }
    %sub3A = arith.constant 124 : i32
    %sub3A_29 = arith.subi %sub3A, %add3A : i32
    %jit3A_30 = arith.constant 32 : i32
    %div3A = arith.divsi %sub3A_29, %jit3A_30 : i32
    %sign3A = arith.constant 0 : i32
    %sign3A_31 = arith.cmpi sgt, %sub3A_29, %sign3A : i32
    %sign3A_32 = arith.extui %sign3A_31 : i1 to i32
    %sign3A_33 = arith.constant 0 : i32
    %sign3A_34 = arith.cmpi slt, %sub3A_29, %sign3A_33 : i32
    %sign3A_35 = arith.extui %sign3A_34 : i1 to i32
    %sign3A_36 = arith.subi %sign3A_32, %sign3A_35 : i32
    %sign3A_37 = arith.constant 0 : i32
    %sign3A_38 = arith.cmpi sgt, %jit3A_30, %sign3A_37 : i32
    %sign3A_39 = arith.extui %sign3A_38 : i1 to i32
    %sign3A_40 = arith.constant 0 : i32
    %sign3A_41 = arith.cmpi slt, %jit3A_30, %sign3A_40 : i32
    %sign3A_42 = arith.extui %sign3A_41 : i1 to i32
    %sign3A_43 = arith.subi %sign3A_39, %sign3A_42 : i32
    %ne3A = arith.cmpi ne, %sign3A_36, %sign3A_43 : i32
    %rem3A = arith.remsi %sub3A_29, %jit3A_30 : i32
    %ne3A_44 = arith.constant 0 : i32
    %ne3A_45 = arith.cmpi ne, %rem3A, %ne3A_44 : i32
    %and3A = arith.andi %ne3A, %ne3A_45 : i1
    %sub3A_46 = arith.constant 1 : i32
    %sub3A_47 = arith.subi %div3A, %sub3A_46 : i32
    %select_n3A_48 = arith.select %and3A, %sub3A_47, %div3A : i32
    %add3A_49 = arith.constant 1 : i32
    %add3A_50 = arith.addi %select_n3A_48, %add3A_49 : i32
    %while3A_51 = arith.constant 0 : i32
    %while3A_52 = arith.constant 0 : i32
    %while3A_53 = arith.subi %add3A_50, %while3A_52 : i32
    %while3A_54 = arith.addi %while3A_52, %while3A_53 : i32
    %while3A_55 = arith.constant 1 : i32
    %while3A_56 = arith.divsi %while3A_53, %while3A_55 : i32
    %while3A_57 = arith.muli %while3A_56, %while3A_55 : i32
    %while3A_58 = arith.addi %while3A_52, %while3A_57 : i32
    %while3A_59 = arith.constant 1 : i32
    scf.for %while3A_137 = %while3A_52 to %while3A_58 step %while3A_59  : i32 {
      %mul3A_138 = arith.constant 32 : i32
      %mul3A_139 = arith.muli %while3A_137, %mul3A_138 : i32
      %add3A_140 = arith.addi %mul3A_139, %add3A : i32
      %mul3A_141 = arith.constant 80 : i32
      %mul3A_142 = arith.muli %add3A_140, %mul3A_141 : i32
      %add3A_143 = arith.constant 0 : i32
      %add3A_144 = arith.addi %add3A_143, %mul3A_142 : i32
      "tpu.region"() ({
        %run_scoped3A = tpu.sem_alloc : memref<!tpu.dma_semaphore, #tpu.memory_space<semaphore_mem>>
        %dma_start3A_153 = tpu.memref_slice %arg3[%add3A_144] : memref<30000xi32, #tpu.memory_space<hbm>> -> memref<80xi32, #tpu.memory_space<hbm>>
        %dma_start3A_154 = tpu.memref_slice %arg3[%add3A_144] : memref<30000xi32, #tpu.memory_space<hbm>> -> memref<80xi32, #tpu.memory_space<hbm>>
        tpu.enqueue_dma source(%dma_start3A_154 : memref<80xi32, #tpu.memory_space<hbm>>) target(%arg11 : memref<80xi32, #tpu.memory_space<vmem>>) target_semaphore(%run_scoped3A : memref<!tpu.dma_semaphore, #tpu.memory_space<semaphore_mem>>)
        %dma_wait3A_155 = tpu.memref_slice %arg3[%add3A_144] : memref<30000xi32, #tpu.memory_space<hbm>> -> memref<80xi32, #tpu.memory_space<hbm>>
        %dma_wait3A_156 = tpu.memref_slice %arg3[%add3A_144] : memref<30000xi32, #tpu.memory_space<hbm>> -> memref<80xi32, #tpu.memory_space<hbm>>
        tpu.wait_dma2 semaphore(%run_scoped3A : memref<!tpu.dma_semaphore, #tpu.memory_space<semaphore_mem>>) src(%dma_wait3A_156 : memref<80xi32, #tpu.memory_space<hbm>>) dst(%arg11 : memref<80xi32, #tpu.memory_space<vmem>>)
        tpu.yield
      }) : () -> ()
      %dma_start3A = arith.constant 0 : i32
      %dma_start3A_145 = arith.constant 0 : i32
      %dma_start3A_146 = tpu.memref_slice %arg4[%dma_start3A, %dma_start3A_145] : memref<10000x128xf32, #tpu.memory_space<hbm>> -> memref<10000x128xf32, #tpu.memory_space<hbm>>
      tpu.enqueue_indirect_dma source(%dma_start3A_146 : memref<10000x128xf32, #tpu.memory_space<hbm>>) target(%arg15 : memref<80x128xf32, #tpu.memory_space<vmem>>) offsets(%arg11 : memref<80xi32, #tpu.memory_space<vmem>>) semaphore(%arg17 : memref<!tpu.dma_semaphore, #tpu.memory_space<semaphore_mem>>)
      %dma_wait3A = arith.constant 0 : i32
      %dma_wait3A_147 = arith.constant 0 : i32
      %dma_wait3A_148 = tpu.memref_slice %arg4[%dma_wait3A, %dma_wait3A_147] : memref<10000x128xf32, #tpu.memory_space<hbm>> -> memref<10000x128xf32, #tpu.memory_space<hbm>>
      tpu.wait_indirect_dma semaphore(%arg17 : memref<!tpu.dma_semaphore, #tpu.memory_space<semaphore_mem>>) src(%dma_wait3A_148 : memref<10000x128xf32, #tpu.memory_space<hbm>>) dst(%arg15 : memref<80x128xf32, #tpu.memory_space<vmem>>)
      %mul3A_149 = arith.constant 80 : i32
      %mul3A_150 = arith.muli %add3A_140, %mul3A_149 : i32
      %add3A_151 = arith.constant 0 : i32
      %add3A_152 = arith.addi %add3A_151, %mul3A_150 : i32
      "tpu.region"() ({
        %run_scoped3A = tpu.sem_alloc : memref<!tpu.dma_semaphore, #tpu.memory_space<semaphore_mem>>
        %dma_start3A_153 = arith.constant 0 : i32
        %dma_start3A_154 = tpu.memref_slice %arg9[%add3A_152, %dma_start3A_153] : memref<30720x128xf32, #tpu.memory_space<hbm>> -> memref<80x128xf32, #tpu.memory_space<hbm>>
        %dma_start3A_155 = arith.constant 0 : i32
        %dma_start3A_156 = tpu.memref_slice %arg9[%add3A_152, %dma_start3A_155] : memref<30720x128xf32, #tpu.memory_space<hbm>> -> memref<80x128xf32, #tpu.memory_space<hbm>>
        tpu.enqueue_dma source(%arg15 : memref<80x128xf32, #tpu.memory_space<vmem>>) target(%dma_start3A_156 : memref<80x128xf32, #tpu.memory_space<hbm>>) target_semaphore(%run_scoped3A : memref<!tpu.dma_semaphore, #tpu.memory_space<semaphore_mem>>)
        %dma_wait3A_157 = arith.constant 0 : i32
        %dma_wait3A_158 = tpu.memref_slice %arg9[%add3A_152, %dma_wait3A_157] : memref<30720x128xf32, #tpu.memory_space<hbm>> -> memref<80x128xf32, #tpu.memory_space<hbm>>
        %dma_wait3A_159 = arith.constant 0 : i32
        %dma_wait3A_160 = tpu.memref_slice %arg9[%add3A_152, %dma_wait3A_159] : memref<30720x128xf32, #tpu.memory_space<hbm>> -> memref<80x128xf32, #tpu.memory_space<hbm>>
        tpu.wait_dma2 semaphore(%run_scoped3A : memref<!tpu.dma_semaphore, #tpu.memory_space<semaphore_mem>>) src(%arg15 : memref<80x128xf32, #tpu.memory_space<vmem>>) dst(%dma_wait3A_160 : memref<80x128xf32, #tpu.memory_space<hbm>>)
        tpu.yield
      }) : () -> ()
    }
    %while3A_60 = arith.constant 1 : i32
    scf.for %while3A_137 = %while3A_58 to %while3A_54 step %while3A_60  : i32 {
      %mul3A_138 = arith.constant 32 : i32
      %mul3A_139 = arith.muli %while3A_137, %mul3A_138 : i32
      %add3A_140 = arith.addi %mul3A_139, %add3A : i32
      %mul3A_141 = arith.constant 80 : i32
      %mul3A_142 = arith.muli %add3A_140, %mul3A_141 : i32
      %add3A_143 = arith.constant 0 : i32
      %add3A_144 = arith.addi %add3A_143, %mul3A_142 : i32
      "tpu.region"() ({
        %run_scoped3A = tpu.sem_alloc : memref<!tpu.dma_semaphore, #tpu.memory_space<semaphore_mem>>
        %dma_start3A_153 = tpu.memref_slice %arg3[%add3A_144] : memref<30000xi32, #tpu.memory_space<hbm>> -> memref<80xi32, #tpu.memory_space<hbm>>
        %dma_start3A_154 = tpu.memref_slice %arg3[%add3A_144] : memref<30000xi32, #tpu.memory_space<hbm>> -> memref<80xi32, #tpu.memory_space<hbm>>
        tpu.enqueue_dma source(%dma_start3A_154 : memref<80xi32, #tpu.memory_space<hbm>>) target(%arg11 : memref<80xi32, #tpu.memory_space<vmem>>) target_semaphore(%run_scoped3A : memref<!tpu.dma_semaphore, #tpu.memory_space<semaphore_mem>>)
        %dma_wait3A_155 = tpu.memref_slice %arg3[%add3A_144] : memref<30000xi32, #tpu.memory_space<hbm>> -> memref<80xi32, #tpu.memory_space<hbm>>
        %dma_wait3A_156 = tpu.memref_slice %arg3[%add3A_144] : memref<30000xi32, #tpu.memory_space<hbm>> -> memref<80xi32, #tpu.memory_space<hbm>>
        tpu.wait_dma2 semaphore(%run_scoped3A : memref<!tpu.dma_semaphore, #tpu.memory_space<semaphore_mem>>) src(%dma_wait3A_156 : memref<80xi32, #tpu.memory_space<hbm>>) dst(%arg11 : memref<80xi32, #tpu.memory_space<vmem>>)
        tpu.yield
      }) : () -> ()
      %dma_start3A = arith.constant 0 : i32
      %dma_start3A_145 = arith.constant 0 : i32
      %dma_start3A_146 = tpu.memref_slice %arg4[%dma_start3A, %dma_start3A_145] : memref<10000x128xf32, #tpu.memory_space<hbm>> -> memref<10000x128xf32, #tpu.memory_space<hbm>>
      tpu.enqueue_indirect_dma source(%dma_start3A_146 : memref<10000x128xf32, #tpu.memory_space<hbm>>) target(%arg15 : memref<80x128xf32, #tpu.memory_space<vmem>>) offsets(%arg11 : memref<80xi32, #tpu.memory_space<vmem>>) semaphore(%arg17 : memref<!tpu.dma_semaphore, #tpu.memory_space<semaphore_mem>>)
      %dma_wait3A = arith.constant 0 : i32
      %dma_wait3A_147 = arith.constant 0 : i32
      %dma_wait3A_148 = tpu.memref_slice %arg4[%dma_wait3A, %dma_wait3A_147] : memref<10000x128xf32, #tpu.memory_space<hbm>> -> memref<10000x128xf32, #tpu.memory_space<hbm>>
      tpu.wait_indirect_dma semaphore(%arg17 : memref<!tpu.dma_semaphore, #tpu.memory_space<semaphore_mem>>) src(%dma_wait3A_148 : memref<10000x128xf32, #tpu.memory_space<hbm>>) dst(%arg15 : memref<80x128xf32, #tpu.memory_space<vmem>>)
      %mul3A_149 = arith.constant 80 : i32
      %mul3A_150 = arith.muli %add3A_140, %mul3A_149 : i32
      %add3A_151 = arith.constant 0 : i32
      %add3A_152 = arith.addi %add3A_151, %mul3A_150 : i32
      "tpu.region"() ({
        %run_scoped3A = tpu.sem_alloc : memref<!tpu.dma_semaphore, #tpu.memory_space<semaphore_mem>>
        %dma_start3A_153 = arith.constant 0 : i32
        %dma_start3A_154 = tpu.memref_slice %arg9[%add3A_152, %dma_start3A_153] : memref<30720x128xf32, #tpu.memory_space<hbm>> -> memref<80x128xf32, #tpu.memory_space<hbm>>
        %dma_start3A_155 = arith.constant 0 : i32
        %dma_start3A_156 = tpu.memref_slice %arg9[%add3A_152, %dma_start3A_155] : memref<30720x128xf32, #tpu.memory_space<hbm>> -> memref<80x128xf32, #tpu.memory_space<hbm>>
        tpu.enqueue_dma source(%arg15 : memref<80x128xf32, #tpu.memory_space<vmem>>) target(%dma_start3A_156 : memref<80x128xf32, #tpu.memory_space<hbm>>) target_semaphore(%run_scoped3A : memref<!tpu.dma_semaphore, #tpu.memory_space<semaphore_mem>>)
        %dma_wait3A_157 = arith.constant 0 : i32
        %dma_wait3A_158 = tpu.memref_slice %arg9[%add3A_152, %dma_wait3A_157] : memref<30720x128xf32, #tpu.memory_space<hbm>> -> memref<80x128xf32, #tpu.memory_space<hbm>>
        %dma_wait3A_159 = arith.constant 0 : i32
        %dma_wait3A_160 = tpu.memref_slice %arg9[%add3A_152, %dma_wait3A_159] : memref<30720x128xf32, #tpu.memory_space<hbm>> -> memref<80x128xf32, #tpu.memory_space<hbm>>
        tpu.wait_dma2 semaphore(%run_scoped3A : memref<!tpu.dma_semaphore, #tpu.memory_space<semaphore_mem>>) src(%arg15 : memref<80x128xf32, #tpu.memory_space<vmem>>) dst(%dma_wait3A_160 : memref<80x128xf32, #tpu.memory_space<hbm>>)
        tpu.yield
      }) : () -> ()
    }
    %sub3A_61 = arith.constant 124 : i32
    %sub3A_62 = arith.subi %sub3A_61, %add3A : i32
    %jit3A_63 = arith.constant 32 : i32
    %div3A_64 = arith.divsi %sub3A_62, %jit3A_63 : i32
    %sign3A_65 = arith.constant 0 : i32
    %sign3A_66 = arith.cmpi sgt, %sub3A_62, %sign3A_65 : i32
    %sign3A_67 = arith.extui %sign3A_66 : i1 to i32
    %sign3A_68 = arith.constant 0 : i32
    %sign3A_69 = arith.cmpi slt, %sub3A_62, %sign3A_68 : i32
    %sign3A_70 = arith.extui %sign3A_69 : i1 to i32
    %sign3A_71 = arith.subi %sign3A_67, %sign3A_70 : i32
    %sign3A_72 = arith.constant 0 : i32
    %sign3A_73 = arith.cmpi sgt, %jit3A_63, %sign3A_72 : i32
    %sign3A_74 = arith.extui %sign3A_73 : i1 to i32
    %sign3A_75 = arith.constant 0 : i32
    %sign3A_76 = arith.cmpi slt, %jit3A_63, %sign3A_75 : i32
    %sign3A_77 = arith.extui %sign3A_76 : i1 to i32
    %sign3A_78 = arith.subi %sign3A_74, %sign3A_77 : i32
    %ne3A_79 = arith.cmpi ne, %sign3A_71, %sign3A_78 : i32
    %rem3A_80 = arith.remsi %sub3A_62, %jit3A_63 : i32
    %ne3A_81 = arith.constant 0 : i32
    %ne3A_82 = arith.cmpi ne, %rem3A_80, %ne3A_81 : i32
    %and3A_83 = arith.andi %ne3A_79, %ne3A_82 : i1
    %sub3A_84 = arith.constant 1 : i32
    %sub3A_85 = arith.subi %div3A_64, %sub3A_84 : i32
    %select_n3A_86 = arith.select %and3A_83, %sub3A_85, %div3A_64 : i32
    %add3A_87 = arith.constant 1 : i32
    %add3A_88 = arith.addi %select_n3A_86, %add3A_87 : i32
    %while3A_89 = arith.constant 0 : i32
    %while3A_90 = arith.constant 0 : i32
    %while3A_91 = arith.subi %add3A_88, %while3A_90 : i32
    %while3A_92 = arith.addi %while3A_90, %while3A_91 : i32
    %while3A_93 = arith.constant 1 : i32
    %while3A_94 = arith.divsi %while3A_91, %while3A_93 : i32
    %while3A_95 = arith.muli %while3A_94, %while3A_93 : i32
    %while3A_96 = arith.addi %while3A_90, %while3A_95 : i32
    %while3A_97 = arith.constant 1 : i32
    scf.for %while3A_137 = %while3A_90 to %while3A_96 step %while3A_97  : i32 {
      %mul3A_138 = arith.constant 32 : i32
      %mul3A_139 = arith.muli %while3A_137, %mul3A_138 : i32
      %add3A_140 = arith.addi %mul3A_139, %add3A : i32
      %mul3A_141 = arith.constant 80 : i32
      %mul3A_142 = arith.muli %add3A_140, %mul3A_141 : i32
      %add3A_143 = arith.constant 10000 : i32
      %add3A_144 = arith.addi %add3A_143, %mul3A_142 : i32
      "tpu.region"() ({
        %run_scoped3A = tpu.sem_alloc : memref<!tpu.dma_semaphore, #tpu.memory_space<semaphore_mem>>
        %dma_start3A_153 = tpu.memref_slice %arg3[%add3A_144] : memref<30000xi32, #tpu.memory_space<hbm>> -> memref<80xi32, #tpu.memory_space<hbm>>
        %dma_start3A_154 = tpu.memref_slice %arg3[%add3A_144] : memref<30000xi32, #tpu.memory_space<hbm>> -> memref<80xi32, #tpu.memory_space<hbm>>
        tpu.enqueue_dma source(%dma_start3A_154 : memref<80xi32, #tpu.memory_space<hbm>>) target(%arg11 : memref<80xi32, #tpu.memory_space<vmem>>) target_semaphore(%run_scoped3A : memref<!tpu.dma_semaphore, #tpu.memory_space<semaphore_mem>>)
        %dma_wait3A_155 = tpu.memref_slice %arg3[%add3A_144] : memref<30000xi32, #tpu.memory_space<hbm>> -> memref<80xi32, #tpu.memory_space<hbm>>
        %dma_wait3A_156 = tpu.memref_slice %arg3[%add3A_144] : memref<30000xi32, #tpu.memory_space<hbm>> -> memref<80xi32, #tpu.memory_space<hbm>>
        tpu.wait_dma2 semaphore(%run_scoped3A : memref<!tpu.dma_semaphore, #tpu.memory_space<semaphore_mem>>) src(%dma_wait3A_156 : memref<80xi32, #tpu.memory_space<hbm>>) dst(%arg11 : memref<80xi32, #tpu.memory_space<vmem>>)
        tpu.yield
      }) : () -> ()
      %dma_start3A = arith.constant 0 : i32
      %dma_start3A_145 = arith.constant 0 : i32
      %dma_start3A_146 = tpu.memref_slice %arg4[%dma_start3A, %dma_start3A_145] : memref<10000x128xf32, #tpu.memory_space<hbm>> -> memref<10000x128xf32, #tpu.memory_space<hbm>>
      tpu.enqueue_indirect_dma source(%dma_start3A_146 : memref<10000x128xf32, #tpu.memory_space<hbm>>) target(%arg15 : memref<80x128xf32, #tpu.memory_space<vmem>>) offsets(%arg11 : memref<80xi32, #tpu.memory_space<vmem>>) semaphore(%arg17 : memref<!tpu.dma_semaphore, #tpu.memory_space<semaphore_mem>>)
      %dma_wait3A = arith.constant 0 : i32
      %dma_wait3A_147 = arith.constant 0 : i32
      %dma_wait3A_148 = tpu.memref_slice %arg4[%dma_wait3A, %dma_wait3A_147] : memref<10000x128xf32, #tpu.memory_space<hbm>> -> memref<10000x128xf32, #tpu.memory_space<hbm>>
      tpu.wait_indirect_dma semaphore(%arg17 : memref<!tpu.dma_semaphore, #tpu.memory_space<semaphore_mem>>) src(%dma_wait3A_148 : memref<10000x128xf32, #tpu.memory_space<hbm>>) dst(%arg15 : memref<80x128xf32, #tpu.memory_space<vmem>>)
      %mul3A_149 = arith.constant 80 : i32
      %mul3A_150 = arith.muli %add3A_140, %mul3A_149 : i32
      %add3A_151 = arith.constant 10240 : i32
      %add3A_152 = arith.addi %add3A_151, %mul3A_150 : i32
      "tpu.region"() ({
        %run_scoped3A = tpu.sem_alloc : memref<!tpu.dma_semaphore, #tpu.memory_space<semaphore_mem>>
        %dma_start3A_153 = arith.constant 0 : i32
        %dma_start3A_154 = tpu.memref_slice %arg9[%add3A_152, %dma_start3A_153] : memref<30720x128xf32, #tpu.memory_space<hbm>> -> memref<80x128xf32, #tpu.memory_space<hbm>>
        %dma_start3A_155 = arith.constant 0 : i32
        %dma_start3A_156 = tpu.memref_slice %arg9[%add3A_152, %dma_start3A_155] : memref<30720x128xf32, #tpu.memory_space<hbm>> -> memref<80x128xf32, #tpu.memory_space<hbm>>
        tpu.enqueue_dma source(%arg15 : memref<80x128xf32, #tpu.memory_space<vmem>>) target(%dma_start3A_156 : memref<80x128xf32, #tpu.memory_space<hbm>>) target_semaphore(%run_scoped3A : memref<!tpu.dma_semaphore, #tpu.memory_space<semaphore_mem>>)
        %dma_wait3A_157 = arith.constant 0 : i32
        %dma_wait3A_158 = tpu.memref_slice %arg9[%add3A_152, %dma_wait3A_157] : memref<30720x128xf32, #tpu.memory_space<hbm>> -> memref<80x128xf32, #tpu.memory_space<hbm>>
        %dma_wait3A_159 = arith.constant 0 : i32
        %dma_wait3A_160 = tpu.memref_slice %arg9[%add3A_152, %dma_wait3A_159] : memref<30720x128xf32, #tpu.memory_space<hbm>> -> memref<80x128xf32, #tpu.memory_space<hbm>>
        tpu.wait_dma2 semaphore(%run_scoped3A : memref<!tpu.dma_semaphore, #tpu.memory_space<semaphore_mem>>) src(%arg15 : memref<80x128xf32, #tpu.memory_space<vmem>>) dst(%dma_wait3A_160 : memref<80x128xf32, #tpu.memory_space<hbm>>)
        tpu.yield
      }) : () -> ()
    }
    %while3A_98 = arith.constant 1 : i32
    scf.for %while3A_137 = %while3A_96 to %while3A_92 step %while3A_98  : i32 {
      %mul3A_138 = arith.constant 32 : i32
      %mul3A_139 = arith.muli %while3A_137, %mul3A_138 : i32
      %add3A_140 = arith.addi %mul3A_139, %add3A : i32
      %mul3A_141 = arith.constant 80 : i32
      %mul3A_142 = arith.muli %add3A_140, %mul3A_141 : i32
      %add3A_143 = arith.constant 10000 : i32
      %add3A_144 = arith.addi %add3A_143, %mul3A_142 : i32
      "tpu.region"() ({
        %run_scoped3A = tpu.sem_alloc : memref<!tpu.dma_semaphore, #tpu.memory_space<semaphore_mem>>
        %dma_start3A_153 = tpu.memref_slice %arg3[%add3A_144] : memref<30000xi32, #tpu.memory_space<hbm>> -> memref<80xi32, #tpu.memory_space<hbm>>
        %dma_start3A_154 = tpu.memref_slice %arg3[%add3A_144] : memref<30000xi32, #tpu.memory_space<hbm>> -> memref<80xi32, #tpu.memory_space<hbm>>
        tpu.enqueue_dma source(%dma_start3A_154 : memref<80xi32, #tpu.memory_space<hbm>>) target(%arg11 : memref<80xi32, #tpu.memory_space<vmem>>) target_semaphore(%run_scoped3A : memref<!tpu.dma_semaphore, #tpu.memory_space<semaphore_mem>>)
        %dma_wait3A_155 = tpu.memref_slice %arg3[%add3A_144] : memref<30000xi32, #tpu.memory_space<hbm>> -> memref<80xi32, #tpu.memory_space<hbm>>
        %dma_wait3A_156 = tpu.memref_slice %arg3[%add3A_144] : memref<30000xi32, #tpu.memory_space<hbm>> -> memref<80xi32, #tpu.memory_space<hbm>>
        tpu.wait_dma2 semaphore(%run_scoped3A : memref<!tpu.dma_semaphore, #tpu.memory_space<semaphore_mem>>) src(%dma_wait3A_156 : memref<80xi32, #tpu.memory_space<hbm>>) dst(%arg11 : memref<80xi32, #tpu.memory_space<vmem>>)
        tpu.yield
      }) : () -> ()
      %dma_start3A = arith.constant 0 : i32
      %dma_start3A_145 = arith.constant 0 : i32
      %dma_start3A_146 = tpu.memref_slice %arg4[%dma_start3A, %dma_start3A_145] : memref<10000x128xf32, #tpu.memory_space<hbm>> -> memref<10000x128xf32, #tpu.memory_space<hbm>>
      tpu.enqueue_indirect_dma source(%dma_start3A_146 : memref<10000x128xf32, #tpu.memory_space<hbm>>) target(%arg15 : memref<80x128xf32, #tpu.memory_space<vmem>>) offsets(%arg11 : memref<80xi32, #tpu.memory_space<vmem>>) semaphore(%arg17 : memref<!tpu.dma_semaphore, #tpu.memory_space<semaphore_mem>>)
      %dma_wait3A = arith.constant 0 : i32
      %dma_wait3A_147 = arith.constant 0 : i32
      %dma_wait3A_148 = tpu.memref_slice %arg4[%dma_wait3A, %dma_wait3A_147] : memref<10000x128xf32, #tpu.memory_space<hbm>> -> memref<10000x128xf32, #tpu.memory_space<hbm>>
      tpu.wait_indirect_dma semaphore(%arg17 : memref<!tpu.dma_semaphore, #tpu.memory_space<semaphore_mem>>) src(%dma_wait3A_148 : memref<10000x128xf32, #tpu.memory_space<hbm>>) dst(%arg15 : memref<80x128xf32, #tpu.memory_space<vmem>>)
      %mul3A_149 = arith.constant 80 : i32
      %mul3A_150 = arith.muli %add3A_140, %mul3A_149 : i32
      %add3A_151 = arith.constant 10240 : i32
      %add3A_152 = arith.addi %add3A_151, %mul3A_150 : i32
      "tpu.region"() ({
        %run_scoped3A = tpu.sem_alloc : memref<!tpu.dma_semaphore, #tpu.memory_space<semaphore_mem>>
        %dma_start3A_153 = arith.constant 0 : i32
        %dma_start3A_154 = tpu.memref_slice %arg9[%add3A_152, %dma_start3A_153] : memref<30720x128xf32, #tpu.memory_space<hbm>> -> memref<80x128xf32, #tpu.memory_space<hbm>>
        %dma_start3A_155 = arith.constant 0 : i32
        %dma_start3A_156 = tpu.memref_slice %arg9[%add3A_152, %dma_start3A_155] : memref<30720x128xf32, #tpu.memory_space<hbm>> -> memref<80x128xf32, #tpu.memory_space<hbm>>
        tpu.enqueue_dma source(%arg15 : memref<80x128xf32, #tpu.memory_space<vmem>>) target(%dma_start3A_156 : memref<80x128xf32, #tpu.memory_space<hbm>>) target_semaphore(%run_scoped3A : memref<!tpu.dma_semaphore, #tpu.memory_space<semaphore_mem>>)
        %dma_wait3A_157 = arith.constant 0 : i32
        %dma_wait3A_158 = tpu.memref_slice %arg9[%add3A_152, %dma_wait3A_157] : memref<30720x128xf32, #tpu.memory_space<hbm>> -> memref<80x128xf32, #tpu.memory_space<hbm>>
        %dma_wait3A_159 = arith.constant 0 : i32
        %dma_wait3A_160 = tpu.memref_slice %arg9[%add3A_152, %dma_wait3A_159] : memref<30720x128xf32, #tpu.memory_space<hbm>> -> memref<80x128xf32, #tpu.memory_space<hbm>>
        tpu.wait_dma2 semaphore(%run_scoped3A : memref<!tpu.dma_semaphore, #tpu.memory_space<semaphore_mem>>) src(%arg15 : memref<80x128xf32, #tpu.memory_space<vmem>>) dst(%dma_wait3A_160 : memref<80x128xf32, #tpu.memory_space<hbm>>)
        tpu.yield
      }) : () -> ()
    }
    %sub3A_99 = arith.constant 124 : i32
    %sub3A_100 = arith.subi %sub3A_99, %add3A : i32
    %jit3A_101 = arith.constant 32 : i32
    %div3A_102 = arith.divsi %sub3A_100, %jit3A_101 : i32
    %sign3A_103 = arith.constant 0 : i32
    %sign3A_104 = arith.cmpi sgt, %sub3A_100, %sign3A_103 : i32
    %sign3A_105 = arith.extui %sign3A_104 : i1 to i32
    %sign3A_106 = arith.constant 0 : i32
    %sign3A_107 = arith.cmpi slt, %sub3A_100, %sign3A_106 : i32
    %sign3A_108 = arith.extui %sign3A_107 : i1 to i32
    %sign3A_109 = arith.subi %sign3A_105, %sign3A_108 : i32
    %sign3A_110 = arith.constant 0 : i32
    %sign3A_111 = arith.cmpi sgt, %jit3A_101, %sign3A_110 : i32
    %sign3A_112 = arith.extui %sign3A_111 : i1 to i32
    %sign3A_113 = arith.constant 0 : i32
    %sign3A_114 = arith.cmpi slt, %jit3A_101, %sign3A_113 : i32
    %sign3A_115 = arith.extui %sign3A_114 : i1 to i32
    %sign3A_116 = arith.subi %sign3A_112, %sign3A_115 : i32
    %ne3A_117 = arith.cmpi ne, %sign3A_109, %sign3A_116 : i32
    %rem3A_118 = arith.remsi %sub3A_100, %jit3A_101 : i32
    %ne3A_119 = arith.constant 0 : i32
    %ne3A_120 = arith.cmpi ne, %rem3A_118, %ne3A_119 : i32
    %and3A_121 = arith.andi %ne3A_117, %ne3A_120 : i1
    %sub3A_122 = arith.constant 1 : i32
    %sub3A_123 = arith.subi %div3A_102, %sub3A_122 : i32
    %select_n3A_124 = arith.select %and3A_121, %sub3A_123, %div3A_102 : i32
    %add3A_125 = arith.constant 1 : i32
    %add3A_126 = arith.addi %select_n3A_124, %add3A_125 : i32
    %while3A_127 = arith.constant 0 : i32
    %while3A_128 = arith.constant 0 : i32
    %while3A_129 = arith.subi %add3A_126, %while3A_128 : i32
    %while3A_130 = arith.addi %while3A_128, %while3A_129 : i32
    %while3A_131 = arith.constant 1 : i32
    %while3A_132 = arith.divsi %while3A_129, %while3A_131 : i32
    %while3A_133 = arith.muli %while3A_132, %while3A_131 : i32
    %while3A_134 = arith.addi %while3A_128, %while3A_133 : i32
    %while3A_135 = arith.constant 1 : i32
    scf.for %while3A_137 = %while3A_128 to %while3A_134 step %while3A_135  : i32 {
      %mul3A_138 = arith.constant 32 : i32
      %mul3A_139 = arith.muli %while3A_137, %mul3A_138 : i32
      %add3A_140 = arith.addi %mul3A_139, %add3A : i32
      %mul3A_141 = arith.constant 80 : i32
      %mul3A_142 = arith.muli %add3A_140, %mul3A_141 : i32
      %add3A_143 = arith.constant 20000 : i32
      %add3A_144 = arith.addi %add3A_143, %mul3A_142 : i32
      "tpu.region"() ({
        %run_scoped3A = tpu.sem_alloc : memref<!tpu.dma_semaphore, #tpu.memory_space<semaphore_mem>>
        %dma_start3A_153 = tpu.memref_slice %arg3[%add3A_144] : memref<30000xi32, #tpu.memory_space<hbm>> -> memref<80xi32, #tpu.memory_space<hbm>>
        %dma_start3A_154 = tpu.memref_slice %arg3[%add3A_144] : memref<30000xi32, #tpu.memory_space<hbm>> -> memref<80xi32, #tpu.memory_space<hbm>>
        tpu.enqueue_dma source(%dma_start3A_154 : memref<80xi32, #tpu.memory_space<hbm>>) target(%arg11 : memref<80xi32, #tpu.memory_space<vmem>>) target_semaphore(%run_scoped3A : memref<!tpu.dma_semaphore, #tpu.memory_space<semaphore_mem>>)
        %dma_wait3A_155 = tpu.memref_slice %arg3[%add3A_144] : memref<30000xi32, #tpu.memory_space<hbm>> -> memref<80xi32, #tpu.memory_space<hbm>>
        %dma_wait3A_156 = tpu.memref_slice %arg3[%add3A_144] : memref<30000xi32, #tpu.memory_space<hbm>> -> memref<80xi32, #tpu.memory_space<hbm>>
        tpu.wait_dma2 semaphore(%run_scoped3A : memref<!tpu.dma_semaphore, #tpu.memory_space<semaphore_mem>>) src(%dma_wait3A_156 : memref<80xi32, #tpu.memory_space<hbm>>) dst(%arg11 : memref<80xi32, #tpu.memory_space<vmem>>)
        tpu.yield
      }) : () -> ()
      %dma_start3A = arith.constant 0 : i32
      %dma_start3A_145 = arith.constant 0 : i32
      %dma_start3A_146 = tpu.memref_slice %arg4[%dma_start3A, %dma_start3A_145] : memref<10000x128xf32, #tpu.memory_space<hbm>> -> memref<10000x128xf32, #tpu.memory_space<hbm>>
      tpu.enqueue_indirect_dma source(%dma_start3A_146 : memref<10000x128xf32, #tpu.memory_space<hbm>>) target(%arg15 : memref<80x128xf32, #tpu.memory_space<vmem>>) offsets(%arg11 : memref<80xi32, #tpu.memory_space<vmem>>) semaphore(%arg17 : memref<!tpu.dma_semaphore, #tpu.memory_space<semaphore_mem>>)
      %dma_wait3A = arith.constant 0 : i32
      %dma_wait3A_147 = arith.constant 0 : i32
      %dma_wait3A_148 = tpu.memref_slice %arg4[%dma_wait3A, %dma_wait3A_147] : memref<10000x128xf32, #tpu.memory_space<hbm>> -> memref<10000x128xf32, #tpu.memory_space<hbm>>
      tpu.wait_indirect_dma semaphore(%arg17 : memref<!tpu.dma_semaphore, #tpu.memory_space<semaphore_mem>>) src(%dma_wait3A_148 : memref<10000x128xf32, #tpu.memory_space<hbm>>) dst(%arg15 : memref<80x128xf32, #tpu.memory_space<vmem>>)
      %mul3A_149 = arith.constant 80 : i32
      %mul3A_150 = arith.muli %add3A_140, %mul3A_149 : i32
      %add3A_151 = arith.constant 20480 : i32
      %add3A_152 = arith.addi %add3A_151, %mul3A_150 : i32
      "tpu.region"() ({
        %run_scoped3A = tpu.sem_alloc : memref<!tpu.dma_semaphore, #tpu.memory_space<semaphore_mem>>
        %dma_start3A_153 = arith.constant 0 : i32
        %dma_start3A_154 = tpu.memref_slice %arg9[%add3A_152, %dma_start3A_153] : memref<30720x128xf32, #tpu.memory_space<hbm>> -> memref<80x128xf32, #tpu.memory_space<hbm>>
        %dma_start3A_155 = arith.constant 0 : i32
        %dma_start3A_156 = tpu.memref_slice %arg9[%add3A_152, %dma_start3A_155] : memref<30720x128xf32, #tpu.memory_space<hbm>> -> memref<80x128xf32, #tpu.memory_space<hbm>>
        tpu.enqueue_dma source(%arg15 : memref<80x128xf32, #tpu.memory_space<vmem>>) target(%dma_start3A_156 : memref<80x128xf32, #tpu.memory_space<hbm>>) target_semaphore(%run_scoped3A : memref<!tpu.dma_semaphore, #tpu.memory_space<semaphore_mem>>)
        %dma_wait3A_157 = arith.constant 0 : i32
        %dma_wait3A_158 = tpu.memref_slice %arg9[%add3A_152, %dma_wait3A_157] : memref<30720x128xf32, #tpu.memory_space<hbm>> -> memref<80x128xf32, #tpu.memory_space<hbm>>
        %dma_wait3A_159 = arith.constant 0 : i32
        %dma_wait3A_160 = tpu.memref_slice %arg9[%add3A_152, %dma_wait3A_159] : memref<30720x128xf32, #tpu.memory_space<hbm>> -> memref<80x128xf32, #tpu.memory_space<hbm>>
        tpu.wait_dma2 semaphore(%run_scoped3A : memref<!tpu.dma_semaphore, #tpu.memory_space<semaphore_mem>>) src(%arg15 : memref<80x128xf32, #tpu.memory_space<vmem>>) dst(%dma_wait3A_160 : memref<80x128xf32, #tpu.memory_space<hbm>>)
        tpu.yield
      }) : () -> ()
    }
    %while3A_136 = arith.constant 1 : i32
    scf.for %while3A_137 = %while3A_134 to %while3A_130 step %while3A_136  : i32 {
      %mul3A_138 = arith.constant 32 : i32
      %mul3A_139 = arith.muli %while3A_137, %mul3A_138 : i32
      %add3A_140 = arith.addi %mul3A_139, %add3A : i32
      %mul3A_141 = arith.constant 80 : i32
      %mul3A_142 = arith.muli %add3A_140, %mul3A_141 : i32
      %add3A_143 = arith.constant 20000 : i32
      %add3A_144 = arith.addi %add3A_143, %mul3A_142 : i32
      "tpu.region"() ({
        %run_scoped3A = tpu.sem_alloc : memref<!tpu.dma_semaphore, #tpu.memory_space<semaphore_mem>>
        %dma_start3A_153 = tpu.memref_slice %arg3[%add3A_144] : memref<30000xi32, #tpu.memory_space<hbm>> -> memref<80xi32, #tpu.memory_space<hbm>>
        %dma_start3A_154 = tpu.memref_slice %arg3[%add3A_144] : memref<30000xi32, #tpu.memory_space<hbm>> -> memref<80xi32, #tpu.memory_space<hbm>>
        tpu.enqueue_dma source(%dma_start3A_154 : memref<80xi32, #tpu.memory_space<hbm>>) target(%arg11 : memref<80xi32, #tpu.memory_space<vmem>>) target_semaphore(%run_scoped3A : memref<!tpu.dma_semaphore, #tpu.memory_space<semaphore_mem>>)
        %dma_wait3A_155 = tpu.memref_slice %arg3[%add3A_144] : memref<30000xi32, #tpu.memory_space<hbm>> -> memref<80xi32, #tpu.memory_space<hbm>>
        %dma_wait3A_156 = tpu.memref_slice %arg3[%add3A_144] : memref<30000xi32, #tpu.memory_space<hbm>> -> memref<80xi32, #tpu.memory_space<hbm>>
        tpu.wait_dma2 semaphore(%run_scoped3A : memref<!tpu.dma_semaphore, #tpu.memory_space<semaphore_mem>>) src(%dma_wait3A_156 : memref<80xi32, #tpu.memory_space<hbm>>) dst(%arg11 : memref<80xi32, #tpu.memory_space<vmem>>)
        tpu.yield
      }) : () -> ()
      %dma_start3A = arith.constant 0 : i32
      %dma_start3A_145 = arith.constant 0 : i32
      %dma_start3A_146 = tpu.memref_slice %arg4[%dma_start3A, %dma_start3A_145] : memref<10000x128xf32, #tpu.memory_space<hbm>> -> memref<10000x128xf32, #tpu.memory_space<hbm>>
      tpu.enqueue_indirect_dma source(%dma_start3A_146 : memref<10000x128xf32, #tpu.memory_space<hbm>>) target(%arg15 : memref<80x128xf32, #tpu.memory_space<vmem>>) offsets(%arg11 : memref<80xi32, #tpu.memory_space<vmem>>) semaphore(%arg17 : memref<!tpu.dma_semaphore, #tpu.memory_space<semaphore_mem>>)
      %dma_wait3A = arith.constant 0 : i32
      %dma_wait3A_147 = arith.constant 0 : i32
      %dma_wait3A_148 = tpu.memref_slice %arg4[%dma_wait3A, %dma_wait3A_147] : memref<10000x128xf32, #tpu.memory_space<hbm>> -> memref<10000x128xf32, #tpu.memory_space<hbm>>
      tpu.wait_indirect_dma semaphore(%arg17 : memref<!tpu.dma_semaphore, #tpu.memory_space<semaphore_mem>>) src(%dma_wait3A_148 : memref<10000x128xf32, #tpu.memory_space<hbm>>) dst(%arg15 : memref<80x128xf32, #tpu.memory_space<vmem>>)
      %mul3A_149 = arith.constant 80 : i32
      %mul3A_150 = arith.muli %add3A_140, %mul3A_149 : i32
      %add3A_151 = arith.constant 20480 : i32
      %add3A_152 = arith.addi %add3A_151, %mul3A_150 : i32
      "tpu.region"() ({
        %run_scoped3A = tpu.sem_alloc : memref<!tpu.dma_semaphore, #tpu.memory_space<semaphore_mem>>
        %dma_start3A_153 = arith.constant 0 : i32
        %dma_start3A_154 = tpu.memref_slice %arg9[%add3A_152, %dma_start3A_153] : memref<30720x128xf32, #tpu.memory_space<hbm>> -> memref<80x128xf32, #tpu.memory_space<hbm>>
        %dma_start3A_155 = arith.constant 0 : i32
        %dma_start3A_156 = tpu.memref_slice %arg9[%add3A_152, %dma_start3A_155] : memref<30720x128xf32, #tpu.memory_space<hbm>> -> memref<80x128xf32, #tpu.memory_space<hbm>>
        tpu.enqueue_dma source(%arg15 : memref<80x128xf32, #tpu.memory_space<vmem>>) target(%dma_start3A_156 : memref<80x128xf32, #tpu.memory_space<hbm>>) target_semaphore(%run_scoped3A : memref<!tpu.dma_semaphore, #tpu.memory_space<semaphore_mem>>)
        %dma_wait3A_157 = arith.constant 0 : i32
        %dma_wait3A_158 = tpu.memref_slice %arg9[%add3A_152, %dma_wait3A_157] : memref<30720x128xf32, #tpu.memory_space<hbm>> -> memref<80x128xf32, #tpu.memory_space<hbm>>
        %dma_wait3A_159 = arith.constant 0 : i32
        %dma_wait3A_160 = tpu.memref_slice %arg9[%add3A_152, %dma_wait3A_159] : memref<30720x128xf32, #tpu.memory_space<hbm>> -> memref<80x128xf32, #tpu.memory_space<hbm>>
        tpu.wait_dma2 semaphore(%run_scoped3A : memref<!tpu.dma_semaphore, #tpu.memory_space<semaphore_mem>>) src(%arg15 : memref<80x128xf32, #tpu.memory_space<vmem>>) dst(%dma_wait3A_160 : memref<80x128xf32, #tpu.memory_space<hbm>>)
        tpu.yield
      }) : () -> ()
    }
    return
  }
}

#map = affine_map<(d0, d1) -> (0, 0)>
#map1 = affine_map<(d0, d1) -> (0)>
module attributes {stable_mosaic.version = 14 : i64} {
  func.func @_stage_c_body(%arg0: i32, %arg1: i32, %arg2: memref<61440x128xf32, #tpu.memory_space<hbm>>, %arg3: memref<1966080xi32, #tpu.memory_space<hbm>>, %arg4: memref<983040xi32, #tpu.memory_space<hbm>>, %arg5: memref<128x128xf32, #tpu.memory_space<hbm>>, %arg6: memref<61440x128xf32, #tpu.memory_space<hbm>>, %arg7: memref<128xi32, #tpu.memory_space<vmem>>, %arg8: memref<128xi32, #tpu.memory_space<vmem>>, %arg9: memref<128xi32, #tpu.memory_space<vmem>>, %arg10: memref<128xi32, #tpu.memory_space<vmem>>, %arg11: memref<128x128xf32, #tpu.memory_space<vmem>>, %arg12: memref<128x128xf32, #tpu.memory_space<vmem>>, %arg13: memref<10240x128xf32, #tpu.memory_space<vmem_shared>>, %arg14: memref<!tpu.dma_semaphore, #tpu.memory_space<semaphore_mem>>) attributes {dimension_semantics = [#tpu.dimension_semantics<core_parallel>, #tpu.dimension_semantics<subcore_parallel>], iteration_bounds = array<i64: 2, 16>, scalar_prefetch = 0 : i64, scratch_operands = 8 : i64, tpu.core_type = #tpu.core_type<sc_vector_subcore>, window_params = [{transform_indices = #map}, {transform_indices = #map1}, {transform_indices = #map1}, {transform_indices = #map}, {transform_indices = #map}]} {
    "tpu.region"() ({
      %run_scoped3A = tpu.sem_alloc : memref<!tpu.dma_semaphore, #tpu.memory_space<semaphore_mem>>
      tpu.enqueue_dma source(%arg5 : memref<128x128xf32, #tpu.memory_space<hbm>>) target(%arg11 : memref<128x128xf32, #tpu.memory_space<vmem>>) target_semaphore(%run_scoped3A : memref<!tpu.dma_semaphore, #tpu.memory_space<semaphore_mem>>)
      tpu.wait_dma2 semaphore(%run_scoped3A : memref<!tpu.dma_semaphore, #tpu.memory_space<semaphore_mem>>) src(%arg5 : memref<128x128xf32, #tpu.memory_space<hbm>>) dst(%arg11 : memref<128x128xf32, #tpu.memory_space<vmem>>)
      tpu.yield
    }) : () -> ()
    %mul3A = arith.constant 640 : i32
    %mul3A_0 = arith.muli %arg1, %mul3A : i32
    %add3A = arith.constant 0 : i32
    %add3A_1 = arith.addi %mul3A_0, %add3A : i32
    "tpu.region"() ({
      %run_scoped3A = tpu.sem_alloc : memref<!tpu.dma_semaphore, #tpu.memory_space<semaphore_mem>>
      %dma_start3A_273 = arith.constant 0 : i32
      %dma_start3A_274 = tpu.memref_slice %arg13[%add3A_1, %dma_start3A_273] : memref<10240x128xf32, #tpu.memory_space<vmem_shared>> -> memref<128x128xf32, #tpu.memory_space<vmem_shared>>
      %dma_start3A_275 = arith.constant 0 : i32
      %dma_start3A_276 = tpu.memref_slice %arg13[%add3A_1, %dma_start3A_275] : memref<10240x128xf32, #tpu.memory_space<vmem_shared>> -> memref<128x128xf32, #tpu.memory_space<vmem_shared>>
      tpu.enqueue_dma source(%arg11 : memref<128x128xf32, #tpu.memory_space<vmem>>) target(%dma_start3A_276 : memref<128x128xf32, #tpu.memory_space<vmem_shared>>) target_semaphore(%run_scoped3A : memref<!tpu.dma_semaphore, #tpu.memory_space<semaphore_mem>>)
      %dma_wait3A_277 = arith.constant 0 : i32
      %dma_wait3A_278 = tpu.memref_slice %arg13[%add3A_1, %dma_wait3A_277] : memref<10240x128xf32, #tpu.memory_space<vmem_shared>> -> memref<128x128xf32, #tpu.memory_space<vmem_shared>>
      %dma_wait3A_279 = arith.constant 0 : i32
      %dma_wait3A_280 = tpu.memref_slice %arg13[%add3A_1, %dma_wait3A_279] : memref<10240x128xf32, #tpu.memory_space<vmem_shared>> -> memref<128x128xf32, #tpu.memory_space<vmem_shared>>
      tpu.wait_dma2 semaphore(%run_scoped3A : memref<!tpu.dma_semaphore, #tpu.memory_space<semaphore_mem>>) src(%arg11 : memref<128x128xf32, #tpu.memory_space<vmem>>) dst(%dma_wait3A_280 : memref<128x128xf32, #tpu.memory_space<vmem_shared>>)
      tpu.yield
    }) : () -> ()
    %mul3A_2 = arith.constant 640 : i32
    %mul3A_3 = arith.muli %arg1, %mul3A_2 : i32
    %add3A_4 = arith.constant 128 : i32
    %add3A_5 = arith.addi %mul3A_3, %add3A_4 : i32
    "tpu.region"() ({
      %run_scoped3A = tpu.sem_alloc : memref<!tpu.dma_semaphore, #tpu.memory_space<semaphore_mem>>
      %dma_start3A_273 = arith.constant 0 : i32
      %dma_start3A_274 = tpu.memref_slice %arg13[%add3A_5, %dma_start3A_273] : memref<10240x128xf32, #tpu.memory_space<vmem_shared>> -> memref<128x128xf32, #tpu.memory_space<vmem_shared>>
      %dma_start3A_275 = arith.constant 0 : i32
      %dma_start3A_276 = tpu.memref_slice %arg13[%add3A_5, %dma_start3A_275] : memref<10240x128xf32, #tpu.memory_space<vmem_shared>> -> memref<128x128xf32, #tpu.memory_space<vmem_shared>>
      tpu.enqueue_dma source(%arg11 : memref<128x128xf32, #tpu.memory_space<vmem>>) target(%dma_start3A_276 : memref<128x128xf32, #tpu.memory_space<vmem_shared>>) target_semaphore(%run_scoped3A : memref<!tpu.dma_semaphore, #tpu.memory_space<semaphore_mem>>)
      %dma_wait3A_277 = arith.constant 0 : i32
      %dma_wait3A_278 = tpu.memref_slice %arg13[%add3A_5, %dma_wait3A_277] : memref<10240x128xf32, #tpu.memory_space<vmem_shared>> -> memref<128x128xf32, #tpu.memory_space<vmem_shared>>
      %dma_wait3A_279 = arith.constant 0 : i32
      %dma_wait3A_280 = tpu.memref_slice %arg13[%add3A_5, %dma_wait3A_279] : memref<10240x128xf32, #tpu.memory_space<vmem_shared>> -> memref<128x128xf32, #tpu.memory_space<vmem_shared>>
      tpu.wait_dma2 semaphore(%run_scoped3A : memref<!tpu.dma_semaphore, #tpu.memory_space<semaphore_mem>>) src(%arg11 : memref<128x128xf32, #tpu.memory_space<vmem>>) dst(%dma_wait3A_280 : memref<128x128xf32, #tpu.memory_space<vmem_shared>>)
      tpu.yield
    }) : () -> ()
    %mul3A_6 = arith.constant 640 : i32
    %mul3A_7 = arith.muli %arg1, %mul3A_6 : i32
    %add3A_8 = arith.constant 256 : i32
    %add3A_9 = arith.addi %mul3A_7, %add3A_8 : i32
    "tpu.region"() ({
      %run_scoped3A = tpu.sem_alloc : memref<!tpu.dma_semaphore, #tpu.memory_space<semaphore_mem>>
      %dma_start3A_273 = arith.constant 0 : i32
      %dma_start3A_274 = tpu.memref_slice %arg13[%add3A_9, %dma_start3A_273] : memref<10240x128xf32, #tpu.memory_space<vmem_shared>> -> memref<128x128xf32, #tpu.memory_space<vmem_shared>>
      %dma_start3A_275 = arith.constant 0 : i32
      %dma_start3A_276 = tpu.memref_slice %arg13[%add3A_9, %dma_start3A_275] : memref<10240x128xf32, #tpu.memory_space<vmem_shared>> -> memref<128x128xf32, #tpu.memory_space<vmem_shared>>
      tpu.enqueue_dma source(%arg11 : memref<128x128xf32, #tpu.memory_space<vmem>>) target(%dma_start3A_276 : memref<128x128xf32, #tpu.memory_space<vmem_shared>>) target_semaphore(%run_scoped3A : memref<!tpu.dma_semaphore, #tpu.memory_space<semaphore_mem>>)
      %dma_wait3A_277 = arith.constant 0 : i32
      %dma_wait3A_278 = tpu.memref_slice %arg13[%add3A_9, %dma_wait3A_277] : memref<10240x128xf32, #tpu.memory_space<vmem_shared>> -> memref<128x128xf32, #tpu.memory_space<vmem_shared>>
      %dma_wait3A_279 = arith.constant 0 : i32
      %dma_wait3A_280 = tpu.memref_slice %arg13[%add3A_9, %dma_wait3A_279] : memref<10240x128xf32, #tpu.memory_space<vmem_shared>> -> memref<128x128xf32, #tpu.memory_space<vmem_shared>>
      tpu.wait_dma2 semaphore(%run_scoped3A : memref<!tpu.dma_semaphore, #tpu.memory_space<semaphore_mem>>) src(%arg11 : memref<128x128xf32, #tpu.memory_space<vmem>>) dst(%dma_wait3A_280 : memref<128x128xf32, #tpu.memory_space<vmem_shared>>)
      tpu.yield
    }) : () -> ()
    %mul3A_10 = arith.constant 640 : i32
    %mul3A_11 = arith.muli %arg1, %mul3A_10 : i32
    %add3A_12 = arith.constant 384 : i32
    %add3A_13 = arith.addi %mul3A_11, %add3A_12 : i32
    "tpu.region"() ({
      %run_scoped3A = tpu.sem_alloc : memref<!tpu.dma_semaphore, #tpu.memory_space<semaphore_mem>>
      %dma_start3A_273 = arith.constant 0 : i32
      %dma_start3A_274 = tpu.memref_slice %arg13[%add3A_13, %dma_start3A_273] : memref<10240x128xf32, #tpu.memory_space<vmem_shared>> -> memref<128x128xf32, #tpu.memory_space<vmem_shared>>
      %dma_start3A_275 = arith.constant 0 : i32
      %dma_start3A_276 = tpu.memref_slice %arg13[%add3A_13, %dma_start3A_275] : memref<10240x128xf32, #tpu.memory_space<vmem_shared>> -> memref<128x128xf32, #tpu.memory_space<vmem_shared>>
      tpu.enqueue_dma source(%arg11 : memref<128x128xf32, #tpu.memory_space<vmem>>) target(%dma_start3A_276 : memref<128x128xf32, #tpu.memory_space<vmem_shared>>) target_semaphore(%run_scoped3A : memref<!tpu.dma_semaphore, #tpu.memory_space<semaphore_mem>>)
      %dma_wait3A_277 = arith.constant 0 : i32
      %dma_wait3A_278 = tpu.memref_slice %arg13[%add3A_13, %dma_wait3A_277] : memref<10240x128xf32, #tpu.memory_space<vmem_shared>> -> memref<128x128xf32, #tpu.memory_space<vmem_shared>>
      %dma_wait3A_279 = arith.constant 0 : i32
      %dma_wait3A_280 = tpu.memref_slice %arg13[%add3A_13, %dma_wait3A_279] : memref<10240x128xf32, #tpu.memory_space<vmem_shared>> -> memref<128x128xf32, #tpu.memory_space<vmem_shared>>
      tpu.wait_dma2 semaphore(%run_scoped3A : memref<!tpu.dma_semaphore, #tpu.memory_space<semaphore_mem>>) src(%arg11 : memref<128x128xf32, #tpu.memory_space<vmem>>) dst(%dma_wait3A_280 : memref<128x128xf32, #tpu.memory_space<vmem_shared>>)
      tpu.yield
    }) : () -> ()
    %mul3A_14 = arith.constant 640 : i32
    %mul3A_15 = arith.muli %arg1, %mul3A_14 : i32
    %add3A_16 = arith.constant 512 : i32
    %add3A_17 = arith.addi %mul3A_15, %add3A_16 : i32
    "tpu.region"() ({
      %run_scoped3A = tpu.sem_alloc : memref<!tpu.dma_semaphore, #tpu.memory_space<semaphore_mem>>
      %dma_start3A_273 = arith.constant 0 : i32
      %dma_start3A_274 = tpu.memref_slice %arg13[%add3A_17, %dma_start3A_273] : memref<10240x128xf32, #tpu.memory_space<vmem_shared>> -> memref<128x128xf32, #tpu.memory_space<vmem_shared>>
      %dma_start3A_275 = arith.constant 0 : i32
      %dma_start3A_276 = tpu.memref_slice %arg13[%add3A_17, %dma_start3A_275] : memref<10240x128xf32, #tpu.memory_space<vmem_shared>> -> memref<128x128xf32, #tpu.memory_space<vmem_shared>>
      tpu.enqueue_dma source(%arg11 : memref<128x128xf32, #tpu.memory_space<vmem>>) target(%dma_start3A_276 : memref<128x128xf32, #tpu.memory_space<vmem_shared>>) target_semaphore(%run_scoped3A : memref<!tpu.dma_semaphore, #tpu.memory_space<semaphore_mem>>)
      %dma_wait3A_277 = arith.constant 0 : i32
      %dma_wait3A_278 = tpu.memref_slice %arg13[%add3A_17, %dma_wait3A_277] : memref<10240x128xf32, #tpu.memory_space<vmem_shared>> -> memref<128x128xf32, #tpu.memory_space<vmem_shared>>
      %dma_wait3A_279 = arith.constant 0 : i32
      %dma_wait3A_280 = tpu.memref_slice %arg13[%add3A_17, %dma_wait3A_279] : memref<10240x128xf32, #tpu.memory_space<vmem_shared>> -> memref<128x128xf32, #tpu.memory_space<vmem_shared>>
      tpu.wait_dma2 semaphore(%run_scoped3A : memref<!tpu.dma_semaphore, #tpu.memory_space<semaphore_mem>>) src(%arg11 : memref<128x128xf32, #tpu.memory_space<vmem>>) dst(%dma_wait3A_280 : memref<128x128xf32, #tpu.memory_space<vmem_shared>>)
      tpu.yield
    }) : () -> ()
    %barrier3A = arith.constant 0 : index
    tpu.barrier barrier_id(%barrier3A)
    %mul3A_18 = arith.constant 3 : i32
    %mul3A_19 = arith.muli %arg0, %mul3A_18 : i32
    %add3A_20 = arith.constant 0 : i32
    %add3A_21 = arith.addi %mul3A_19, %add3A_20 : i32
    %mul3A_22 = arith.constant 327680 : i32
    %mul3A_23 = arith.muli %add3A_21, %mul3A_22 : i32
    %mul3A_24 = arith.constant 20480 : i32
    %mul3A_25 = arith.muli %arg1, %mul3A_24 : i32
    %add3A_26 = arith.addi %mul3A_23, %mul3A_25 : i32
    %mul3A_27 = arith.constant 20480 : i32
    %mul3A_28 = arith.muli %arg1, %mul3A_27 : i32
    %add3A_29 = arith.constant 0 : i32
    %add3A_30 = arith.addi %add3A_29, %mul3A_28 : i32
    %add3A_31 = arith.constant 0 : i32
    %add3A_32 = arith.addi %add3A_26, %add3A_31 : i32
    "tpu.region"() ({
      %run_scoped3A = tpu.sem_alloc : memref<!tpu.dma_semaphore, #tpu.memory_space<semaphore_mem>>
      %dma_start3A_273 = tpu.memref_slice %arg3[%add3A_32] : memref<1966080xi32, #tpu.memory_space<hbm>> -> memref<128xi32, #tpu.memory_space<hbm>>
      %dma_start3A_274 = tpu.memref_slice %arg3[%add3A_32] : memref<1966080xi32, #tpu.memory_space<hbm>> -> memref<128xi32, #tpu.memory_space<hbm>>
      tpu.enqueue_dma source(%dma_start3A_274 : memref<128xi32, #tpu.memory_space<hbm>>) target(%arg7 : memref<128xi32, #tpu.memory_space<vmem>>) target_semaphore(%run_scoped3A : memref<!tpu.dma_semaphore, #tpu.memory_space<semaphore_mem>>)
      %dma_wait3A_275 = tpu.memref_slice %arg3[%add3A_32] : memref<1966080xi32, #tpu.memory_space<hbm>> -> memref<128xi32, #tpu.memory_space<hbm>>
      %dma_wait3A_276 = tpu.memref_slice %arg3[%add3A_32] : memref<1966080xi32, #tpu.memory_space<hbm>> -> memref<128xi32, #tpu.memory_space<hbm>>
      tpu.wait_dma2 semaphore(%run_scoped3A : memref<!tpu.dma_semaphore, #tpu.memory_space<semaphore_mem>>) src(%dma_wait3A_276 : memref<128xi32, #tpu.memory_space<hbm>>) dst(%arg7 : memref<128xi32, #tpu.memory_space<vmem>>)
      tpu.yield
    }) : () -> ()
    %add3A_33 = arith.constant 0 : i32
    %add3A_34 = arith.addi %add3A_30, %add3A_33 : i32
    "tpu.region"() ({
      %run_scoped3A = tpu.sem_alloc : memref<!tpu.dma_semaphore, #tpu.memory_space<semaphore_mem>>
      %dma_start3A_273 = tpu.memref_slice %arg4[%add3A_34] : memref<983040xi32, #tpu.memory_space<hbm>> -> memref<128xi32, #tpu.memory_space<hbm>>
      %dma_start3A_274 = tpu.memref_slice %arg4[%add3A_34] : memref<983040xi32, #tpu.memory_space<hbm>> -> memref<128xi32, #tpu.memory_space<hbm>>
      tpu.enqueue_dma source(%dma_start3A_274 : memref<128xi32, #tpu.memory_space<hbm>>) target(%arg9 : memref<128xi32, #tpu.memory_space<vmem>>) target_semaphore(%run_scoped3A : memref<!tpu.dma_semaphore, #tpu.memory_space<semaphore_mem>>)
      %dma_wait3A_275 = tpu.memref_slice %arg4[%add3A_34] : memref<983040xi32, #tpu.memory_space<hbm>> -> memref<128xi32, #tpu.memory_space<hbm>>
      %dma_wait3A_276 = tpu.memref_slice %arg4[%add3A_34] : memref<983040xi32, #tpu.memory_space<hbm>> -> memref<128xi32, #tpu.memory_space<hbm>>
      tpu.wait_dma2 semaphore(%run_scoped3A : memref<!tpu.dma_semaphore, #tpu.memory_space<semaphore_mem>>) src(%dma_wait3A_276 : memref<128xi32, #tpu.memory_space<hbm>>) dst(%arg9 : memref<128xi32, #tpu.memory_space<vmem>>)
      tpu.yield
    }) : () -> ()
    %dma_start3A = arith.constant 0 : i32
    %dma_start3A_35 = arith.constant 0 : i32
    %dma_start3A_36 = tpu.memref_slice %arg2[%dma_start3A, %dma_start3A_35] : memref<61440x128xf32, #tpu.memory_space<hbm>> -> memref<61440x128xf32, #tpu.memory_space<hbm>>
    tpu.enqueue_indirect_dma source(%dma_start3A_36 : memref<61440x128xf32, #tpu.memory_space<hbm>>) target(%arg11 : memref<128x128xf32, #tpu.memory_space<vmem>>) offsets(%arg7 : memref<128xi32, #tpu.memory_space<vmem>>) semaphore(%arg14 : memref<!tpu.dma_semaphore, #tpu.memory_space<semaphore_mem>>)
    %add3A_37 = arith.constant 128 : i32
    %add3A_38 = arith.addi %add3A_26, %add3A_37 : i32
    "tpu.region"() ({
      %run_scoped3A = tpu.sem_alloc : memref<!tpu.dma_semaphore, #tpu.memory_space<semaphore_mem>>
      %dma_start3A_273 = tpu.memref_slice %arg3[%add3A_38] : memref<1966080xi32, #tpu.memory_space<hbm>> -> memref<128xi32, #tpu.memory_space<hbm>>
      %dma_start3A_274 = tpu.memref_slice %arg3[%add3A_38] : memref<1966080xi32, #tpu.memory_space<hbm>> -> memref<128xi32, #tpu.memory_space<hbm>>
      tpu.enqueue_dma source(%dma_start3A_274 : memref<128xi32, #tpu.memory_space<hbm>>) target(%arg8 : memref<128xi32, #tpu.memory_space<vmem>>) target_semaphore(%run_scoped3A : memref<!tpu.dma_semaphore, #tpu.memory_space<semaphore_mem>>)
      %dma_wait3A_275 = tpu.memref_slice %arg3[%add3A_38] : memref<1966080xi32, #tpu.memory_space<hbm>> -> memref<128xi32, #tpu.memory_space<hbm>>
      %dma_wait3A_276 = tpu.memref_slice %arg3[%add3A_38] : memref<1966080xi32, #tpu.memory_space<hbm>> -> memref<128xi32, #tpu.memory_space<hbm>>
      tpu.wait_dma2 semaphore(%run_scoped3A : memref<!tpu.dma_semaphore, #tpu.memory_space<semaphore_mem>>) src(%dma_wait3A_276 : memref<128xi32, #tpu.memory_space<hbm>>) dst(%arg8 : memref<128xi32, #tpu.memory_space<vmem>>)
      tpu.yield
    }) : () -> ()
    %add3A_39 = arith.constant 128 : i32
    %add3A_40 = arith.addi %add3A_30, %add3A_39 : i32
    "tpu.region"() ({
      %run_scoped3A = tpu.sem_alloc : memref<!tpu.dma_semaphore, #tpu.memory_space<semaphore_mem>>
      %dma_start3A_273 = tpu.memref_slice %arg4[%add3A_40] : memref<983040xi32, #tpu.memory_space<hbm>> -> memref<128xi32, #tpu.memory_space<hbm>>
      %dma_start3A_274 = tpu.memref_slice %arg4[%add3A_40] : memref<983040xi32, #tpu.memory_space<hbm>> -> memref<128xi32, #tpu.memory_space<hbm>>
      tpu.enqueue_dma source(%dma_start3A_274 : memref<128xi32, #tpu.memory_space<hbm>>) target(%arg10 : memref<128xi32, #tpu.memory_space<vmem>>) target_semaphore(%run_scoped3A : memref<!tpu.dma_semaphore, #tpu.memory_space<semaphore_mem>>)
      %dma_wait3A_275 = tpu.memref_slice %arg4[%add3A_40] : memref<983040xi32, #tpu.memory_space<hbm>> -> memref<128xi32, #tpu.memory_space<hbm>>
      %dma_wait3A_276 = tpu.memref_slice %arg4[%add3A_40] : memref<983040xi32, #tpu.memory_space<hbm>> -> memref<128xi32, #tpu.memory_space<hbm>>
      tpu.wait_dma2 semaphore(%run_scoped3A : memref<!tpu.dma_semaphore, #tpu.memory_space<semaphore_mem>>) src(%dma_wait3A_276 : memref<128xi32, #tpu.memory_space<hbm>>) dst(%arg10 : memref<128xi32, #tpu.memory_space<vmem>>)
      tpu.yield
    }) : () -> ()
    %scan3A = arith.constant 0 : i32
    %scan3A_41 = arith.constant 0 : i32
    %scan3A_42 = arith.constant 79 : i32
    %scan3A_43 = arith.addi %scan3A_41, %scan3A_42 : i32
    %scan3A_44 = arith.constant 1 : i32
    scf.for %scan3A_273 = %scan3A_41 to %scan3A_43 step %scan3A_44  : i32 {
      %dma_wait3A_274 = arith.constant 0 : i32
      %dma_wait3A_275 = arith.constant 0 : i32
      %dma_wait3A_276 = tpu.memref_slice %arg2[%dma_wait3A_274, %dma_wait3A_275] : memref<61440x128xf32, #tpu.memory_space<hbm>> -> memref<61440x128xf32, #tpu.memory_space<hbm>>
      tpu.wait_indirect_dma semaphore(%arg14 : memref<!tpu.dma_semaphore, #tpu.memory_space<semaphore_mem>>) src(%dma_wait3A_276 : memref<61440x128xf32, #tpu.memory_space<hbm>>) dst(%arg11 : memref<128x128xf32, #tpu.memory_space<vmem>>)
      %dma_start3A_277 = arith.constant 0 : i32
      %dma_start3A_278 = arith.constant 0 : i32
      %dma_start3A_279 = tpu.memref_slice %arg2[%dma_start3A_277, %dma_start3A_278] : memref<61440x128xf32, #tpu.memory_space<hbm>> -> memref<61440x128xf32, #tpu.memory_space<hbm>>
      tpu.enqueue_indirect_dma source(%dma_start3A_279 : memref<61440x128xf32, #tpu.memory_space<hbm>>) target(%arg12 : memref<128x128xf32, #tpu.memory_space<vmem>>) offsets(%arg8 : memref<128xi32, #tpu.memory_space<vmem>>) semaphore(%arg14 : memref<!tpu.dma_semaphore, #tpu.memory_space<semaphore_mem>>)
      "tpu.region"() ({
        %run_scoped3A = tpu.sem_alloc : memref<!tpu.dma_semaphore, #tpu.memory_space<semaphore_mem>>
        %dma_start3A_306 = arith.constant 0 : i32
        %dma_start3A_307 = arith.constant 0 : i32
        %dma_start3A_308 = tpu.memref_slice %arg13[%dma_start3A_306, %dma_start3A_307] : memref<10240x128xf32, #tpu.memory_space<vmem_shared>> -> memref<10240x128xf32, #tpu.memory_space<vmem_shared>>
        tpu.enqueue_indirect_dma source(%arg11 : memref<128x128xf32, #tpu.memory_space<vmem>>) target(%dma_start3A_308 : memref<10240x128xf32, #tpu.memory_space<vmem_shared>>) offsets(%arg9 : memref<128xi32, #tpu.memory_space<vmem>>) semaphore(%run_scoped3A : memref<!tpu.dma_semaphore, #tpu.memory_space<semaphore_mem>>) {add = true}
        %dma_wait3A_309 = arith.constant 0 : i32
        %dma_wait3A_310 = arith.constant 0 : i32
        %dma_wait3A_311 = tpu.memref_slice %arg13[%dma_wait3A_309, %dma_wait3A_310] : memref<10240x128xf32, #tpu.memory_space<vmem_shared>> -> memref<10240x128xf32, #tpu.memory_space<vmem_shared>>
        tpu.wait_indirect_dma semaphore(%run_scoped3A : memref<!tpu.dma_semaphore, #tpu.memory_space<semaphore_mem>>) src(%arg11 : memref<128x128xf32, #tpu.memory_space<vmem>>) dst(%dma_wait3A_311 : memref<10240x128xf32, #tpu.memory_space<vmem_shared>>)
        tpu.yield
      }) : () -> ()
      %mul3A_280 = arith.constant 2 : i32
      %mul3A_281 = arith.muli %mul3A_280, %scan3A_273 : i32
      %add3A_282 = arith.constant 2 : i32
      %add3A_283 = arith.addi %mul3A_281, %add3A_282 : i32
      %mul3A_284 = arith.constant 128 : i32
      %mul3A_285 = arith.muli %add3A_283, %mul3A_284 : i32
      %add3A_286 = arith.addi %add3A_26, %mul3A_285 : i32
      "tpu.region"() ({
        %run_scoped3A = tpu.sem_alloc : memref<!tpu.dma_semaphore, #tpu.memory_space<semaphore_mem>>
        %dma_start3A_306 = tpu.memref_slice %arg3[%add3A_286] : memref<1966080xi32, #tpu.memory_space<hbm>> -> memref<128xi32, #tpu.memory_space<hbm>>
        %dma_start3A_307 = tpu.memref_slice %arg3[%add3A_286] : memref<1966080xi32, #tpu.memory_space<hbm>> -> memref<128xi32, #tpu.memory_space<hbm>>
        tpu.enqueue_dma source(%dma_start3A_307 : memref<128xi32, #tpu.memory_space<hbm>>) target(%arg7 : memref<128xi32, #tpu.memory_space<vmem>>) target_semaphore(%run_scoped3A : memref<!tpu.dma_semaphore, #tpu.memory_space<semaphore_mem>>)
        %dma_wait3A_308 = tpu.memref_slice %arg3[%add3A_286] : memref<1966080xi32, #tpu.memory_space<hbm>> -> memref<128xi32, #tpu.memory_space<hbm>>
        %dma_wait3A_309 = tpu.memref_slice %arg3[%add3A_286] : memref<1966080xi32, #tpu.memory_space<hbm>> -> memref<128xi32, #tpu.memory_space<hbm>>
        tpu.wait_dma2 semaphore(%run_scoped3A : memref<!tpu.dma_semaphore, #tpu.memory_space<semaphore_mem>>) src(%dma_wait3A_309 : memref<128xi32, #tpu.memory_space<hbm>>) dst(%arg7 : memref<128xi32, #tpu.memory_space<vmem>>)
        tpu.yield
      }) : () -> ()
      %mul3A_287 = arith.constant 128 : i32
      %mul3A_288 = arith.muli %add3A_283, %mul3A_287 : i32
      %add3A_289 = arith.addi %add3A_30, %mul3A_288 : i32
      "tpu.region"() ({
        %run_scoped3A = tpu.sem_alloc : memref<!tpu.dma_semaphore, #tpu.memory_space<semaphore_mem>>
        %dma_start3A_306 = tpu.memref_slice %arg4[%add3A_289] : memref<983040xi32, #tpu.memory_space<hbm>> -> memref<128xi32, #tpu.memory_space<hbm>>
        %dma_start3A_307 = tpu.memref_slice %arg4[%add3A_289] : memref<983040xi32, #tpu.memory_space<hbm>> -> memref<128xi32, #tpu.memory_space<hbm>>
        tpu.enqueue_dma source(%dma_start3A_307 : memref<128xi32, #tpu.memory_space<hbm>>) target(%arg9 : memref<128xi32, #tpu.memory_space<vmem>>) target_semaphore(%run_scoped3A : memref<!tpu.dma_semaphore, #tpu.memory_space<semaphore_mem>>)
        %dma_wait3A_308 = tpu.memref_slice %arg4[%add3A_289] : memref<983040xi32, #tpu.memory_space<hbm>> -> memref<128xi32, #tpu.memory_space<hbm>>
        %dma_wait3A_309 = tpu.memref_slice %arg4[%add3A_289] : memref<983040xi32, #tpu.memory_space<hbm>> -> memref<128xi32, #tpu.memory_space<hbm>>
        tpu.wait_dma2 semaphore(%run_scoped3A : memref<!tpu.dma_semaphore, #tpu.memory_space<semaphore_mem>>) src(%dma_wait3A_309 : memref<128xi32, #tpu.memory_space<hbm>>) dst(%arg9 : memref<128xi32, #tpu.memory_space<vmem>>)
        tpu.yield
      }) : () -> ()
      %dma_start3A_290 = arith.constant 0 : i32
      %dma_start3A_291 = arith.constant 0 : i32
      %dma_start3A_292 = tpu.memref_slice %arg2[%dma_start3A_290, %dma_start3A_291] : memref<61440x128xf32, #tpu.memory_space<hbm>> -> memref<61440x128xf32, #tpu.memory_space<hbm>>
      tpu.enqueue_indirect_dma source(%dma_start3A_292 : memref<61440x128xf32, #tpu.memory_space<hbm>>) target(%arg11 : memref<128x128xf32, #tpu.memory_space<vmem>>) offsets(%arg7 : memref<128xi32, #tpu.memory_space<vmem>>) semaphore(%arg14 : memref<!tpu.dma_semaphore, #tpu.memory_space<semaphore_mem>>)
      %dma_wait3A_293 = arith.constant 0 : i32
      %dma_wait3A_294 = arith.constant 0 : i32
      %dma_wait3A_295 = tpu.memref_slice %arg2[%dma_wait3A_293, %dma_wait3A_294] : memref<61440x128xf32, #tpu.memory_space<hbm>> -> memref<61440x128xf32, #tpu.memory_space<hbm>>
      tpu.wait_indirect_dma semaphore(%arg14 : memref<!tpu.dma_semaphore, #tpu.memory_space<semaphore_mem>>) src(%dma_wait3A_295 : memref<61440x128xf32, #tpu.memory_space<hbm>>) dst(%arg12 : memref<128x128xf32, #tpu.memory_space<vmem>>)
      "tpu.region"() ({
        %run_scoped3A = tpu.sem_alloc : memref<!tpu.dma_semaphore, #tpu.memory_space<semaphore_mem>>
        %dma_start3A_306 = arith.constant 0 : i32
        %dma_start3A_307 = arith.constant 0 : i32
        %dma_start3A_308 = tpu.memref_slice %arg13[%dma_start3A_306, %dma_start3A_307] : memref<10240x128xf32, #tpu.memory_space<vmem_shared>> -> memref<10240x128xf32, #tpu.memory_space<vmem_shared>>
        tpu.enqueue_indirect_dma source(%arg12 : memref<128x128xf32, #tpu.memory_space<vmem>>) target(%dma_start3A_308 : memref<10240x128xf32, #tpu.memory_space<vmem_shared>>) offsets(%arg10 : memref<128xi32, #tpu.memory_space<vmem>>) semaphore(%run_scoped3A : memref<!tpu.dma_semaphore, #tpu.memory_space<semaphore_mem>>) {add = true}
        %dma_wait3A_309 = arith.constant 0 : i32
        %dma_wait3A_310 = arith.constant 0 : i32
        %dma_wait3A_311 = tpu.memref_slice %arg13[%dma_wait3A_309, %dma_wait3A_310] : memref<10240x128xf32, #tpu.memory_space<vmem_shared>> -> memref<10240x128xf32, #tpu.memory_space<vmem_shared>>
        tpu.wait_indirect_dma semaphore(%run_scoped3A : memref<!tpu.dma_semaphore, #tpu.memory_space<semaphore_mem>>) src(%arg12 : memref<128x128xf32, #tpu.memory_space<vmem>>) dst(%dma_wait3A_311 : memref<10240x128xf32, #tpu.memory_space<vmem_shared>>)
        tpu.yield
      }) : () -> ()
      %mul3A_296 = arith.constant 2 : i32
      %mul3A_297 = arith.muli %mul3A_296, %scan3A_273 : i32
      %add3A_298 = arith.constant 3 : i32
      %add3A_299 = arith.addi %mul3A_297, %add3A_298 : i32
      %mul3A_300 = arith.constant 128 : i32
      %mul3A_301 = arith.muli %add3A_299, %mul3A_300 : i32
      %add3A_302 = arith.addi %add3A_26, %mul3A_301 : i32
      "tpu.region"() ({
        %run_scoped3A = tpu.sem_alloc : memref<!tpu.dma_semaphore, #tpu.memory_space<semaphore_mem>>
        %dma_start3A_306 = tpu.memref_slice %arg3[%add3A_302] : memref<1966080xi32, #tpu.memory_space<hbm>> -> memref<128xi32, #tpu.memory_space<hbm>>
        %dma_start3A_307 = tpu.memref_slice %arg3[%add3A_302] : memref<1966080xi32, #tpu.memory_space<hbm>> -> memref<128xi32, #tpu.memory_space<hbm>>
        tpu.enqueue_dma source(%dma_start3A_307 : memref<128xi32, #tpu.memory_space<hbm>>) target(%arg8 : memref<128xi32, #tpu.memory_space<vmem>>) target_semaphore(%run_scoped3A : memref<!tpu.dma_semaphore, #tpu.memory_space<semaphore_mem>>)
        %dma_wait3A_308 = tpu.memref_slice %arg3[%add3A_302] : memref<1966080xi32, #tpu.memory_space<hbm>> -> memref<128xi32, #tpu.memory_space<hbm>>
        %dma_wait3A_309 = tpu.memref_slice %arg3[%add3A_302] : memref<1966080xi32, #tpu.memory_space<hbm>> -> memref<128xi32, #tpu.memory_space<hbm>>
        tpu.wait_dma2 semaphore(%run_scoped3A : memref<!tpu.dma_semaphore, #tpu.memory_space<semaphore_mem>>) src(%dma_wait3A_309 : memref<128xi32, #tpu.memory_space<hbm>>) dst(%arg8 : memref<128xi32, #tpu.memory_space<vmem>>)
        tpu.yield
      }) : () -> ()
      %mul3A_303 = arith.constant 128 : i32
      %mul3A_304 = arith.muli %add3A_299, %mul3A_303 : i32
      %add3A_305 = arith.addi %add3A_30, %mul3A_304 : i32
      "tpu.region"() ({
        %run_scoped3A = tpu.sem_alloc : memref<!tpu.dma_semaphore, #tpu.memory_space<semaphore_mem>>
        %dma_start3A_306 = tpu.memref_slice %arg4[%add3A_305] : memref<983040xi32, #tpu.memory_space<hbm>> -> memref<128xi32, #tpu.memory_space<hbm>>
        %dma_start3A_307 = tpu.memref_slice %arg4[%add3A_305] : memref<983040xi32, #tpu.memory_space<hbm>> -> memref<128xi32, #tpu.memory_space<hbm>>
        tpu.enqueue_dma source(%dma_start3A_307 : memref<128xi32, #tpu.memory_space<hbm>>) target(%arg10 : memref<128xi32, #tpu.memory_space<vmem>>) target_semaphore(%run_scoped3A : memref<!tpu.dma_semaphore, #tpu.memory_space<semaphore_mem>>)
        %dma_wait3A_308 = tpu.memref_slice %arg4[%add3A_305] : memref<983040xi32, #tpu.memory_space<hbm>> -> memref<128xi32, #tpu.memory_space<hbm>>
        %dma_wait3A_309 = tpu.memref_slice %arg4[%add3A_305] : memref<983040xi32, #tpu.memory_space<hbm>> -> memref<128xi32, #tpu.memory_space<hbm>>
        tpu.wait_dma2 semaphore(%run_scoped3A : memref<!tpu.dma_semaphore, #tpu.memory_space<semaphore_mem>>) src(%dma_wait3A_309 : memref<128xi32, #tpu.memory_space<hbm>>) dst(%arg10 : memref<128xi32, #tpu.memory_space<vmem>>)
        tpu.yield
      }) : () -> ()
    }
    %scan3A_45 = arith.constant 79 : i32
    %dma_wait3A = arith.constant 0 : i32
    %dma_wait3A_46 = arith.constant 0 : i32
    %dma_wait3A_47 = tpu.memref_slice %arg2[%dma_wait3A, %dma_wait3A_46] : memref<61440x128xf32, #tpu.memory_space<hbm>> -> memref<61440x128xf32, #tpu.memory_space<hbm>>
    tpu.wait_indirect_dma semaphore(%arg14 : memref<!tpu.dma_semaphore, #tpu.memory_space<semaphore_mem>>) src(%dma_wait3A_47 : memref<61440x128xf32, #tpu.memory_space<hbm>>) dst(%arg11 : memref<128x128xf32, #tpu.memory_space<vmem>>)
    %dma_start3A_48 = arith.constant 0 : i32
    %dma_start3A_49 = arith.constant 0 : i32
    %dma_start3A_50 = tpu.memref_slice %arg2[%dma_start3A_48, %dma_start3A_49] : memref<61440x128xf32, #tpu.memory_space<hbm>> -> memref<61440x128xf32, #tpu.memory_space<hbm>>
    tpu.enqueue_indirect_dma source(%dma_start3A_50 : memref<61440x128xf32, #tpu.memory_space<hbm>>) target(%arg12 : memref<128x128xf32, #tpu.memory_space<vmem>>) offsets(%arg8 : memref<128xi32, #tpu.memory_space<vmem>>) semaphore(%arg14 : memref<!tpu.dma_semaphore, #tpu.memory_space<semaphore_mem>>)
    "tpu.region"() ({
      %run_scoped3A = tpu.sem_alloc : memref<!tpu.dma_semaphore, #tpu.memory_space<semaphore_mem>>
      %dma_start3A_273 = arith.constant 0 : i32
      %dma_start3A_274 = arith.constant 0 : i32
      %dma_start3A_275 = tpu.memref_slice %arg13[%dma_start3A_273, %dma_start3A_274] : memref<10240x128xf32, #tpu.memory_space<vmem_shared>> -> memref<10240x128xf32, #tpu.memory_space<vmem_shared>>
      tpu.enqueue_indirect_dma source(%arg11 : memref<128x128xf32, #tpu.memory_space<vmem>>) target(%dma_start3A_275 : memref<10240x128xf32, #tpu.memory_space<vmem_shared>>) offsets(%arg9 : memref<128xi32, #tpu.memory_space<vmem>>) semaphore(%run_scoped3A : memref<!tpu.dma_semaphore, #tpu.memory_space<semaphore_mem>>) {add = true}
      %dma_wait3A_276 = arith.constant 0 : i32
      %dma_wait3A_277 = arith.constant 0 : i32
      %dma_wait3A_278 = tpu.memref_slice %arg13[%dma_wait3A_276, %dma_wait3A_277] : memref<10240x128xf32, #tpu.memory_space<vmem_shared>> -> memref<10240x128xf32, #tpu.memory_space<vmem_shared>>
      tpu.wait_indirect_dma semaphore(%run_scoped3A : memref<!tpu.dma_semaphore, #tpu.memory_space<semaphore_mem>>) src(%arg11 : memref<128x128xf32, #tpu.memory_space<vmem>>) dst(%dma_wait3A_278 : memref<10240x128xf32, #tpu.memory_space<vmem_shared>>)
      tpu.yield
    }) : () -> ()
    %dma_wait3A_51 = arith.constant 0 : i32
    %dma_wait3A_52 = arith.constant 0 : i32
    %dma_wait3A_53 = tpu.memref_slice %arg2[%dma_wait3A_51, %dma_wait3A_52] : memref<61440x128xf32, #tpu.memory_space<hbm>> -> memref<61440x128xf32, #tpu.memory_space<hbm>>
    tpu.wait_indirect_dma semaphore(%arg14 : memref<!tpu.dma_semaphore, #tpu.memory_space<semaphore_mem>>) src(%dma_wait3A_53 : memref<61440x128xf32, #tpu.memory_space<hbm>>) dst(%arg12 : memref<128x128xf32, #tpu.memory_space<vmem>>)
    "tpu.region"() ({
      %run_scoped3A = tpu.sem_alloc : memref<!tpu.dma_semaphore, #tpu.memory_space<semaphore_mem>>
      %dma_start3A_273 = arith.constant 0 : i32
      %dma_start3A_274 = arith.constant 0 : i32
      %dma_start3A_275 = tpu.memref_slice %arg13[%dma_start3A_273, %dma_start3A_274] : memref<10240x128xf32, #tpu.memory_space<vmem_shared>> -> memref<10240x128xf32, #tpu.memory_space<vmem_shared>>
      tpu.enqueue_indirect_dma source(%arg12 : memref<128x128xf32, #tpu.memory_space<vmem>>) target(%dma_start3A_275 : memref<10240x128xf32, #tpu.memory_space<vmem_shared>>) offsets(%arg10 : memref<128xi32, #tpu.memory_space<vmem>>) semaphore(%run_scoped3A : memref<!tpu.dma_semaphore, #tpu.memory_space<semaphore_mem>>) {add = true}
      %dma_wait3A_276 = arith.constant 0 : i32
      %dma_wait3A_277 = arith.constant 0 : i32
      %dma_wait3A_278 = tpu.memref_slice %arg13[%dma_wait3A_276, %dma_wait3A_277] : memref<10240x128xf32, #tpu.memory_space<vmem_shared>> -> memref<10240x128xf32, #tpu.memory_space<vmem_shared>>
      tpu.wait_indirect_dma semaphore(%run_scoped3A : memref<!tpu.dma_semaphore, #tpu.memory_space<semaphore_mem>>) src(%arg12 : memref<128x128xf32, #tpu.memory_space<vmem>>) dst(%dma_wait3A_278 : memref<10240x128xf32, #tpu.memory_space<vmem_shared>>)
      tpu.yield
    }) : () -> ()
    %barrier3A_54 = arith.constant 0 : index
    tpu.barrier barrier_id(%barrier3A_54)
    %mul3A_55 = arith.constant 3 : i32
    %mul3A_56 = arith.muli %arg0, %mul3A_55 : i32
    %add3A_57 = arith.constant 0 : i32
    %add3A_58 = arith.addi %mul3A_56, %add3A_57 : i32
    %mul3A_59 = arith.constant 10240 : i32
    %mul3A_60 = arith.muli %add3A_58, %mul3A_59 : i32
    %mul3A_61 = arith.constant 640 : i32
    %mul3A_62 = arith.muli %arg1, %mul3A_61 : i32
    %add3A_63 = arith.constant 0 : i32
    %add3A_64 = arith.addi %mul3A_62, %add3A_63 : i32
    %add3A_65 = arith.addi %mul3A_60, %add3A_64 : i32
    "tpu.region"() ({
      %run_scoped3A = tpu.sem_alloc : memref<!tpu.dma_semaphore, #tpu.memory_space<semaphore_mem>>
      %dma_start3A_273 = arith.constant 0 : i32
      %dma_start3A_274 = tpu.memref_slice %arg6[%add3A_65, %dma_start3A_273] : memref<61440x128xf32, #tpu.memory_space<hbm>> -> memref<128x128xf32, #tpu.memory_space<hbm>>
      %dma_start3A_275 = arith.constant 0 : i32
      %dma_start3A_276 = tpu.memref_slice %arg13[%add3A_64, %dma_start3A_275] : memref<10240x128xf32, #tpu.memory_space<vmem_shared>> -> memref<128x128xf32, #tpu.memory_space<vmem_shared>>
      tpu.enqueue_dma source(%dma_start3A_276 : memref<128x128xf32, #tpu.memory_space<vmem_shared>>) target(%dma_start3A_274 : memref<128x128xf32, #tpu.memory_space<hbm>>) target_semaphore(%run_scoped3A : memref<!tpu.dma_semaphore, #tpu.memory_space<semaphore_mem>>)
      %dma_wait3A_277 = arith.constant 0 : i32
      %dma_wait3A_278 = tpu.memref_slice %arg6[%add3A_65, %dma_wait3A_277] : memref<61440x128xf32, #tpu.memory_space<hbm>> -> memref<128x128xf32, #tpu.memory_space<hbm>>
      %dma_wait3A_279 = arith.constant 0 : i32
      %dma_wait3A_280 = tpu.memref_slice %arg13[%add3A_64, %dma_wait3A_279] : memref<10240x128xf32, #tpu.memory_space<vmem_shared>> -> memref<128x128xf32, #tpu.memory_space<vmem_shared>>
      tpu.wait_dma2 semaphore(%run_scoped3A : memref<!tpu.dma_semaphore, #tpu.memory_space<semaphore_mem>>) src(%dma_wait3A_280 : memref<128x128xf32, #tpu.memory_space<vmem_shared>>) dst(%dma_wait3A_278 : memref<128x128xf32, #tpu.memory_space<hbm>>)
      tpu.yield
    }) : () -> ()
    %mul3A_66 = arith.constant 640 : i32
    %mul3A_67 = arith.muli %arg1, %mul3A_66 : i32
    %add3A_68 = arith.constant 128 : i32
    %add3A_69 = arith.addi %mul3A_67, %add3A_68 : i32
    %add3A_70 = arith.addi %mul3A_60, %add3A_69 : i32
    "tpu.region"() ({
      %run_scoped3A = tpu.sem_alloc : memref<!tpu.dma_semaphore, #tpu.memory_space<semaphore_mem>>
      %dma_start3A_273 = arith.constant 0 : i32
      %dma_start3A_274 = tpu.memref_slice %arg6[%add3A_70, %dma_start3A_273] : memref<61440x128xf32, #tpu.memory_space<hbm>> -> memref<128x128xf32, #tpu.memory_space<hbm>>
      %dma_start3A_275 = arith.constant 0 : i32
      %dma_start3A_276 = tpu.memref_slice %arg13[%add3A_69, %dma_start3A_275] : memref<10240x128xf32, #tpu.memory_space<vmem_shared>> -> memref<128x128xf32, #tpu.memory_space<vmem_shared>>
      tpu.enqueue_dma source(%dma_start3A_276 : memref<128x128xf32, #tpu.memory_space<vmem_shared>>) target(%dma_start3A_274 : memref<128x128xf32, #tpu.memory_space<hbm>>) target_semaphore(%run_scoped3A : memref<!tpu.dma_semaphore, #tpu.memory_space<semaphore_mem>>)
      %dma_wait3A_277 = arith.constant 0 : i32
      %dma_wait3A_278 = tpu.memref_slice %arg6[%add3A_70, %dma_wait3A_277] : memref<61440x128xf32, #tpu.memory_space<hbm>> -> memref<128x128xf32, #tpu.memory_space<hbm>>
      %dma_wait3A_279 = arith.constant 0 : i32
      %dma_wait3A_280 = tpu.memref_slice %arg13[%add3A_69, %dma_wait3A_279] : memref<10240x128xf32, #tpu.memory_space<vmem_shared>> -> memref<128x128xf32, #tpu.memory_space<vmem_shared>>
      tpu.wait_dma2 semaphore(%run_scoped3A : memref<!tpu.dma_semaphore, #tpu.memory_space<semaphore_mem>>) src(%dma_wait3A_280 : memref<128x128xf32, #tpu.memory_space<vmem_shared>>) dst(%dma_wait3A_278 : memref<128x128xf32, #tpu.memory_space<hbm>>)
      tpu.yield
    }) : () -> ()
    %mul3A_71 = arith.constant 640 : i32
    %mul3A_72 = arith.muli %arg1, %mul3A_71 : i32
    %add3A_73 = arith.constant 256 : i32
    %add3A_74 = arith.addi %mul3A_72, %add3A_73 : i32
    %add3A_75 = arith.addi %mul3A_60, %add3A_74 : i32
    "tpu.region"() ({
      %run_scoped3A = tpu.sem_alloc : memref<!tpu.dma_semaphore, #tpu.memory_space<semaphore_mem>>
      %dma_start3A_273 = arith.constant 0 : i32
      %dma_start3A_274 = tpu.memref_slice %arg6[%add3A_75, %dma_start3A_273] : memref<61440x128xf32, #tpu.memory_space<hbm>> -> memref<128x128xf32, #tpu.memory_space<hbm>>
      %dma_start3A_275 = arith.constant 0 : i32
      %dma_start3A_276 = tpu.memref_slice %arg13[%add3A_74, %dma_start3A_275] : memref<10240x128xf32, #tpu.memory_space<vmem_shared>> -> memref<128x128xf32, #tpu.memory_space<vmem_shared>>
      tpu.enqueue_dma source(%dma_start3A_276 : memref<128x128xf32, #tpu.memory_space<vmem_shared>>) target(%dma_start3A_274 : memref<128x128xf32, #tpu.memory_space<hbm>>) target_semaphore(%run_scoped3A : memref<!tpu.dma_semaphore, #tpu.memory_space<semaphore_mem>>)
      %dma_wait3A_277 = arith.constant 0 : i32
      %dma_wait3A_278 = tpu.memref_slice %arg6[%add3A_75, %dma_wait3A_277] : memref<61440x128xf32, #tpu.memory_space<hbm>> -> memref<128x128xf32, #tpu.memory_space<hbm>>
      %dma_wait3A_279 = arith.constant 0 : i32
      %dma_wait3A_280 = tpu.memref_slice %arg13[%add3A_74, %dma_wait3A_279] : memref<10240x128xf32, #tpu.memory_space<vmem_shared>> -> memref<128x128xf32, #tpu.memory_space<vmem_shared>>
      tpu.wait_dma2 semaphore(%run_scoped3A : memref<!tpu.dma_semaphore, #tpu.memory_space<semaphore_mem>>) src(%dma_wait3A_280 : memref<128x128xf32, #tpu.memory_space<vmem_shared>>) dst(%dma_wait3A_278 : memref<128x128xf32, #tpu.memory_space<hbm>>)
      tpu.yield
    }) : () -> ()
    %mul3A_76 = arith.constant 640 : i32
    %mul3A_77 = arith.muli %arg1, %mul3A_76 : i32
    %add3A_78 = arith.constant 384 : i32
    %add3A_79 = arith.addi %mul3A_77, %add3A_78 : i32
    %add3A_80 = arith.addi %mul3A_60, %add3A_79 : i32
    "tpu.region"() ({
      %run_scoped3A = tpu.sem_alloc : memref<!tpu.dma_semaphore, #tpu.memory_space<semaphore_mem>>
      %dma_start3A_273 = arith.constant 0 : i32
      %dma_start3A_274 = tpu.memref_slice %arg6[%add3A_80, %dma_start3A_273] : memref<61440x128xf32, #tpu.memory_space<hbm>> -> memref<128x128xf32, #tpu.memory_space<hbm>>
      %dma_start3A_275 = arith.constant 0 : i32
      %dma_start3A_276 = tpu.memref_slice %arg13[%add3A_79, %dma_start3A_275] : memref<10240x128xf32, #tpu.memory_space<vmem_shared>> -> memref<128x128xf32, #tpu.memory_space<vmem_shared>>
      tpu.enqueue_dma source(%dma_start3A_276 : memref<128x128xf32, #tpu.memory_space<vmem_shared>>) target(%dma_start3A_274 : memref<128x128xf32, #tpu.memory_space<hbm>>) target_semaphore(%run_scoped3A : memref<!tpu.dma_semaphore, #tpu.memory_space<semaphore_mem>>)
      %dma_wait3A_277 = arith.constant 0 : i32
      %dma_wait3A_278 = tpu.memref_slice %arg6[%add3A_80, %dma_wait3A_277] : memref<61440x128xf32, #tpu.memory_space<hbm>> -> memref<128x128xf32, #tpu.memory_space<hbm>>
      %dma_wait3A_279 = arith.constant 0 : i32
      %dma_wait3A_280 = tpu.memref_slice %arg13[%add3A_79, %dma_wait3A_279] : memref<10240x128xf32, #tpu.memory_space<vmem_shared>> -> memref<128x128xf32, #tpu.memory_space<vmem_shared>>
      tpu.wait_dma2 semaphore(%run_scoped3A : memref<!tpu.dma_semaphore, #tpu.memory_space<semaphore_mem>>) src(%dma_wait3A_280 : memref<128x128xf32, #tpu.memory_space<vmem_shared>>) dst(%dma_wait3A_278 : memref<128x128xf32, #tpu.memory_space<hbm>>)
      tpu.yield
    }) : () -> ()
    %mul3A_81 = arith.constant 640 : i32
    %mul3A_82 = arith.muli %arg1, %mul3A_81 : i32
    %add3A_83 = arith.constant 512 : i32
    %add3A_84 = arith.addi %mul3A_82, %add3A_83 : i32
    %add3A_85 = arith.addi %mul3A_60, %add3A_84 : i32
    "tpu.region"() ({
      %run_scoped3A = tpu.sem_alloc : memref<!tpu.dma_semaphore, #tpu.memory_space<semaphore_mem>>
      %dma_start3A_273 = arith.constant 0 : i32
      %dma_start3A_274 = tpu.memref_slice %arg6[%add3A_85, %dma_start3A_273] : memref<61440x128xf32, #tpu.memory_space<hbm>> -> memref<128x128xf32, #tpu.memory_space<hbm>>
      %dma_start3A_275 = arith.constant 0 : i32
      %dma_start3A_276 = tpu.memref_slice %arg13[%add3A_84, %dma_start3A_275] : memref<10240x128xf32, #tpu.memory_space<vmem_shared>> -> memref<128x128xf32, #tpu.memory_space<vmem_shared>>
      tpu.enqueue_dma source(%dma_start3A_276 : memref<128x128xf32, #tpu.memory_space<vmem_shared>>) target(%dma_start3A_274 : memref<128x128xf32, #tpu.memory_space<hbm>>) target_semaphore(%run_scoped3A : memref<!tpu.dma_semaphore, #tpu.memory_space<semaphore_mem>>)
      %dma_wait3A_277 = arith.constant 0 : i32
      %dma_wait3A_278 = tpu.memref_slice %arg6[%add3A_85, %dma_wait3A_277] : memref<61440x128xf32, #tpu.memory_space<hbm>> -> memref<128x128xf32, #tpu.memory_space<hbm>>
      %dma_wait3A_279 = arith.constant 0 : i32
      %dma_wait3A_280 = tpu.memref_slice %arg13[%add3A_84, %dma_wait3A_279] : memref<10240x128xf32, #tpu.memory_space<vmem_shared>> -> memref<128x128xf32, #tpu.memory_space<vmem_shared>>
      tpu.wait_dma2 semaphore(%run_scoped3A : memref<!tpu.dma_semaphore, #tpu.memory_space<semaphore_mem>>) src(%dma_wait3A_280 : memref<128x128xf32, #tpu.memory_space<vmem_shared>>) dst(%dma_wait3A_278 : memref<128x128xf32, #tpu.memory_space<hbm>>)
      tpu.yield
    }) : () -> ()
    %barrier3A_86 = arith.constant 0 : index
    tpu.barrier barrier_id(%barrier3A_86)
    "tpu.region"() ({
      %run_scoped3A = tpu.sem_alloc : memref<!tpu.dma_semaphore, #tpu.memory_space<semaphore_mem>>
      tpu.enqueue_dma source(%arg5 : memref<128x128xf32, #tpu.memory_space<hbm>>) target(%arg11 : memref<128x128xf32, #tpu.memory_space<vmem>>) target_semaphore(%run_scoped3A : memref<!tpu.dma_semaphore, #tpu.memory_space<semaphore_mem>>)
      tpu.wait_dma2 semaphore(%run_scoped3A : memref<!tpu.dma_semaphore, #tpu.memory_space<semaphore_mem>>) src(%arg5 : memref<128x128xf32, #tpu.memory_space<hbm>>) dst(%arg11 : memref<128x128xf32, #tpu.memory_space<vmem>>)
      tpu.yield
    }) : () -> ()
    %mul3A_87 = arith.constant 640 : i32
    %mul3A_88 = arith.muli %arg1, %mul3A_87 : i32
    %add3A_89 = arith.constant 0 : i32
    %add3A_90 = arith.addi %mul3A_88, %add3A_89 : i32
    "tpu.region"() ({
      %run_scoped3A = tpu.sem_alloc : memref<!tpu.dma_semaphore, #tpu.memory_space<semaphore_mem>>
      %dma_start3A_273 = arith.constant 0 : i32
      %dma_start3A_274 = tpu.memref_slice %arg13[%add3A_90, %dma_start3A_273] : memref<10240x128xf32, #tpu.memory_space<vmem_shared>> -> memref<128x128xf32, #tpu.memory_space<vmem_shared>>
      %dma_start3A_275 = arith.constant 0 : i32
      %dma_start3A_276 = tpu.memref_slice %arg13[%add3A_90, %dma_start3A_275] : memref<10240x128xf32, #tpu.memory_space<vmem_shared>> -> memref<128x128xf32, #tpu.memory_space<vmem_shared>>
      tpu.enqueue_dma source(%arg11 : memref<128x128xf32, #tpu.memory_space<vmem>>) target(%dma_start3A_276 : memref<128x128xf32, #tpu.memory_space<vmem_shared>>) target_semaphore(%run_scoped3A : memref<!tpu.dma_semaphore, #tpu.memory_space<semaphore_mem>>)
      %dma_wait3A_277 = arith.constant 0 : i32
      %dma_wait3A_278 = tpu.memref_slice %arg13[%add3A_90, %dma_wait3A_277] : memref<10240x128xf32, #tpu.memory_space<vmem_shared>> -> memref<128x128xf32, #tpu.memory_space<vmem_shared>>
      %dma_wait3A_279 = arith.constant 0 : i32
      %dma_wait3A_280 = tpu.memref_slice %arg13[%add3A_90, %dma_wait3A_279] : memref<10240x128xf32, #tpu.memory_space<vmem_shared>> -> memref<128x128xf32, #tpu.memory_space<vmem_shared>>
      tpu.wait_dma2 semaphore(%run_scoped3A : memref<!tpu.dma_semaphore, #tpu.memory_space<semaphore_mem>>) src(%arg11 : memref<128x128xf32, #tpu.memory_space<vmem>>) dst(%dma_wait3A_280 : memref<128x128xf32, #tpu.memory_space<vmem_shared>>)
      tpu.yield
    }) : () -> ()
    %mul3A_91 = arith.constant 640 : i32
    %mul3A_92 = arith.muli %arg1, %mul3A_91 : i32
    %add3A_93 = arith.constant 128 : i32
    %add3A_94 = arith.addi %mul3A_92, %add3A_93 : i32
    "tpu.region"() ({
      %run_scoped3A = tpu.sem_alloc : memref<!tpu.dma_semaphore, #tpu.memory_space<semaphore_mem>>
      %dma_start3A_273 = arith.constant 0 : i32
      %dma_start3A_274 = tpu.memref_slice %arg13[%add3A_94, %dma_start3A_273] : memref<10240x128xf32, #tpu.memory_space<vmem_shared>> -> memref<128x128xf32, #tpu.memory_space<vmem_shared>>
      %dma_start3A_275 = arith.constant 0 : i32
      %dma_start3A_276 = tpu.memref_slice %arg13[%add3A_94, %dma_start3A_275] : memref<10240x128xf32, #tpu.memory_space<vmem_shared>> -> memref<128x128xf32, #tpu.memory_space<vmem_shared>>
      tpu.enqueue_dma source(%arg11 : memref<128x128xf32, #tpu.memory_space<vmem>>) target(%dma_start3A_276 : memref<128x128xf32, #tpu.memory_space<vmem_shared>>) target_semaphore(%run_scoped3A : memref<!tpu.dma_semaphore, #tpu.memory_space<semaphore_mem>>)
      %dma_wait3A_277 = arith.constant 0 : i32
      %dma_wait3A_278 = tpu.memref_slice %arg13[%add3A_94, %dma_wait3A_277] : memref<10240x128xf32, #tpu.memory_space<vmem_shared>> -> memref<128x128xf32, #tpu.memory_space<vmem_shared>>
      %dma_wait3A_279 = arith.constant 0 : i32
      %dma_wait3A_280 = tpu.memref_slice %arg13[%add3A_94, %dma_wait3A_279] : memref<10240x128xf32, #tpu.memory_space<vmem_shared>> -> memref<128x128xf32, #tpu.memory_space<vmem_shared>>
      tpu.wait_dma2 semaphore(%run_scoped3A : memref<!tpu.dma_semaphore, #tpu.memory_space<semaphore_mem>>) src(%arg11 : memref<128x128xf32, #tpu.memory_space<vmem>>) dst(%dma_wait3A_280 : memref<128x128xf32, #tpu.memory_space<vmem_shared>>)
      tpu.yield
    }) : () -> ()
    %mul3A_95 = arith.constant 640 : i32
    %mul3A_96 = arith.muli %arg1, %mul3A_95 : i32
    %add3A_97 = arith.constant 256 : i32
    %add3A_98 = arith.addi %mul3A_96, %add3A_97 : i32
    "tpu.region"() ({
      %run_scoped3A = tpu.sem_alloc : memref<!tpu.dma_semaphore, #tpu.memory_space<semaphore_mem>>
      %dma_start3A_273 = arith.constant 0 : i32
      %dma_start3A_274 = tpu.memref_slice %arg13[%add3A_98, %dma_start3A_273] : memref<10240x128xf32, #tpu.memory_space<vmem_shared>> -> memref<128x128xf32, #tpu.memory_space<vmem_shared>>
      %dma_start3A_275 = arith.constant 0 : i32
      %dma_start3A_276 = tpu.memref_slice %arg13[%add3A_98, %dma_start3A_275] : memref<10240x128xf32, #tpu.memory_space<vmem_shared>> -> memref<128x128xf32, #tpu.memory_space<vmem_shared>>
      tpu.enqueue_dma source(%arg11 : memref<128x128xf32, #tpu.memory_space<vmem>>) target(%dma_start3A_276 : memref<128x128xf32, #tpu.memory_space<vmem_shared>>) target_semaphore(%run_scoped3A : memref<!tpu.dma_semaphore, #tpu.memory_space<semaphore_mem>>)
      %dma_wait3A_277 = arith.constant 0 : i32
      %dma_wait3A_278 = tpu.memref_slice %arg13[%add3A_98, %dma_wait3A_277] : memref<10240x128xf32, #tpu.memory_space<vmem_shared>> -> memref<128x128xf32, #tpu.memory_space<vmem_shared>>
      %dma_wait3A_279 = arith.constant 0 : i32
      %dma_wait3A_280 = tpu.memref_slice %arg13[%add3A_98, %dma_wait3A_279] : memref<10240x128xf32, #tpu.memory_space<vmem_shared>> -> memref<128x128xf32, #tpu.memory_space<vmem_shared>>
      tpu.wait_dma2 semaphore(%run_scoped3A : memref<!tpu.dma_semaphore, #tpu.memory_space<semaphore_mem>>) src(%arg11 : memref<128x128xf32, #tpu.memory_space<vmem>>) dst(%dma_wait3A_280 : memref<128x128xf32, #tpu.memory_space<vmem_shared>>)
      tpu.yield
    }) : () -> ()
    %mul3A_99 = arith.constant 640 : i32
    %mul3A_100 = arith.muli %arg1, %mul3A_99 : i32
    %add3A_101 = arith.constant 384 : i32
    %add3A_102 = arith.addi %mul3A_100, %add3A_101 : i32
    "tpu.region"() ({
      %run_scoped3A = tpu.sem_alloc : memref<!tpu.dma_semaphore, #tpu.memory_space<semaphore_mem>>
      %dma_start3A_273 = arith.constant 0 : i32
      %dma_start3A_274 = tpu.memref_slice %arg13[%add3A_102, %dma_start3A_273] : memref<10240x128xf32, #tpu.memory_space<vmem_shared>> -> memref<128x128xf32, #tpu.memory_space<vmem_shared>>
      %dma_start3A_275 = arith.constant 0 : i32
      %dma_start3A_276 = tpu.memref_slice %arg13[%add3A_102, %dma_start3A_275] : memref<10240x128xf32, #tpu.memory_space<vmem_shared>> -> memref<128x128xf32, #tpu.memory_space<vmem_shared>>
      tpu.enqueue_dma source(%arg11 : memref<128x128xf32, #tpu.memory_space<vmem>>) target(%dma_start3A_276 : memref<128x128xf32, #tpu.memory_space<vmem_shared>>) target_semaphore(%run_scoped3A : memref<!tpu.dma_semaphore, #tpu.memory_space<semaphore_mem>>)
      %dma_wait3A_277 = arith.constant 0 : i32
      %dma_wait3A_278 = tpu.memref_slice %arg13[%add3A_102, %dma_wait3A_277] : memref<10240x128xf32, #tpu.memory_space<vmem_shared>> -> memref<128x128xf32, #tpu.memory_space<vmem_shared>>
      %dma_wait3A_279 = arith.constant 0 : i32
      %dma_wait3A_280 = tpu.memref_slice %arg13[%add3A_102, %dma_wait3A_279] : memref<10240x128xf32, #tpu.memory_space<vmem_shared>> -> memref<128x128xf32, #tpu.memory_space<vmem_shared>>
      tpu.wait_dma2 semaphore(%run_scoped3A : memref<!tpu.dma_semaphore, #tpu.memory_space<semaphore_mem>>) src(%arg11 : memref<128x128xf32, #tpu.memory_space<vmem>>) dst(%dma_wait3A_280 : memref<128x128xf32, #tpu.memory_space<vmem_shared>>)
      tpu.yield
    }) : () -> ()
    %mul3A_103 = arith.constant 640 : i32
    %mul3A_104 = arith.muli %arg1, %mul3A_103 : i32
    %add3A_105 = arith.constant 512 : i32
    %add3A_106 = arith.addi %mul3A_104, %add3A_105 : i32
    "tpu.region"() ({
      %run_scoped3A = tpu.sem_alloc : memref<!tpu.dma_semaphore, #tpu.memory_space<semaphore_mem>>
      %dma_start3A_273 = arith.constant 0 : i32
      %dma_start3A_274 = tpu.memref_slice %arg13[%add3A_106, %dma_start3A_273] : memref<10240x128xf32, #tpu.memory_space<vmem_shared>> -> memref<128x128xf32, #tpu.memory_space<vmem_shared>>
      %dma_start3A_275 = arith.constant 0 : i32
      %dma_start3A_276 = tpu.memref_slice %arg13[%add3A_106, %dma_start3A_275] : memref<10240x128xf32, #tpu.memory_space<vmem_shared>> -> memref<128x128xf32, #tpu.memory_space<vmem_shared>>
      tpu.enqueue_dma source(%arg11 : memref<128x128xf32, #tpu.memory_space<vmem>>) target(%dma_start3A_276 : memref<128x128xf32, #tpu.memory_space<vmem_shared>>) target_semaphore(%run_scoped3A : memref<!tpu.dma_semaphore, #tpu.memory_space<semaphore_mem>>)
      %dma_wait3A_277 = arith.constant 0 : i32
      %dma_wait3A_278 = tpu.memref_slice %arg13[%add3A_106, %dma_wait3A_277] : memref<10240x128xf32, #tpu.memory_space<vmem_shared>> -> memref<128x128xf32, #tpu.memory_space<vmem_shared>>
      %dma_wait3A_279 = arith.constant 0 : i32
      %dma_wait3A_280 = tpu.memref_slice %arg13[%add3A_106, %dma_wait3A_279] : memref<10240x128xf32, #tpu.memory_space<vmem_shared>> -> memref<128x128xf32, #tpu.memory_space<vmem_shared>>
      tpu.wait_dma2 semaphore(%run_scoped3A : memref<!tpu.dma_semaphore, #tpu.memory_space<semaphore_mem>>) src(%arg11 : memref<128x128xf32, #tpu.memory_space<vmem>>) dst(%dma_wait3A_280 : memref<128x128xf32, #tpu.memory_space<vmem_shared>>)
      tpu.yield
    }) : () -> ()
    %barrier3A_107 = arith.constant 0 : index
    tpu.barrier barrier_id(%barrier3A_107)
    %mul3A_108 = arith.constant 3 : i32
    %mul3A_109 = arith.muli %arg0, %mul3A_108 : i32
    %add3A_110 = arith.constant 1 : i32
    %add3A_111 = arith.addi %mul3A_109, %add3A_110 : i32
    %mul3A_112 = arith.constant 327680 : i32
    %mul3A_113 = arith.muli %add3A_111, %mul3A_112 : i32
    %mul3A_114 = arith.constant 20480 : i32
    %mul3A_115 = arith.muli %arg1, %mul3A_114 : i32
    %add3A_116 = arith.addi %mul3A_113, %mul3A_115 : i32
    %mul3A_117 = arith.constant 20480 : i32
    %mul3A_118 = arith.muli %arg1, %mul3A_117 : i32
    %add3A_119 = arith.constant 327680 : i32
    %add3A_120 = arith.addi %add3A_119, %mul3A_118 : i32
    %add3A_121 = arith.constant 0 : i32
    %add3A_122 = arith.addi %add3A_116, %add3A_121 : i32
    "tpu.region"() ({
      %run_scoped3A = tpu.sem_alloc : memref<!tpu.dma_semaphore, #tpu.memory_space<semaphore_mem>>
      %dma_start3A_273 = tpu.memref_slice %arg3[%add3A_122] : memref<1966080xi32, #tpu.memory_space<hbm>> -> memref<128xi32, #tpu.memory_space<hbm>>
      %dma_start3A_274 = tpu.memref_slice %arg3[%add3A_122] : memref<1966080xi32, #tpu.memory_space<hbm>> -> memref<128xi32, #tpu.memory_space<hbm>>
      tpu.enqueue_dma source(%dma_start3A_274 : memref<128xi32, #tpu.memory_space<hbm>>) target(%arg7 : memref<128xi32, #tpu.memory_space<vmem>>) target_semaphore(%run_scoped3A : memref<!tpu.dma_semaphore, #tpu.memory_space<semaphore_mem>>)
      %dma_wait3A_275 = tpu.memref_slice %arg3[%add3A_122] : memref<1966080xi32, #tpu.memory_space<hbm>> -> memref<128xi32, #tpu.memory_space<hbm>>
      %dma_wait3A_276 = tpu.memref_slice %arg3[%add3A_122] : memref<1966080xi32, #tpu.memory_space<hbm>> -> memref<128xi32, #tpu.memory_space<hbm>>
      tpu.wait_dma2 semaphore(%run_scoped3A : memref<!tpu.dma_semaphore, #tpu.memory_space<semaphore_mem>>) src(%dma_wait3A_276 : memref<128xi32, #tpu.memory_space<hbm>>) dst(%arg7 : memref<128xi32, #tpu.memory_space<vmem>>)
      tpu.yield
    }) : () -> ()
    %add3A_123 = arith.constant 0 : i32
    %add3A_124 = arith.addi %add3A_120, %add3A_123 : i32
    "tpu.region"() ({
      %run_scoped3A = tpu.sem_alloc : memref<!tpu.dma_semaphore, #tpu.memory_space<semaphore_mem>>
      %dma_start3A_273 = tpu.memref_slice %arg4[%add3A_124] : memref<983040xi32, #tpu.memory_space<hbm>> -> memref<128xi32, #tpu.memory_space<hbm>>
      %dma_start3A_274 = tpu.memref_slice %arg4[%add3A_124] : memref<983040xi32, #tpu.memory_space<hbm>> -> memref<128xi32, #tpu.memory_space<hbm>>
      tpu.enqueue_dma source(%dma_start3A_274 : memref<128xi32, #tpu.memory_space<hbm>>) target(%arg9 : memref<128xi32, #tpu.memory_space<vmem>>) target_semaphore(%run_scoped3A : memref<!tpu.dma_semaphore, #tpu.memory_space<semaphore_mem>>)
      %dma_wait3A_275 = tpu.memref_slice %arg4[%add3A_124] : memref<983040xi32, #tpu.memory_space<hbm>> -> memref<128xi32, #tpu.memory_space<hbm>>
      %dma_wait3A_276 = tpu.memref_slice %arg4[%add3A_124] : memref<983040xi32, #tpu.memory_space<hbm>> -> memref<128xi32, #tpu.memory_space<hbm>>
      tpu.wait_dma2 semaphore(%run_scoped3A : memref<!tpu.dma_semaphore, #tpu.memory_space<semaphore_mem>>) src(%dma_wait3A_276 : memref<128xi32, #tpu.memory_space<hbm>>) dst(%arg9 : memref<128xi32, #tpu.memory_space<vmem>>)
      tpu.yield
    }) : () -> ()
    %dma_start3A_125 = arith.constant 0 : i32
    %dma_start3A_126 = arith.constant 0 : i32
    %dma_start3A_127 = tpu.memref_slice %arg2[%dma_start3A_125, %dma_start3A_126] : memref<61440x128xf32, #tpu.memory_space<hbm>> -> memref<61440x128xf32, #tpu.memory_space<hbm>>
    tpu.enqueue_indirect_dma source(%dma_start3A_127 : memref<61440x128xf32, #tpu.memory_space<hbm>>) target(%arg11 : memref<128x128xf32, #tpu.memory_space<vmem>>) offsets(%arg7 : memref<128xi32, #tpu.memory_space<vmem>>) semaphore(%arg14 : memref<!tpu.dma_semaphore, #tpu.memory_space<semaphore_mem>>)
    %add3A_128 = arith.constant 128 : i32
    %add3A_129 = arith.addi %add3A_116, %add3A_128 : i32
    "tpu.region"() ({
      %run_scoped3A = tpu.sem_alloc : memref<!tpu.dma_semaphore, #tpu.memory_space<semaphore_mem>>
      %dma_start3A_273 = tpu.memref_slice %arg3[%add3A_129] : memref<1966080xi32, #tpu.memory_space<hbm>> -> memref<128xi32, #tpu.memory_space<hbm>>
      %dma_start3A_274 = tpu.memref_slice %arg3[%add3A_129] : memref<1966080xi32, #tpu.memory_space<hbm>> -> memref<128xi32, #tpu.memory_space<hbm>>
      tpu.enqueue_dma source(%dma_start3A_274 : memref<128xi32, #tpu.memory_space<hbm>>) target(%arg8 : memref<128xi32, #tpu.memory_space<vmem>>) target_semaphore(%run_scoped3A : memref<!tpu.dma_semaphore, #tpu.memory_space<semaphore_mem>>)
      %dma_wait3A_275 = tpu.memref_slice %arg3[%add3A_129] : memref<1966080xi32, #tpu.memory_space<hbm>> -> memref<128xi32, #tpu.memory_space<hbm>>
      %dma_wait3A_276 = tpu.memref_slice %arg3[%add3A_129] : memref<1966080xi32, #tpu.memory_space<hbm>> -> memref<128xi32, #tpu.memory_space<hbm>>
      tpu.wait_dma2 semaphore(%run_scoped3A : memref<!tpu.dma_semaphore, #tpu.memory_space<semaphore_mem>>) src(%dma_wait3A_276 : memref<128xi32, #tpu.memory_space<hbm>>) dst(%arg8 : memref<128xi32, #tpu.memory_space<vmem>>)
      tpu.yield
    }) : () -> ()
    %add3A_130 = arith.constant 128 : i32
    %add3A_131 = arith.addi %add3A_120, %add3A_130 : i32
    "tpu.region"() ({
      %run_scoped3A = tpu.sem_alloc : memref<!tpu.dma_semaphore, #tpu.memory_space<semaphore_mem>>
      %dma_start3A_273 = tpu.memref_slice %arg4[%add3A_131] : memref<983040xi32, #tpu.memory_space<hbm>> -> memref<128xi32, #tpu.memory_space<hbm>>
      %dma_start3A_274 = tpu.memref_slice %arg4[%add3A_131] : memref<983040xi32, #tpu.memory_space<hbm>> -> memref<128xi32, #tpu.memory_space<hbm>>
      tpu.enqueue_dma source(%dma_start3A_274 : memref<128xi32, #tpu.memory_space<hbm>>) target(%arg10 : memref<128xi32, #tpu.memory_space<vmem>>) target_semaphore(%run_scoped3A : memref<!tpu.dma_semaphore, #tpu.memory_space<semaphore_mem>>)
      %dma_wait3A_275 = tpu.memref_slice %arg4[%add3A_131] : memref<983040xi32, #tpu.memory_space<hbm>> -> memref<128xi32, #tpu.memory_space<hbm>>
      %dma_wait3A_276 = tpu.memref_slice %arg4[%add3A_131] : memref<983040xi32, #tpu.memory_space<hbm>> -> memref<128xi32, #tpu.memory_space<hbm>>
      tpu.wait_dma2 semaphore(%run_scoped3A : memref<!tpu.dma_semaphore, #tpu.memory_space<semaphore_mem>>) src(%dma_wait3A_276 : memref<128xi32, #tpu.memory_space<hbm>>) dst(%arg10 : memref<128xi32, #tpu.memory_space<vmem>>)
      tpu.yield
    }) : () -> ()
    %scan3A_132 = arith.constant 0 : i32
    %scan3A_133 = arith.constant 0 : i32
    %scan3A_134 = arith.constant 79 : i32
    %scan3A_135 = arith.addi %scan3A_133, %scan3A_134 : i32
    %scan3A_136 = arith.constant 1 : i32
    scf.for %scan3A_273 = %scan3A_133 to %scan3A_135 step %scan3A_136  : i32 {
      %dma_wait3A_274 = arith.constant 0 : i32
      %dma_wait3A_275 = arith.constant 0 : i32
      %dma_wait3A_276 = tpu.memref_slice %arg2[%dma_wait3A_274, %dma_wait3A_275] : memref<61440x128xf32, #tpu.memory_space<hbm>> -> memref<61440x128xf32, #tpu.memory_space<hbm>>
      tpu.wait_indirect_dma semaphore(%arg14 : memref<!tpu.dma_semaphore, #tpu.memory_space<semaphore_mem>>) src(%dma_wait3A_276 : memref<61440x128xf32, #tpu.memory_space<hbm>>) dst(%arg11 : memref<128x128xf32, #tpu.memory_space<vmem>>)
      %dma_start3A_277 = arith.constant 0 : i32
      %dma_start3A_278 = arith.constant 0 : i32
      %dma_start3A_279 = tpu.memref_slice %arg2[%dma_start3A_277, %dma_start3A_278] : memref<61440x128xf32, #tpu.memory_space<hbm>> -> memref<61440x128xf32, #tpu.memory_space<hbm>>
      tpu.enqueue_indirect_dma source(%dma_start3A_279 : memref<61440x128xf32, #tpu.memory_space<hbm>>) target(%arg12 : memref<128x128xf32, #tpu.memory_space<vmem>>) offsets(%arg8 : memref<128xi32, #tpu.memory_space<vmem>>) semaphore(%arg14 : memref<!tpu.dma_semaphore, #tpu.memory_space<semaphore_mem>>)
      "tpu.region"() ({
        %run_scoped3A = tpu.sem_alloc : memref<!tpu.dma_semaphore, #tpu.memory_space<semaphore_mem>>
        %dma_start3A_306 = arith.constant 0 : i32
        %dma_start3A_307 = arith.constant 0 : i32
        %dma_start3A_308 = tpu.memref_slice %arg13[%dma_start3A_306, %dma_start3A_307] : memref<10240x128xf32, #tpu.memory_space<vmem_shared>> -> memref<10240x128xf32, #tpu.memory_space<vmem_shared>>
        tpu.enqueue_indirect_dma source(%arg11 : memref<128x128xf32, #tpu.memory_space<vmem>>) target(%dma_start3A_308 : memref<10240x128xf32, #tpu.memory_space<vmem_shared>>) offsets(%arg9 : memref<128xi32, #tpu.memory_space<vmem>>) semaphore(%run_scoped3A : memref<!tpu.dma_semaphore, #tpu.memory_space<semaphore_mem>>) {add = true}
        %dma_wait3A_309 = arith.constant 0 : i32
        %dma_wait3A_310 = arith.constant 0 : i32
        %dma_wait3A_311 = tpu.memref_slice %arg13[%dma_wait3A_309, %dma_wait3A_310] : memref<10240x128xf32, #tpu.memory_space<vmem_shared>> -> memref<10240x128xf32, #tpu.memory_space<vmem_shared>>
        tpu.wait_indirect_dma semaphore(%run_scoped3A : memref<!tpu.dma_semaphore, #tpu.memory_space<semaphore_mem>>) src(%arg11 : memref<128x128xf32, #tpu.memory_space<vmem>>) dst(%dma_wait3A_311 : memref<10240x128xf32, #tpu.memory_space<vmem_shared>>)
        tpu.yield
      }) : () -> ()
      %mul3A_280 = arith.constant 2 : i32
      %mul3A_281 = arith.muli %mul3A_280, %scan3A_273 : i32
      %add3A_282 = arith.constant 2 : i32
      %add3A_283 = arith.addi %mul3A_281, %add3A_282 : i32
      %mul3A_284 = arith.constant 128 : i32
      %mul3A_285 = arith.muli %add3A_283, %mul3A_284 : i32
      %add3A_286 = arith.addi %add3A_116, %mul3A_285 : i32
      "tpu.region"() ({
        %run_scoped3A = tpu.sem_alloc : memref<!tpu.dma_semaphore, #tpu.memory_space<semaphore_mem>>
        %dma_start3A_306 = tpu.memref_slice %arg3[%add3A_286] : memref<1966080xi32, #tpu.memory_space<hbm>> -> memref<128xi32, #tpu.memory_space<hbm>>
        %dma_start3A_307 = tpu.memref_slice %arg3[%add3A_286] : memref<1966080xi32, #tpu.memory_space<hbm>> -> memref<128xi32, #tpu.memory_space<hbm>>
        tpu.enqueue_dma source(%dma_start3A_307 : memref<128xi32, #tpu.memory_space<hbm>>) target(%arg7 : memref<128xi32, #tpu.memory_space<vmem>>) target_semaphore(%run_scoped3A : memref<!tpu.dma_semaphore, #tpu.memory_space<semaphore_mem>>)
        %dma_wait3A_308 = tpu.memref_slice %arg3[%add3A_286] : memref<1966080xi32, #tpu.memory_space<hbm>> -> memref<128xi32, #tpu.memory_space<hbm>>
        %dma_wait3A_309 = tpu.memref_slice %arg3[%add3A_286] : memref<1966080xi32, #tpu.memory_space<hbm>> -> memref<128xi32, #tpu.memory_space<hbm>>
        tpu.wait_dma2 semaphore(%run_scoped3A : memref<!tpu.dma_semaphore, #tpu.memory_space<semaphore_mem>>) src(%dma_wait3A_309 : memref<128xi32, #tpu.memory_space<hbm>>) dst(%arg7 : memref<128xi32, #tpu.memory_space<vmem>>)
        tpu.yield
      }) : () -> ()
      %mul3A_287 = arith.constant 128 : i32
      %mul3A_288 = arith.muli %add3A_283, %mul3A_287 : i32
      %add3A_289 = arith.addi %add3A_120, %mul3A_288 : i32
      "tpu.region"() ({
        %run_scoped3A = tpu.sem_alloc : memref<!tpu.dma_semaphore, #tpu.memory_space<semaphore_mem>>
        %dma_start3A_306 = tpu.memref_slice %arg4[%add3A_289] : memref<983040xi32, #tpu.memory_space<hbm>> -> memref<128xi32, #tpu.memory_space<hbm>>
        %dma_start3A_307 = tpu.memref_slice %arg4[%add3A_289] : memref<983040xi32, #tpu.memory_space<hbm>> -> memref<128xi32, #tpu.memory_space<hbm>>
        tpu.enqueue_dma source(%dma_start3A_307 : memref<128xi32, #tpu.memory_space<hbm>>) target(%arg9 : memref<128xi32, #tpu.memory_space<vmem>>) target_semaphore(%run_scoped3A : memref<!tpu.dma_semaphore, #tpu.memory_space<semaphore_mem>>)
        %dma_wait3A_308 = tpu.memref_slice %arg4[%add3A_289] : memref<983040xi32, #tpu.memory_space<hbm>> -> memref<128xi32, #tpu.memory_space<hbm>>
        %dma_wait3A_309 = tpu.memref_slice %arg4[%add3A_289] : memref<983040xi32, #tpu.memory_space<hbm>> -> memref<128xi32, #tpu.memory_space<hbm>>
        tpu.wait_dma2 semaphore(%run_scoped3A : memref<!tpu.dma_semaphore, #tpu.memory_space<semaphore_mem>>) src(%dma_wait3A_309 : memref<128xi32, #tpu.memory_space<hbm>>) dst(%arg9 : memref<128xi32, #tpu.memory_space<vmem>>)
        tpu.yield
      }) : () -> ()
      %dma_start3A_290 = arith.constant 0 : i32
      %dma_start3A_291 = arith.constant 0 : i32
      %dma_start3A_292 = tpu.memref_slice %arg2[%dma_start3A_290, %dma_start3A_291] : memref<61440x128xf32, #tpu.memory_space<hbm>> -> memref<61440x128xf32, #tpu.memory_space<hbm>>
      tpu.enqueue_indirect_dma source(%dma_start3A_292 : memref<61440x128xf32, #tpu.memory_space<hbm>>) target(%arg11 : memref<128x128xf32, #tpu.memory_space<vmem>>) offsets(%arg7 : memref<128xi32, #tpu.memory_space<vmem>>) semaphore(%arg14 : memref<!tpu.dma_semaphore, #tpu.memory_space<semaphore_mem>>)
      %dma_wait3A_293 = arith.constant 0 : i32
      %dma_wait3A_294 = arith.constant 0 : i32
      %dma_wait3A_295 = tpu.memref_slice %arg2[%dma_wait3A_293, %dma_wait3A_294] : memref<61440x128xf32, #tpu.memory_space<hbm>> -> memref<61440x128xf32, #tpu.memory_space<hbm>>
      tpu.wait_indirect_dma semaphore(%arg14 : memref<!tpu.dma_semaphore, #tpu.memory_space<semaphore_mem>>) src(%dma_wait3A_295 : memref<61440x128xf32, #tpu.memory_space<hbm>>) dst(%arg12 : memref<128x128xf32, #tpu.memory_space<vmem>>)
      "tpu.region"() ({
        %run_scoped3A = tpu.sem_alloc : memref<!tpu.dma_semaphore, #tpu.memory_space<semaphore_mem>>
        %dma_start3A_306 = arith.constant 0 : i32
        %dma_start3A_307 = arith.constant 0 : i32
        %dma_start3A_308 = tpu.memref_slice %arg13[%dma_start3A_306, %dma_start3A_307] : memref<10240x128xf32, #tpu.memory_space<vmem_shared>> -> memref<10240x128xf32, #tpu.memory_space<vmem_shared>>
        tpu.enqueue_indirect_dma source(%arg12 : memref<128x128xf32, #tpu.memory_space<vmem>>) target(%dma_start3A_308 : memref<10240x128xf32, #tpu.memory_space<vmem_shared>>) offsets(%arg10 : memref<128xi32, #tpu.memory_space<vmem>>) semaphore(%run_scoped3A : memref<!tpu.dma_semaphore, #tpu.memory_space<semaphore_mem>>) {add = true}
        %dma_wait3A_309 = arith.constant 0 : i32
        %dma_wait3A_310 = arith.constant 0 : i32
        %dma_wait3A_311 = tpu.memref_slice %arg13[%dma_wait3A_309, %dma_wait3A_310] : memref<10240x128xf32, #tpu.memory_space<vmem_shared>> -> memref<10240x128xf32, #tpu.memory_space<vmem_shared>>
        tpu.wait_indirect_dma semaphore(%run_scoped3A : memref<!tpu.dma_semaphore, #tpu.memory_space<semaphore_mem>>) src(%arg12 : memref<128x128xf32, #tpu.memory_space<vmem>>) dst(%dma_wait3A_311 : memref<10240x128xf32, #tpu.memory_space<vmem_shared>>)
        tpu.yield
      }) : () -> ()
      %mul3A_296 = arith.constant 2 : i32
      %mul3A_297 = arith.muli %mul3A_296, %scan3A_273 : i32
      %add3A_298 = arith.constant 3 : i32
      %add3A_299 = arith.addi %mul3A_297, %add3A_298 : i32
      %mul3A_300 = arith.constant 128 : i32
      %mul3A_301 = arith.muli %add3A_299, %mul3A_300 : i32
      %add3A_302 = arith.addi %add3A_116, %mul3A_301 : i32
      "tpu.region"() ({
        %run_scoped3A = tpu.sem_alloc : memref<!tpu.dma_semaphore, #tpu.memory_space<semaphore_mem>>
        %dma_start3A_306 = tpu.memref_slice %arg3[%add3A_302] : memref<1966080xi32, #tpu.memory_space<hbm>> -> memref<128xi32, #tpu.memory_space<hbm>>
        %dma_start3A_307 = tpu.memref_slice %arg3[%add3A_302] : memref<1966080xi32, #tpu.memory_space<hbm>> -> memref<128xi32, #tpu.memory_space<hbm>>
        tpu.enqueue_dma source(%dma_start3A_307 : memref<128xi32, #tpu.memory_space<hbm>>) target(%arg8 : memref<128xi32, #tpu.memory_space<vmem>>) target_semaphore(%run_scoped3A : memref<!tpu.dma_semaphore, #tpu.memory_space<semaphore_mem>>)
        %dma_wait3A_308 = tpu.memref_slice %arg3[%add3A_302] : memref<1966080xi32, #tpu.memory_space<hbm>> -> memref<128xi32, #tpu.memory_space<hbm>>
        %dma_wait3A_309 = tpu.memref_slice %arg3[%add3A_302] : memref<1966080xi32, #tpu.memory_space<hbm>> -> memref<128xi32, #tpu.memory_space<hbm>>
        tpu.wait_dma2 semaphore(%run_scoped3A : memref<!tpu.dma_semaphore, #tpu.memory_space<semaphore_mem>>) src(%dma_wait3A_309 : memref<128xi32, #tpu.memory_space<hbm>>) dst(%arg8 : memref<128xi32, #tpu.memory_space<vmem>>)
        tpu.yield
      }) : () -> ()
      %mul3A_303 = arith.constant 128 : i32
      %mul3A_304 = arith.muli %add3A_299, %mul3A_303 : i32
      %add3A_305 = arith.addi %add3A_120, %mul3A_304 : i32
      "tpu.region"() ({
        %run_scoped3A = tpu.sem_alloc : memref<!tpu.dma_semaphore, #tpu.memory_space<semaphore_mem>>
        %dma_start3A_306 = tpu.memref_slice %arg4[%add3A_305] : memref<983040xi32, #tpu.memory_space<hbm>> -> memref<128xi32, #tpu.memory_space<hbm>>
        %dma_start3A_307 = tpu.memref_slice %arg4[%add3A_305] : memref<983040xi32, #tpu.memory_space<hbm>> -> memref<128xi32, #tpu.memory_space<hbm>>
        tpu.enqueue_dma source(%dma_start3A_307 : memref<128xi32, #tpu.memory_space<hbm>>) target(%arg10 : memref<128xi32, #tpu.memory_space<vmem>>) target_semaphore(%run_scoped3A : memref<!tpu.dma_semaphore, #tpu.memory_space<semaphore_mem>>)
        %dma_wait3A_308 = tpu.memref_slice %arg4[%add3A_305] : memref<983040xi32, #tpu.memory_space<hbm>> -> memref<128xi32, #tpu.memory_space<hbm>>
        %dma_wait3A_309 = tpu.memref_slice %arg4[%add3A_305] : memref<983040xi32, #tpu.memory_space<hbm>> -> memref<128xi32, #tpu.memory_space<hbm>>
        tpu.wait_dma2 semaphore(%run_scoped3A : memref<!tpu.dma_semaphore, #tpu.memory_space<semaphore_mem>>) src(%dma_wait3A_309 : memref<128xi32, #tpu.memory_space<hbm>>) dst(%arg10 : memref<128xi32, #tpu.memory_space<vmem>>)
        tpu.yield
      }) : () -> ()
    }
    %scan3A_137 = arith.constant 79 : i32
    %dma_wait3A_138 = arith.constant 0 : i32
    %dma_wait3A_139 = arith.constant 0 : i32
    %dma_wait3A_140 = tpu.memref_slice %arg2[%dma_wait3A_138, %dma_wait3A_139] : memref<61440x128xf32, #tpu.memory_space<hbm>> -> memref<61440x128xf32, #tpu.memory_space<hbm>>
    tpu.wait_indirect_dma semaphore(%arg14 : memref<!tpu.dma_semaphore, #tpu.memory_space<semaphore_mem>>) src(%dma_wait3A_140 : memref<61440x128xf32, #tpu.memory_space<hbm>>) dst(%arg11 : memref<128x128xf32, #tpu.memory_space<vmem>>)
    %dma_start3A_141 = arith.constant 0 : i32
    %dma_start3A_142 = arith.constant 0 : i32
    %dma_start3A_143 = tpu.memref_slice %arg2[%dma_start3A_141, %dma_start3A_142] : memref<61440x128xf32, #tpu.memory_space<hbm>> -> memref<61440x128xf32, #tpu.memory_space<hbm>>
    tpu.enqueue_indirect_dma source(%dma_start3A_143 : memref<61440x128xf32, #tpu.memory_space<hbm>>) target(%arg12 : memref<128x128xf32, #tpu.memory_space<vmem>>) offsets(%arg8 : memref<128xi32, #tpu.memory_space<vmem>>) semaphore(%arg14 : memref<!tpu.dma_semaphore, #tpu.memory_space<semaphore_mem>>)
    "tpu.region"() ({
      %run_scoped3A = tpu.sem_alloc : memref<!tpu.dma_semaphore, #tpu.memory_space<semaphore_mem>>
      %dma_start3A_273 = arith.constant 0 : i32
      %dma_start3A_274 = arith.constant 0 : i32
      %dma_start3A_275 = tpu.memref_slice %arg13[%dma_start3A_273, %dma_start3A_274] : memref<10240x128xf32, #tpu.memory_space<vmem_shared>> -> memref<10240x128xf32, #tpu.memory_space<vmem_shared>>
      tpu.enqueue_indirect_dma source(%arg11 : memref<128x128xf32, #tpu.memory_space<vmem>>) target(%dma_start3A_275 : memref<10240x128xf32, #tpu.memory_space<vmem_shared>>) offsets(%arg9 : memref<128xi32, #tpu.memory_space<vmem>>) semaphore(%run_scoped3A : memref<!tpu.dma_semaphore, #tpu.memory_space<semaphore_mem>>) {add = true}
      %dma_wait3A_276 = arith.constant 0 : i32
      %dma_wait3A_277 = arith.constant 0 : i32
      %dma_wait3A_278 = tpu.memref_slice %arg13[%dma_wait3A_276, %dma_wait3A_277] : memref<10240x128xf32, #tpu.memory_space<vmem_shared>> -> memref<10240x128xf32, #tpu.memory_space<vmem_shared>>
      tpu.wait_indirect_dma semaphore(%run_scoped3A : memref<!tpu.dma_semaphore, #tpu.memory_space<semaphore_mem>>) src(%arg11 : memref<128x128xf32, #tpu.memory_space<vmem>>) dst(%dma_wait3A_278 : memref<10240x128xf32, #tpu.memory_space<vmem_shared>>)
      tpu.yield
    }) : () -> ()
    %dma_wait3A_144 = arith.constant 0 : i32
    %dma_wait3A_145 = arith.constant 0 : i32
    %dma_wait3A_146 = tpu.memref_slice %arg2[%dma_wait3A_144, %dma_wait3A_145] : memref<61440x128xf32, #tpu.memory_space<hbm>> -> memref<61440x128xf32, #tpu.memory_space<hbm>>
    tpu.wait_indirect_dma semaphore(%arg14 : memref<!tpu.dma_semaphore, #tpu.memory_space<semaphore_mem>>) src(%dma_wait3A_146 : memref<61440x128xf32, #tpu.memory_space<hbm>>) dst(%arg12 : memref<128x128xf32, #tpu.memory_space<vmem>>)
    "tpu.region"() ({
      %run_scoped3A = tpu.sem_alloc : memref<!tpu.dma_semaphore, #tpu.memory_space<semaphore_mem>>
      %dma_start3A_273 = arith.constant 0 : i32
      %dma_start3A_274 = arith.constant 0 : i32
      %dma_start3A_275 = tpu.memref_slice %arg13[%dma_start3A_273, %dma_start3A_274] : memref<10240x128xf32, #tpu.memory_space<vmem_shared>> -> memref<10240x128xf32, #tpu.memory_space<vmem_shared>>
      tpu.enqueue_indirect_dma source(%arg12 : memref<128x128xf32, #tpu.memory_space<vmem>>) target(%dma_start3A_275 : memref<10240x128xf32, #tpu.memory_space<vmem_shared>>) offsets(%arg10 : memref<128xi32, #tpu.memory_space<vmem>>) semaphore(%run_scoped3A : memref<!tpu.dma_semaphore, #tpu.memory_space<semaphore_mem>>) {add = true}
      %dma_wait3A_276 = arith.constant 0 : i32
      %dma_wait3A_277 = arith.constant 0 : i32
      %dma_wait3A_278 = tpu.memref_slice %arg13[%dma_wait3A_276, %dma_wait3A_277] : memref<10240x128xf32, #tpu.memory_space<vmem_shared>> -> memref<10240x128xf32, #tpu.memory_space<vmem_shared>>
      tpu.wait_indirect_dma semaphore(%run_scoped3A : memref<!tpu.dma_semaphore, #tpu.memory_space<semaphore_mem>>) src(%arg12 : memref<128x128xf32, #tpu.memory_space<vmem>>) dst(%dma_wait3A_278 : memref<10240x128xf32, #tpu.memory_space<vmem_shared>>)
      tpu.yield
    }) : () -> ()
    %barrier3A_147 = arith.constant 0 : index
    tpu.barrier barrier_id(%barrier3A_147)
    %mul3A_148 = arith.constant 3 : i32
    %mul3A_149 = arith.muli %arg0, %mul3A_148 : i32
    %add3A_150 = arith.constant 1 : i32
    %add3A_151 = arith.addi %mul3A_149, %add3A_150 : i32
    %mul3A_152 = arith.constant 10240 : i32
    %mul3A_153 = arith.muli %add3A_151, %mul3A_152 : i32
    %mul3A_154 = arith.constant 640 : i32
    %mul3A_155 = arith.muli %arg1, %mul3A_154 : i32
    %add3A_156 = arith.constant 0 : i32
    %add3A_157 = arith.addi %mul3A_155, %add3A_156 : i32
    %add3A_158 = arith.addi %mul3A_153, %add3A_157 : i32
    "tpu.region"() ({
      %run_scoped3A = tpu.sem_alloc : memref<!tpu.dma_semaphore, #tpu.memory_space<semaphore_mem>>
      %dma_start3A_273 = arith.constant 0 : i32
      %dma_start3A_274 = tpu.memref_slice %arg6[%add3A_158, %dma_start3A_273] : memref<61440x128xf32, #tpu.memory_space<hbm>> -> memref<128x128xf32, #tpu.memory_space<hbm>>
      %dma_start3A_275 = arith.constant 0 : i32
      %dma_start3A_276 = tpu.memref_slice %arg13[%add3A_157, %dma_start3A_275] : memref<10240x128xf32, #tpu.memory_space<vmem_shared>> -> memref<128x128xf32, #tpu.memory_space<vmem_shared>>
      tpu.enqueue_dma source(%dma_start3A_276 : memref<128x128xf32, #tpu.memory_space<vmem_shared>>) target(%dma_start3A_274 : memref<128x128xf32, #tpu.memory_space<hbm>>) target_semaphore(%run_scoped3A : memref<!tpu.dma_semaphore, #tpu.memory_space<semaphore_mem>>)
      %dma_wait3A_277 = arith.constant 0 : i32
      %dma_wait3A_278 = tpu.memref_slice %arg6[%add3A_158, %dma_wait3A_277] : memref<61440x128xf32, #tpu.memory_space<hbm>> -> memref<128x128xf32, #tpu.memory_space<hbm>>
      %dma_wait3A_279 = arith.constant 0 : i32
      %dma_wait3A_280 = tpu.memref_slice %arg13[%add3A_157, %dma_wait3A_279] : memref<10240x128xf32, #tpu.memory_space<vmem_shared>> -> memref<128x128xf32, #tpu.memory_space<vmem_shared>>
      tpu.wait_dma2 semaphore(%run_scoped3A : memref<!tpu.dma_semaphore, #tpu.memory_space<semaphore_mem>>) src(%dma_wait3A_280 : memref<128x128xf32, #tpu.memory_space<vmem_shared>>) dst(%dma_wait3A_278 : memref<128x128xf32, #tpu.memory_space<hbm>>)
      tpu.yield
    }) : () -> ()
    %mul3A_159 = arith.constant 640 : i32
    %mul3A_160 = arith.muli %arg1, %mul3A_159 : i32
    %add3A_161 = arith.constant 128 : i32
    %add3A_162 = arith.addi %mul3A_160, %add3A_161 : i32
    %add3A_163 = arith.addi %mul3A_153, %add3A_162 : i32
    "tpu.region"() ({
      %run_scoped3A = tpu.sem_alloc : memref<!tpu.dma_semaphore, #tpu.memory_space<semaphore_mem>>
      %dma_start3A_273 = arith.constant 0 : i32
      %dma_start3A_274 = tpu.memref_slice %arg6[%add3A_163, %dma_start3A_273] : memref<61440x128xf32, #tpu.memory_space<hbm>> -> memref<128x128xf32, #tpu.memory_space<hbm>>
      %dma_start3A_275 = arith.constant 0 : i32
      %dma_start3A_276 = tpu.memref_slice %arg13[%add3A_162, %dma_start3A_275] : memref<10240x128xf32, #tpu.memory_space<vmem_shared>> -> memref<128x128xf32, #tpu.memory_space<vmem_shared>>
      tpu.enqueue_dma source(%dma_start3A_276 : memref<128x128xf32, #tpu.memory_space<vmem_shared>>) target(%dma_start3A_274 : memref<128x128xf32, #tpu.memory_space<hbm>>) target_semaphore(%run_scoped3A : memref<!tpu.dma_semaphore, #tpu.memory_space<semaphore_mem>>)
      %dma_wait3A_277 = arith.constant 0 : i32
      %dma_wait3A_278 = tpu.memref_slice %arg6[%add3A_163, %dma_wait3A_277] : memref<61440x128xf32, #tpu.memory_space<hbm>> -> memref<128x128xf32, #tpu.memory_space<hbm>>
      %dma_wait3A_279 = arith.constant 0 : i32
      %dma_wait3A_280 = tpu.memref_slice %arg13[%add3A_162, %dma_wait3A_279] : memref<10240x128xf32, #tpu.memory_space<vmem_shared>> -> memref<128x128xf32, #tpu.memory_space<vmem_shared>>
      tpu.wait_dma2 semaphore(%run_scoped3A : memref<!tpu.dma_semaphore, #tpu.memory_space<semaphore_mem>>) src(%dma_wait3A_280 : memref<128x128xf32, #tpu.memory_space<vmem_shared>>) dst(%dma_wait3A_278 : memref<128x128xf32, #tpu.memory_space<hbm>>)
      tpu.yield
    }) : () -> ()
    %mul3A_164 = arith.constant 640 : i32
    %mul3A_165 = arith.muli %arg1, %mul3A_164 : i32
    %add3A_166 = arith.constant 256 : i32
    %add3A_167 = arith.addi %mul3A_165, %add3A_166 : i32
    %add3A_168 = arith.addi %mul3A_153, %add3A_167 : i32
    "tpu.region"() ({
      %run_scoped3A = tpu.sem_alloc : memref<!tpu.dma_semaphore, #tpu.memory_space<semaphore_mem>>
      %dma_start3A_273 = arith.constant 0 : i32
      %dma_start3A_274 = tpu.memref_slice %arg6[%add3A_168, %dma_start3A_273] : memref<61440x128xf32, #tpu.memory_space<hbm>> -> memref<128x128xf32, #tpu.memory_space<hbm>>
      %dma_start3A_275 = arith.constant 0 : i32
      %dma_start3A_276 = tpu.memref_slice %arg13[%add3A_167, %dma_start3A_275] : memref<10240x128xf32, #tpu.memory_space<vmem_shared>> -> memref<128x128xf32, #tpu.memory_space<vmem_shared>>
      tpu.enqueue_dma source(%dma_start3A_276 : memref<128x128xf32, #tpu.memory_space<vmem_shared>>) target(%dma_start3A_274 : memref<128x128xf32, #tpu.memory_space<hbm>>) target_semaphore(%run_scoped3A : memref<!tpu.dma_semaphore, #tpu.memory_space<semaphore_mem>>)
      %dma_wait3A_277 = arith.constant 0 : i32
      %dma_wait3A_278 = tpu.memref_slice %arg6[%add3A_168, %dma_wait3A_277] : memref<61440x128xf32, #tpu.memory_space<hbm>> -> memref<128x128xf32, #tpu.memory_space<hbm>>
      %dma_wait3A_279 = arith.constant 0 : i32
      %dma_wait3A_280 = tpu.memref_slice %arg13[%add3A_167, %dma_wait3A_279] : memref<10240x128xf32, #tpu.memory_space<vmem_shared>> -> memref<128x128xf32, #tpu.memory_space<vmem_shared>>
      tpu.wait_dma2 semaphore(%run_scoped3A : memref<!tpu.dma_semaphore, #tpu.memory_space<semaphore_mem>>) src(%dma_wait3A_280 : memref<128x128xf32, #tpu.memory_space<vmem_shared>>) dst(%dma_wait3A_278 : memref<128x128xf32, #tpu.memory_space<hbm>>)
      tpu.yield
    }) : () -> ()
    %mul3A_169 = arith.constant 640 : i32
    %mul3A_170 = arith.muli %arg1, %mul3A_169 : i32
    %add3A_171 = arith.constant 384 : i32
    %add3A_172 = arith.addi %mul3A_170, %add3A_171 : i32
    %add3A_173 = arith.addi %mul3A_153, %add3A_172 : i32
    "tpu.region"() ({
      %run_scoped3A = tpu.sem_alloc : memref<!tpu.dma_semaphore, #tpu.memory_space<semaphore_mem>>
      %dma_start3A_273 = arith.constant 0 : i32
      %dma_start3A_274 = tpu.memref_slice %arg6[%add3A_173, %dma_start3A_273] : memref<61440x128xf32, #tpu.memory_space<hbm>> -> memref<128x128xf32, #tpu.memory_space<hbm>>
      %dma_start3A_275 = arith.constant 0 : i32
      %dma_start3A_276 = tpu.memref_slice %arg13[%add3A_172, %dma_start3A_275] : memref<10240x128xf32, #tpu.memory_space<vmem_shared>> -> memref<128x128xf32, #tpu.memory_space<vmem_shared>>
      tpu.enqueue_dma source(%dma_start3A_276 : memref<128x128xf32, #tpu.memory_space<vmem_shared>>) target(%dma_start3A_274 : memref<128x128xf32, #tpu.memory_space<hbm>>) target_semaphore(%run_scoped3A : memref<!tpu.dma_semaphore, #tpu.memory_space<semaphore_mem>>)
      %dma_wait3A_277 = arith.constant 0 : i32
      %dma_wait3A_278 = tpu.memref_slice %arg6[%add3A_173, %dma_wait3A_277] : memref<61440x128xf32, #tpu.memory_space<hbm>> -> memref<128x128xf32, #tpu.memory_space<hbm>>
      %dma_wait3A_279 = arith.constant 0 : i32
      %dma_wait3A_280 = tpu.memref_slice %arg13[%add3A_172, %dma_wait3A_279] : memref<10240x128xf32, #tpu.memory_space<vmem_shared>> -> memref<128x128xf32, #tpu.memory_space<vmem_shared>>
      tpu.wait_dma2 semaphore(%run_scoped3A : memref<!tpu.dma_semaphore, #tpu.memory_space<semaphore_mem>>) src(%dma_wait3A_280 : memref<128x128xf32, #tpu.memory_space<vmem_shared>>) dst(%dma_wait3A_278 : memref<128x128xf32, #tpu.memory_space<hbm>>)
      tpu.yield
    }) : () -> ()
    %mul3A_174 = arith.constant 640 : i32
    %mul3A_175 = arith.muli %arg1, %mul3A_174 : i32
    %add3A_176 = arith.constant 512 : i32
    %add3A_177 = arith.addi %mul3A_175, %add3A_176 : i32
    %add3A_178 = arith.addi %mul3A_153, %add3A_177 : i32
    "tpu.region"() ({
      %run_scoped3A = tpu.sem_alloc : memref<!tpu.dma_semaphore, #tpu.memory_space<semaphore_mem>>
      %dma_start3A_273 = arith.constant 0 : i32
      %dma_start3A_274 = tpu.memref_slice %arg6[%add3A_178, %dma_start3A_273] : memref<61440x128xf32, #tpu.memory_space<hbm>> -> memref<128x128xf32, #tpu.memory_space<hbm>>
      %dma_start3A_275 = arith.constant 0 : i32
      %dma_start3A_276 = tpu.memref_slice %arg13[%add3A_177, %dma_start3A_275] : memref<10240x128xf32, #tpu.memory_space<vmem_shared>> -> memref<128x128xf32, #tpu.memory_space<vmem_shared>>
      tpu.enqueue_dma source(%dma_start3A_276 : memref<128x128xf32, #tpu.memory_space<vmem_shared>>) target(%dma_start3A_274 : memref<128x128xf32, #tpu.memory_space<hbm>>) target_semaphore(%run_scoped3A : memref<!tpu.dma_semaphore, #tpu.memory_space<semaphore_mem>>)
      %dma_wait3A_277 = arith.constant 0 : i32
      %dma_wait3A_278 = tpu.memref_slice %arg6[%add3A_178, %dma_wait3A_277] : memref<61440x128xf32, #tpu.memory_space<hbm>> -> memref<128x128xf32, #tpu.memory_space<hbm>>
      %dma_wait3A_279 = arith.constant 0 : i32
      %dma_wait3A_280 = tpu.memref_slice %arg13[%add3A_177, %dma_wait3A_279] : memref<10240x128xf32, #tpu.memory_space<vmem_shared>> -> memref<128x128xf32, #tpu.memory_space<vmem_shared>>
      tpu.wait_dma2 semaphore(%run_scoped3A : memref<!tpu.dma_semaphore, #tpu.memory_space<semaphore_mem>>) src(%dma_wait3A_280 : memref<128x128xf32, #tpu.memory_space<vmem_shared>>) dst(%dma_wait3A_278 : memref<128x128xf32, #tpu.memory_space<hbm>>)
      tpu.yield
    }) : () -> ()
    %barrier3A_179 = arith.constant 0 : index
    tpu.barrier barrier_id(%barrier3A_179)
    "tpu.region"() ({
      %run_scoped3A = tpu.sem_alloc : memref<!tpu.dma_semaphore, #tpu.memory_space<semaphore_mem>>
      tpu.enqueue_dma source(%arg5 : memref<128x128xf32, #tpu.memory_space<hbm>>) target(%arg11 : memref<128x128xf32, #tpu.memory_space<vmem>>) target_semaphore(%run_scoped3A : memref<!tpu.dma_semaphore, #tpu.memory_space<semaphore_mem>>)
      tpu.wait_dma2 semaphore(%run_scoped3A : memref<!tpu.dma_semaphore, #tpu.memory_space<semaphore_mem>>) src(%arg5 : memref<128x128xf32, #tpu.memory_space<hbm>>) dst(%arg11 : memref<128x128xf32, #tpu.memory_space<vmem>>)
      tpu.yield
    }) : () -> ()
    %mul3A_180 = arith.constant 640 : i32
    %mul3A_181 = arith.muli %arg1, %mul3A_180 : i32
    %add3A_182 = arith.constant 0 : i32
    %add3A_183 = arith.addi %mul3A_181, %add3A_182 : i32
    "tpu.region"() ({
      %run_scoped3A = tpu.sem_alloc : memref<!tpu.dma_semaphore, #tpu.memory_space<semaphore_mem>>
      %dma_start3A_273 = arith.constant 0 : i32
      %dma_start3A_274 = tpu.memref_slice %arg13[%add3A_183, %dma_start3A_273] : memref<10240x128xf32, #tpu.memory_space<vmem_shared>> -> memref<128x128xf32, #tpu.memory_space<vmem_shared>>
      %dma_start3A_275 = arith.constant 0 : i32
      %dma_start3A_276 = tpu.memref_slice %arg13[%add3A_183, %dma_start3A_275] : memref<10240x128xf32, #tpu.memory_space<vmem_shared>> -> memref<128x128xf32, #tpu.memory_space<vmem_shared>>
      tpu.enqueue_dma source(%arg11 : memref<128x128xf32, #tpu.memory_space<vmem>>) target(%dma_start3A_276 : memref<128x128xf32, #tpu.memory_space<vmem_shared>>) target_semaphore(%run_scoped3A : memref<!tpu.dma_semaphore, #tpu.memory_space<semaphore_mem>>)
      %dma_wait3A_277 = arith.constant 0 : i32
      %dma_wait3A_278 = tpu.memref_slice %arg13[%add3A_183, %dma_wait3A_277] : memref<10240x128xf32, #tpu.memory_space<vmem_shared>> -> memref<128x128xf32, #tpu.memory_space<vmem_shared>>
      %dma_wait3A_279 = arith.constant 0 : i32
      %dma_wait3A_280 = tpu.memref_slice %arg13[%add3A_183, %dma_wait3A_279] : memref<10240x128xf32, #tpu.memory_space<vmem_shared>> -> memref<128x128xf32, #tpu.memory_space<vmem_shared>>
      tpu.wait_dma2 semaphore(%run_scoped3A : memref<!tpu.dma_semaphore, #tpu.memory_space<semaphore_mem>>) src(%arg11 : memref<128x128xf32, #tpu.memory_space<vmem>>) dst(%dma_wait3A_280 : memref<128x128xf32, #tpu.memory_space<vmem_shared>>)
      tpu.yield
    }) : () -> ()
    %mul3A_184 = arith.constant 640 : i32
    %mul3A_185 = arith.muli %arg1, %mul3A_184 : i32
    %add3A_186 = arith.constant 128 : i32
    %add3A_187 = arith.addi %mul3A_185, %add3A_186 : i32
    "tpu.region"() ({
      %run_scoped3A = tpu.sem_alloc : memref<!tpu.dma_semaphore, #tpu.memory_space<semaphore_mem>>
      %dma_start3A_273 = arith.constant 0 : i32
      %dma_start3A_274 = tpu.memref_slice %arg13[%add3A_187, %dma_start3A_273] : memref<10240x128xf32, #tpu.memory_space<vmem_shared>> -> memref<128x128xf32, #tpu.memory_space<vmem_shared>>
      %dma_start3A_275 = arith.constant 0 : i32
      %dma_start3A_276 = tpu.memref_slice %arg13[%add3A_187, %dma_start3A_275] : memref<10240x128xf32, #tpu.memory_space<vmem_shared>> -> memref<128x128xf32, #tpu.memory_space<vmem_shared>>
      tpu.enqueue_dma source(%arg11 : memref<128x128xf32, #tpu.memory_space<vmem>>) target(%dma_start3A_276 : memref<128x128xf32, #tpu.memory_space<vmem_shared>>) target_semaphore(%run_scoped3A : memref<!tpu.dma_semaphore, #tpu.memory_space<semaphore_mem>>)
      %dma_wait3A_277 = arith.constant 0 : i32
      %dma_wait3A_278 = tpu.memref_slice %arg13[%add3A_187, %dma_wait3A_277] : memref<10240x128xf32, #tpu.memory_space<vmem_shared>> -> memref<128x128xf32, #tpu.memory_space<vmem_shared>>
      %dma_wait3A_279 = arith.constant 0 : i32
      %dma_wait3A_280 = tpu.memref_slice %arg13[%add3A_187, %dma_wait3A_279] : memref<10240x128xf32, #tpu.memory_space<vmem_shared>> -> memref<128x128xf32, #tpu.memory_space<vmem_shared>>
      tpu.wait_dma2 semaphore(%run_scoped3A : memref<!tpu.dma_semaphore, #tpu.memory_space<semaphore_mem>>) src(%arg11 : memref<128x128xf32, #tpu.memory_space<vmem>>) dst(%dma_wait3A_280 : memref<128x128xf32, #tpu.memory_space<vmem_shared>>)
      tpu.yield
    }) : () -> ()
    %mul3A_188 = arith.constant 640 : i32
    %mul3A_189 = arith.muli %arg1, %mul3A_188 : i32
    %add3A_190 = arith.constant 256 : i32
    %add3A_191 = arith.addi %mul3A_189, %add3A_190 : i32
    "tpu.region"() ({
      %run_scoped3A = tpu.sem_alloc : memref<!tpu.dma_semaphore, #tpu.memory_space<semaphore_mem>>
      %dma_start3A_273 = arith.constant 0 : i32
      %dma_start3A_274 = tpu.memref_slice %arg13[%add3A_191, %dma_start3A_273] : memref<10240x128xf32, #tpu.memory_space<vmem_shared>> -> memref<128x128xf32, #tpu.memory_space<vmem_shared>>
      %dma_start3A_275 = arith.constant 0 : i32
      %dma_start3A_276 = tpu.memref_slice %arg13[%add3A_191, %dma_start3A_275] : memref<10240x128xf32, #tpu.memory_space<vmem_shared>> -> memref<128x128xf32, #tpu.memory_space<vmem_shared>>
      tpu.enqueue_dma source(%arg11 : memref<128x128xf32, #tpu.memory_space<vmem>>) target(%dma_start3A_276 : memref<128x128xf32, #tpu.memory_space<vmem_shared>>) target_semaphore(%run_scoped3A : memref<!tpu.dma_semaphore, #tpu.memory_space<semaphore_mem>>)
      %dma_wait3A_277 = arith.constant 0 : i32
      %dma_wait3A_278 = tpu.memref_slice %arg13[%add3A_191, %dma_wait3A_277] : memref<10240x128xf32, #tpu.memory_space<vmem_shared>> -> memref<128x128xf32, #tpu.memory_space<vmem_shared>>
      %dma_wait3A_279 = arith.constant 0 : i32
      %dma_wait3A_280 = tpu.memref_slice %arg13[%add3A_191, %dma_wait3A_279] : memref<10240x128xf32, #tpu.memory_space<vmem_shared>> -> memref<128x128xf32, #tpu.memory_space<vmem_shared>>
      tpu.wait_dma2 semaphore(%run_scoped3A : memref<!tpu.dma_semaphore, #tpu.memory_space<semaphore_mem>>) src(%arg11 : memref<128x128xf32, #tpu.memory_space<vmem>>) dst(%dma_wait3A_280 : memref<128x128xf32, #tpu.memory_space<vmem_shared>>)
      tpu.yield
    }) : () -> ()
    %mul3A_192 = arith.constant 640 : i32
    %mul3A_193 = arith.muli %arg1, %mul3A_192 : i32
    %add3A_194 = arith.constant 384 : i32
    %add3A_195 = arith.addi %mul3A_193, %add3A_194 : i32
    "tpu.region"() ({
      %run_scoped3A = tpu.sem_alloc : memref<!tpu.dma_semaphore, #tpu.memory_space<semaphore_mem>>
      %dma_start3A_273 = arith.constant 0 : i32
      %dma_start3A_274 = tpu.memref_slice %arg13[%add3A_195, %dma_start3A_273] : memref<10240x128xf32, #tpu.memory_space<vmem_shared>> -> memref<128x128xf32, #tpu.memory_space<vmem_shared>>
      %dma_start3A_275 = arith.constant 0 : i32
      %dma_start3A_276 = tpu.memref_slice %arg13[%add3A_195, %dma_start3A_275] : memref<10240x128xf32, #tpu.memory_space<vmem_shared>> -> memref<128x128xf32, #tpu.memory_space<vmem_shared>>
      tpu.enqueue_dma source(%arg11 : memref<128x128xf32, #tpu.memory_space<vmem>>) target(%dma_start3A_276 : memref<128x128xf32, #tpu.memory_space<vmem_shared>>) target_semaphore(%run_scoped3A : memref<!tpu.dma_semaphore, #tpu.memory_space<semaphore_mem>>)
      %dma_wait3A_277 = arith.constant 0 : i32
      %dma_wait3A_278 = tpu.memref_slice %arg13[%add3A_195, %dma_wait3A_277] : memref<10240x128xf32, #tpu.memory_space<vmem_shared>> -> memref<128x128xf32, #tpu.memory_space<vmem_shared>>
      %dma_wait3A_279 = arith.constant 0 : i32
      %dma_wait3A_280 = tpu.memref_slice %arg13[%add3A_195, %dma_wait3A_279] : memref<10240x128xf32, #tpu.memory_space<vmem_shared>> -> memref<128x128xf32, #tpu.memory_space<vmem_shared>>
      tpu.wait_dma2 semaphore(%run_scoped3A : memref<!tpu.dma_semaphore, #tpu.memory_space<semaphore_mem>>) src(%arg11 : memref<128x128xf32, #tpu.memory_space<vmem>>) dst(%dma_wait3A_280 : memref<128x128xf32, #tpu.memory_space<vmem_shared>>)
      tpu.yield
    }) : () -> ()
    %mul3A_196 = arith.constant 640 : i32
    %mul3A_197 = arith.muli %arg1, %mul3A_196 : i32
    %add3A_198 = arith.constant 512 : i32
    %add3A_199 = arith.addi %mul3A_197, %add3A_198 : i32
    "tpu.region"() ({
      %run_scoped3A = tpu.sem_alloc : memref<!tpu.dma_semaphore, #tpu.memory_space<semaphore_mem>>
      %dma_start3A_273 = arith.constant 0 : i32
      %dma_start3A_274 = tpu.memref_slice %arg13[%add3A_199, %dma_start3A_273] : memref<10240x128xf32, #tpu.memory_space<vmem_shared>> -> memref<128x128xf32, #tpu.memory_space<vmem_shared>>
      %dma_start3A_275 = arith.constant 0 : i32
      %dma_start3A_276 = tpu.memref_slice %arg13[%add3A_199, %dma_start3A_275] : memref<10240x128xf32, #tpu.memory_space<vmem_shared>> -> memref<128x128xf32, #tpu.memory_space<vmem_shared>>
      tpu.enqueue_dma source(%arg11 : memref<128x128xf32, #tpu.memory_space<vmem>>) target(%dma_start3A_276 : memref<128x128xf32, #tpu.memory_space<vmem_shared>>) target_semaphore(%run_scoped3A : memref<!tpu.dma_semaphore, #tpu.memory_space<semaphore_mem>>)
      %dma_wait3A_277 = arith.constant 0 : i32
      %dma_wait3A_278 = tpu.memref_slice %arg13[%add3A_199, %dma_wait3A_277] : memref<10240x128xf32, #tpu.memory_space<vmem_shared>> -> memref<128x128xf32, #tpu.memory_space<vmem_shared>>
      %dma_wait3A_279 = arith.constant 0 : i32
      %dma_wait3A_280 = tpu.memref_slice %arg13[%add3A_199, %dma_wait3A_279] : memref<10240x128xf32, #tpu.memory_space<vmem_shared>> -> memref<128x128xf32, #tpu.memory_space<vmem_shared>>
      tpu.wait_dma2 semaphore(%run_scoped3A : memref<!tpu.dma_semaphore, #tpu.memory_space<semaphore_mem>>) src(%arg11 : memref<128x128xf32, #tpu.memory_space<vmem>>) dst(%dma_wait3A_280 : memref<128x128xf32, #tpu.memory_space<vmem_shared>>)
      tpu.yield
    }) : () -> ()
    %barrier3A_200 = arith.constant 0 : index
    tpu.barrier barrier_id(%barrier3A_200)
    %mul3A_201 = arith.constant 3 : i32
    %mul3A_202 = arith.muli %arg0, %mul3A_201 : i32
    %add3A_203 = arith.constant 2 : i32
    %add3A_204 = arith.addi %mul3A_202, %add3A_203 : i32
    %mul3A_205 = arith.constant 327680 : i32
    %mul3A_206 = arith.muli %add3A_204, %mul3A_205 : i32
    %mul3A_207 = arith.constant 20480 : i32
    %mul3A_208 = arith.muli %arg1, %mul3A_207 : i32
    %add3A_209 = arith.addi %mul3A_206, %mul3A_208 : i32
    %mul3A_210 = arith.constant 20480 : i32
    %mul3A_211 = arith.muli %arg1, %mul3A_210 : i32
    %add3A_212 = arith.constant 655360 : i32
    %add3A_213 = arith.addi %add3A_212, %mul3A_211 : i32
    %add3A_214 = arith.constant 0 : i32
    %add3A_215 = arith.addi %add3A_209, %add3A_214 : i32
    "tpu.region"() ({
      %run_scoped3A = tpu.sem_alloc : memref<!tpu.dma_semaphore, #tpu.memory_space<semaphore_mem>>
      %dma_start3A_273 = tpu.memref_slice %arg3[%add3A_215] : memref<1966080xi32, #tpu.memory_space<hbm>> -> memref<128xi32, #tpu.memory_space<hbm>>
      %dma_start3A_274 = tpu.memref_slice %arg3[%add3A_215] : memref<1966080xi32, #tpu.memory_space<hbm>> -> memref<128xi32, #tpu.memory_space<hbm>>
      tpu.enqueue_dma source(%dma_start3A_274 : memref<128xi32, #tpu.memory_space<hbm>>) target(%arg7 : memref<128xi32, #tpu.memory_space<vmem>>) target_semaphore(%run_scoped3A : memref<!tpu.dma_semaphore, #tpu.memory_space<semaphore_mem>>)
      %dma_wait3A_275 = tpu.memref_slice %arg3[%add3A_215] : memref<1966080xi32, #tpu.memory_space<hbm>> -> memref<128xi32, #tpu.memory_space<hbm>>
      %dma_wait3A_276 = tpu.memref_slice %arg3[%add3A_215] : memref<1966080xi32, #tpu.memory_space<hbm>> -> memref<128xi32, #tpu.memory_space<hbm>>
      tpu.wait_dma2 semaphore(%run_scoped3A : memref<!tpu.dma_semaphore, #tpu.memory_space<semaphore_mem>>) src(%dma_wait3A_276 : memref<128xi32, #tpu.memory_space<hbm>>) dst(%arg7 : memref<128xi32, #tpu.memory_space<vmem>>)
      tpu.yield
    }) : () -> ()
    %add3A_216 = arith.constant 0 : i32
    %add3A_217 = arith.addi %add3A_213, %add3A_216 : i32
    "tpu.region"() ({
      %run_scoped3A = tpu.sem_alloc : memref<!tpu.dma_semaphore, #tpu.memory_space<semaphore_mem>>
      %dma_start3A_273 = tpu.memref_slice %arg4[%add3A_217] : memref<983040xi32, #tpu.memory_space<hbm>> -> memref<128xi32, #tpu.memory_space<hbm>>
      %dma_start3A_274 = tpu.memref_slice %arg4[%add3A_217] : memref<983040xi32, #tpu.memory_space<hbm>> -> memref<128xi32, #tpu.memory_space<hbm>>
      tpu.enqueue_dma source(%dma_start3A_274 : memref<128xi32, #tpu.memory_space<hbm>>) target(%arg9 : memref<128xi32, #tpu.memory_space<vmem>>) target_semaphore(%run_scoped3A : memref<!tpu.dma_semaphore, #tpu.memory_space<semaphore_mem>>)
      %dma_wait3A_275 = tpu.memref_slice %arg4[%add3A_217] : memref<983040xi32, #tpu.memory_space<hbm>> -> memref<128xi32, #tpu.memory_space<hbm>>
      %dma_wait3A_276 = tpu.memref_slice %arg4[%add3A_217] : memref<983040xi32, #tpu.memory_space<hbm>> -> memref<128xi32, #tpu.memory_space<hbm>>
      tpu.wait_dma2 semaphore(%run_scoped3A : memref<!tpu.dma_semaphore, #tpu.memory_space<semaphore_mem>>) src(%dma_wait3A_276 : memref<128xi32, #tpu.memory_space<hbm>>) dst(%arg9 : memref<128xi32, #tpu.memory_space<vmem>>)
      tpu.yield
    }) : () -> ()
    %dma_start3A_218 = arith.constant 0 : i32
    %dma_start3A_219 = arith.constant 0 : i32
    %dma_start3A_220 = tpu.memref_slice %arg2[%dma_start3A_218, %dma_start3A_219] : memref<61440x128xf32, #tpu.memory_space<hbm>> -> memref<61440x128xf32, #tpu.memory_space<hbm>>
    tpu.enqueue_indirect_dma source(%dma_start3A_220 : memref<61440x128xf32, #tpu.memory_space<hbm>>) target(%arg11 : memref<128x128xf32, #tpu.memory_space<vmem>>) offsets(%arg7 : memref<128xi32, #tpu.memory_space<vmem>>) semaphore(%arg14 : memref<!tpu.dma_semaphore, #tpu.memory_space<semaphore_mem>>)
    %add3A_221 = arith.constant 128 : i32
    %add3A_222 = arith.addi %add3A_209, %add3A_221 : i32
    "tpu.region"() ({
      %run_scoped3A = tpu.sem_alloc : memref<!tpu.dma_semaphore, #tpu.memory_space<semaphore_mem>>
      %dma_start3A_273 = tpu.memref_slice %arg3[%add3A_222] : memref<1966080xi32, #tpu.memory_space<hbm>> -> memref<128xi32, #tpu.memory_space<hbm>>
      %dma_start3A_274 = tpu.memref_slice %arg3[%add3A_222] : memref<1966080xi32, #tpu.memory_space<hbm>> -> memref<128xi32, #tpu.memory_space<hbm>>
      tpu.enqueue_dma source(%dma_start3A_274 : memref<128xi32, #tpu.memory_space<hbm>>) target(%arg8 : memref<128xi32, #tpu.memory_space<vmem>>) target_semaphore(%run_scoped3A : memref<!tpu.dma_semaphore, #tpu.memory_space<semaphore_mem>>)
      %dma_wait3A_275 = tpu.memref_slice %arg3[%add3A_222] : memref<1966080xi32, #tpu.memory_space<hbm>> -> memref<128xi32, #tpu.memory_space<hbm>>
      %dma_wait3A_276 = tpu.memref_slice %arg3[%add3A_222] : memref<1966080xi32, #tpu.memory_space<hbm>> -> memref<128xi32, #tpu.memory_space<hbm>>
      tpu.wait_dma2 semaphore(%run_scoped3A : memref<!tpu.dma_semaphore, #tpu.memory_space<semaphore_mem>>) src(%dma_wait3A_276 : memref<128xi32, #tpu.memory_space<hbm>>) dst(%arg8 : memref<128xi32, #tpu.memory_space<vmem>>)
      tpu.yield
    }) : () -> ()
    %add3A_223 = arith.constant 128 : i32
    %add3A_224 = arith.addi %add3A_213, %add3A_223 : i32
    "tpu.region"() ({
      %run_scoped3A = tpu.sem_alloc : memref<!tpu.dma_semaphore, #tpu.memory_space<semaphore_mem>>
      %dma_start3A_273 = tpu.memref_slice %arg4[%add3A_224] : memref<983040xi32, #tpu.memory_space<hbm>> -> memref<128xi32, #tpu.memory_space<hbm>>
      %dma_start3A_274 = tpu.memref_slice %arg4[%add3A_224] : memref<983040xi32, #tpu.memory_space<hbm>> -> memref<128xi32, #tpu.memory_space<hbm>>
      tpu.enqueue_dma source(%dma_start3A_274 : memref<128xi32, #tpu.memory_space<hbm>>) target(%arg10 : memref<128xi32, #tpu.memory_space<vmem>>) target_semaphore(%run_scoped3A : memref<!tpu.dma_semaphore, #tpu.memory_space<semaphore_mem>>)
      %dma_wait3A_275 = tpu.memref_slice %arg4[%add3A_224] : memref<983040xi32, #tpu.memory_space<hbm>> -> memref<128xi32, #tpu.memory_space<hbm>>
      %dma_wait3A_276 = tpu.memref_slice %arg4[%add3A_224] : memref<983040xi32, #tpu.memory_space<hbm>> -> memref<128xi32, #tpu.memory_space<hbm>>
      tpu.wait_dma2 semaphore(%run_scoped3A : memref<!tpu.dma_semaphore, #tpu.memory_space<semaphore_mem>>) src(%dma_wait3A_276 : memref<128xi32, #tpu.memory_space<hbm>>) dst(%arg10 : memref<128xi32, #tpu.memory_space<vmem>>)
      tpu.yield
    }) : () -> ()
    %scan3A_225 = arith.constant 0 : i32
    %scan3A_226 = arith.constant 0 : i32
    %scan3A_227 = arith.constant 79 : i32
    %scan3A_228 = arith.addi %scan3A_226, %scan3A_227 : i32
    %scan3A_229 = arith.constant 1 : i32
    scf.for %scan3A_273 = %scan3A_226 to %scan3A_228 step %scan3A_229  : i32 {
      %dma_wait3A_274 = arith.constant 0 : i32
      %dma_wait3A_275 = arith.constant 0 : i32
      %dma_wait3A_276 = tpu.memref_slice %arg2[%dma_wait3A_274, %dma_wait3A_275] : memref<61440x128xf32, #tpu.memory_space<hbm>> -> memref<61440x128xf32, #tpu.memory_space<hbm>>
      tpu.wait_indirect_dma semaphore(%arg14 : memref<!tpu.dma_semaphore, #tpu.memory_space<semaphore_mem>>) src(%dma_wait3A_276 : memref<61440x128xf32, #tpu.memory_space<hbm>>) dst(%arg11 : memref<128x128xf32, #tpu.memory_space<vmem>>)
      %dma_start3A_277 = arith.constant 0 : i32
      %dma_start3A_278 = arith.constant 0 : i32
      %dma_start3A_279 = tpu.memref_slice %arg2[%dma_start3A_277, %dma_start3A_278] : memref<61440x128xf32, #tpu.memory_space<hbm>> -> memref<61440x128xf32, #tpu.memory_space<hbm>>
      tpu.enqueue_indirect_dma source(%dma_start3A_279 : memref<61440x128xf32, #tpu.memory_space<hbm>>) target(%arg12 : memref<128x128xf32, #tpu.memory_space<vmem>>) offsets(%arg8 : memref<128xi32, #tpu.memory_space<vmem>>) semaphore(%arg14 : memref<!tpu.dma_semaphore, #tpu.memory_space<semaphore_mem>>)
      "tpu.region"() ({
        %run_scoped3A = tpu.sem_alloc : memref<!tpu.dma_semaphore, #tpu.memory_space<semaphore_mem>>
        %dma_start3A_306 = arith.constant 0 : i32
        %dma_start3A_307 = arith.constant 0 : i32
        %dma_start3A_308 = tpu.memref_slice %arg13[%dma_start3A_306, %dma_start3A_307] : memref<10240x128xf32, #tpu.memory_space<vmem_shared>> -> memref<10240x128xf32, #tpu.memory_space<vmem_shared>>
        tpu.enqueue_indirect_dma source(%arg11 : memref<128x128xf32, #tpu.memory_space<vmem>>) target(%dma_start3A_308 : memref<10240x128xf32, #tpu.memory_space<vmem_shared>>) offsets(%arg9 : memref<128xi32, #tpu.memory_space<vmem>>) semaphore(%run_scoped3A : memref<!tpu.dma_semaphore, #tpu.memory_space<semaphore_mem>>) {add = true}
        %dma_wait3A_309 = arith.constant 0 : i32
        %dma_wait3A_310 = arith.constant 0 : i32
        %dma_wait3A_311 = tpu.memref_slice %arg13[%dma_wait3A_309, %dma_wait3A_310] : memref<10240x128xf32, #tpu.memory_space<vmem_shared>> -> memref<10240x128xf32, #tpu.memory_space<vmem_shared>>
        tpu.wait_indirect_dma semaphore(%run_scoped3A : memref<!tpu.dma_semaphore, #tpu.memory_space<semaphore_mem>>) src(%arg11 : memref<128x128xf32, #tpu.memory_space<vmem>>) dst(%dma_wait3A_311 : memref<10240x128xf32, #tpu.memory_space<vmem_shared>>)
        tpu.yield
      }) : () -> ()
      %mul3A_280 = arith.constant 2 : i32
      %mul3A_281 = arith.muli %mul3A_280, %scan3A_273 : i32
      %add3A_282 = arith.constant 2 : i32
      %add3A_283 = arith.addi %mul3A_281, %add3A_282 : i32
      %mul3A_284 = arith.constant 128 : i32
      %mul3A_285 = arith.muli %add3A_283, %mul3A_284 : i32
      %add3A_286 = arith.addi %add3A_209, %mul3A_285 : i32
      "tpu.region"() ({
        %run_scoped3A = tpu.sem_alloc : memref<!tpu.dma_semaphore, #tpu.memory_space<semaphore_mem>>
        %dma_start3A_306 = tpu.memref_slice %arg3[%add3A_286] : memref<1966080xi32, #tpu.memory_space<hbm>> -> memref<128xi32, #tpu.memory_space<hbm>>
        %dma_start3A_307 = tpu.memref_slice %arg3[%add3A_286] : memref<1966080xi32, #tpu.memory_space<hbm>> -> memref<128xi32, #tpu.memory_space<hbm>>
        tpu.enqueue_dma source(%dma_start3A_307 : memref<128xi32, #tpu.memory_space<hbm>>) target(%arg7 : memref<128xi32, #tpu.memory_space<vmem>>) target_semaphore(%run_scoped3A : memref<!tpu.dma_semaphore, #tpu.memory_space<semaphore_mem>>)
        %dma_wait3A_308 = tpu.memref_slice %arg3[%add3A_286] : memref<1966080xi32, #tpu.memory_space<hbm>> -> memref<128xi32, #tpu.memory_space<hbm>>
        %dma_wait3A_309 = tpu.memref_slice %arg3[%add3A_286] : memref<1966080xi32, #tpu.memory_space<hbm>> -> memref<128xi32, #tpu.memory_space<hbm>>
        tpu.wait_dma2 semaphore(%run_scoped3A : memref<!tpu.dma_semaphore, #tpu.memory_space<semaphore_mem>>) src(%dma_wait3A_309 : memref<128xi32, #tpu.memory_space<hbm>>) dst(%arg7 : memref<128xi32, #tpu.memory_space<vmem>>)
        tpu.yield
      }) : () -> ()
      %mul3A_287 = arith.constant 128 : i32
      %mul3A_288 = arith.muli %add3A_283, %mul3A_287 : i32
      %add3A_289 = arith.addi %add3A_213, %mul3A_288 : i32
      "tpu.region"() ({
        %run_scoped3A = tpu.sem_alloc : memref<!tpu.dma_semaphore, #tpu.memory_space<semaphore_mem>>
        %dma_start3A_306 = tpu.memref_slice %arg4[%add3A_289] : memref<983040xi32, #tpu.memory_space<hbm>> -> memref<128xi32, #tpu.memory_space<hbm>>
        %dma_start3A_307 = tpu.memref_slice %arg4[%add3A_289] : memref<983040xi32, #tpu.memory_space<hbm>> -> memref<128xi32, #tpu.memory_space<hbm>>
        tpu.enqueue_dma source(%dma_start3A_307 : memref<128xi32, #tpu.memory_space<hbm>>) target(%arg9 : memref<128xi32, #tpu.memory_space<vmem>>) target_semaphore(%run_scoped3A : memref<!tpu.dma_semaphore, #tpu.memory_space<semaphore_mem>>)
        %dma_wait3A_308 = tpu.memref_slice %arg4[%add3A_289] : memref<983040xi32, #tpu.memory_space<hbm>> -> memref<128xi32, #tpu.memory_space<hbm>>
        %dma_wait3A_309 = tpu.memref_slice %arg4[%add3A_289] : memref<983040xi32, #tpu.memory_space<hbm>> -> memref<128xi32, #tpu.memory_space<hbm>>
        tpu.wait_dma2 semaphore(%run_scoped3A : memref<!tpu.dma_semaphore, #tpu.memory_space<semaphore_mem>>) src(%dma_wait3A_309 : memref<128xi32, #tpu.memory_space<hbm>>) dst(%arg9 : memref<128xi32, #tpu.memory_space<vmem>>)
        tpu.yield
      }) : () -> ()
      %dma_start3A_290 = arith.constant 0 : i32
      %dma_start3A_291 = arith.constant 0 : i32
      %dma_start3A_292 = tpu.memref_slice %arg2[%dma_start3A_290, %dma_start3A_291] : memref<61440x128xf32, #tpu.memory_space<hbm>> -> memref<61440x128xf32, #tpu.memory_space<hbm>>
      tpu.enqueue_indirect_dma source(%dma_start3A_292 : memref<61440x128xf32, #tpu.memory_space<hbm>>) target(%arg11 : memref<128x128xf32, #tpu.memory_space<vmem>>) offsets(%arg7 : memref<128xi32, #tpu.memory_space<vmem>>) semaphore(%arg14 : memref<!tpu.dma_semaphore, #tpu.memory_space<semaphore_mem>>)
      %dma_wait3A_293 = arith.constant 0 : i32
      %dma_wait3A_294 = arith.constant 0 : i32
      %dma_wait3A_295 = tpu.memref_slice %arg2[%dma_wait3A_293, %dma_wait3A_294] : memref<61440x128xf32, #tpu.memory_space<hbm>> -> memref<61440x128xf32, #tpu.memory_space<hbm>>
      tpu.wait_indirect_dma semaphore(%arg14 : memref<!tpu.dma_semaphore, #tpu.memory_space<semaphore_mem>>) src(%dma_wait3A_295 : memref<61440x128xf32, #tpu.memory_space<hbm>>) dst(%arg12 : memref<128x128xf32, #tpu.memory_space<vmem>>)
      "tpu.region"() ({
        %run_scoped3A = tpu.sem_alloc : memref<!tpu.dma_semaphore, #tpu.memory_space<semaphore_mem>>
        %dma_start3A_306 = arith.constant 0 : i32
        %dma_start3A_307 = arith.constant 0 : i32
        %dma_start3A_308 = tpu.memref_slice %arg13[%dma_start3A_306, %dma_start3A_307] : memref<10240x128xf32, #tpu.memory_space<vmem_shared>> -> memref<10240x128xf32, #tpu.memory_space<vmem_shared>>
        tpu.enqueue_indirect_dma source(%arg12 : memref<128x128xf32, #tpu.memory_space<vmem>>) target(%dma_start3A_308 : memref<10240x128xf32, #tpu.memory_space<vmem_shared>>) offsets(%arg10 : memref<128xi32, #tpu.memory_space<vmem>>) semaphore(%run_scoped3A : memref<!tpu.dma_semaphore, #tpu.memory_space<semaphore_mem>>) {add = true}
        %dma_wait3A_309 = arith.constant 0 : i32
        %dma_wait3A_310 = arith.constant 0 : i32
        %dma_wait3A_311 = tpu.memref_slice %arg13[%dma_wait3A_309, %dma_wait3A_310] : memref<10240x128xf32, #tpu.memory_space<vmem_shared>> -> memref<10240x128xf32, #tpu.memory_space<vmem_shared>>
        tpu.wait_indirect_dma semaphore(%run_scoped3A : memref<!tpu.dma_semaphore, #tpu.memory_space<semaphore_mem>>) src(%arg12 : memref<128x128xf32, #tpu.memory_space<vmem>>) dst(%dma_wait3A_311 : memref<10240x128xf32, #tpu.memory_space<vmem_shared>>)
        tpu.yield
      }) : () -> ()
      %mul3A_296 = arith.constant 2 : i32
      %mul3A_297 = arith.muli %mul3A_296, %scan3A_273 : i32
      %add3A_298 = arith.constant 3 : i32
      %add3A_299 = arith.addi %mul3A_297, %add3A_298 : i32
      %mul3A_300 = arith.constant 128 : i32
      %mul3A_301 = arith.muli %add3A_299, %mul3A_300 : i32
      %add3A_302 = arith.addi %add3A_209, %mul3A_301 : i32
      "tpu.region"() ({
        %run_scoped3A = tpu.sem_alloc : memref<!tpu.dma_semaphore, #tpu.memory_space<semaphore_mem>>
        %dma_start3A_306 = tpu.memref_slice %arg3[%add3A_302] : memref<1966080xi32, #tpu.memory_space<hbm>> -> memref<128xi32, #tpu.memory_space<hbm>>
        %dma_start3A_307 = tpu.memref_slice %arg3[%add3A_302] : memref<1966080xi32, #tpu.memory_space<hbm>> -> memref<128xi32, #tpu.memory_space<hbm>>
        tpu.enqueue_dma source(%dma_start3A_307 : memref<128xi32, #tpu.memory_space<hbm>>) target(%arg8 : memref<128xi32, #tpu.memory_space<vmem>>) target_semaphore(%run_scoped3A : memref<!tpu.dma_semaphore, #tpu.memory_space<semaphore_mem>>)
        %dma_wait3A_308 = tpu.memref_slice %arg3[%add3A_302] : memref<1966080xi32, #tpu.memory_space<hbm>> -> memref<128xi32, #tpu.memory_space<hbm>>
        %dma_wait3A_309 = tpu.memref_slice %arg3[%add3A_302] : memref<1966080xi32, #tpu.memory_space<hbm>> -> memref<128xi32, #tpu.memory_space<hbm>>
        tpu.wait_dma2 semaphore(%run_scoped3A : memref<!tpu.dma_semaphore, #tpu.memory_space<semaphore_mem>>) src(%dma_wait3A_309 : memref<128xi32, #tpu.memory_space<hbm>>) dst(%arg8 : memref<128xi32, #tpu.memory_space<vmem>>)
        tpu.yield
      }) : () -> ()
      %mul3A_303 = arith.constant 128 : i32
      %mul3A_304 = arith.muli %add3A_299, %mul3A_303 : i32
      %add3A_305 = arith.addi %add3A_213, %mul3A_304 : i32
      "tpu.region"() ({
        %run_scoped3A = tpu.sem_alloc : memref<!tpu.dma_semaphore, #tpu.memory_space<semaphore_mem>>
        %dma_start3A_306 = tpu.memref_slice %arg4[%add3A_305] : memref<983040xi32, #tpu.memory_space<hbm>> -> memref<128xi32, #tpu.memory_space<hbm>>
        %dma_start3A_307 = tpu.memref_slice %arg4[%add3A_305] : memref<983040xi32, #tpu.memory_space<hbm>> -> memref<128xi32, #tpu.memory_space<hbm>>
        tpu.enqueue_dma source(%dma_start3A_307 : memref<128xi32, #tpu.memory_space<hbm>>) target(%arg10 : memref<128xi32, #tpu.memory_space<vmem>>) target_semaphore(%run_scoped3A : memref<!tpu.dma_semaphore, #tpu.memory_space<semaphore_mem>>)
        %dma_wait3A_308 = tpu.memref_slice %arg4[%add3A_305] : memref<983040xi32, #tpu.memory_space<hbm>> -> memref<128xi32, #tpu.memory_space<hbm>>
        %dma_wait3A_309 = tpu.memref_slice %arg4[%add3A_305] : memref<983040xi32, #tpu.memory_space<hbm>> -> memref<128xi32, #tpu.memory_space<hbm>>
        tpu.wait_dma2 semaphore(%run_scoped3A : memref<!tpu.dma_semaphore, #tpu.memory_space<semaphore_mem>>) src(%dma_wait3A_309 : memref<128xi32, #tpu.memory_space<hbm>>) dst(%arg10 : memref<128xi32, #tpu.memory_space<vmem>>)
        tpu.yield
      }) : () -> ()
    }
    %scan3A_230 = arith.constant 79 : i32
    %dma_wait3A_231 = arith.constant 0 : i32
    %dma_wait3A_232 = arith.constant 0 : i32
    %dma_wait3A_233 = tpu.memref_slice %arg2[%dma_wait3A_231, %dma_wait3A_232] : memref<61440x128xf32, #tpu.memory_space<hbm>> -> memref<61440x128xf32, #tpu.memory_space<hbm>>
    tpu.wait_indirect_dma semaphore(%arg14 : memref<!tpu.dma_semaphore, #tpu.memory_space<semaphore_mem>>) src(%dma_wait3A_233 : memref<61440x128xf32, #tpu.memory_space<hbm>>) dst(%arg11 : memref<128x128xf32, #tpu.memory_space<vmem>>)
    %dma_start3A_234 = arith.constant 0 : i32
    %dma_start3A_235 = arith.constant 0 : i32
    %dma_start3A_236 = tpu.memref_slice %arg2[%dma_start3A_234, %dma_start3A_235] : memref<61440x128xf32, #tpu.memory_space<hbm>> -> memref<61440x128xf32, #tpu.memory_space<hbm>>
    tpu.enqueue_indirect_dma source(%dma_start3A_236 : memref<61440x128xf32, #tpu.memory_space<hbm>>) target(%arg12 : memref<128x128xf32, #tpu.memory_space<vmem>>) offsets(%arg8 : memref<128xi32, #tpu.memory_space<vmem>>) semaphore(%arg14 : memref<!tpu.dma_semaphore, #tpu.memory_space<semaphore_mem>>)
    "tpu.region"() ({
      %run_scoped3A = tpu.sem_alloc : memref<!tpu.dma_semaphore, #tpu.memory_space<semaphore_mem>>
      %dma_start3A_273 = arith.constant 0 : i32
      %dma_start3A_274 = arith.constant 0 : i32
      %dma_start3A_275 = tpu.memref_slice %arg13[%dma_start3A_273, %dma_start3A_274] : memref<10240x128xf32, #tpu.memory_space<vmem_shared>> -> memref<10240x128xf32, #tpu.memory_space<vmem_shared>>
      tpu.enqueue_indirect_dma source(%arg11 : memref<128x128xf32, #tpu.memory_space<vmem>>) target(%dma_start3A_275 : memref<10240x128xf32, #tpu.memory_space<vmem_shared>>) offsets(%arg9 : memref<128xi32, #tpu.memory_space<vmem>>) semaphore(%run_scoped3A : memref<!tpu.dma_semaphore, #tpu.memory_space<semaphore_mem>>) {add = true}
      %dma_wait3A_276 = arith.constant 0 : i32
      %dma_wait3A_277 = arith.constant 0 : i32
      %dma_wait3A_278 = tpu.memref_slice %arg13[%dma_wait3A_276, %dma_wait3A_277] : memref<10240x128xf32, #tpu.memory_space<vmem_shared>> -> memref<10240x128xf32, #tpu.memory_space<vmem_shared>>
      tpu.wait_indirect_dma semaphore(%run_scoped3A : memref<!tpu.dma_semaphore, #tpu.memory_space<semaphore_mem>>) src(%arg11 : memref<128x128xf32, #tpu.memory_space<vmem>>) dst(%dma_wait3A_278 : memref<10240x128xf32, #tpu.memory_space<vmem_shared>>)
      tpu.yield
    }) : () -> ()
    %dma_wait3A_237 = arith.constant 0 : i32
    %dma_wait3A_238 = arith.constant 0 : i32
    %dma_wait3A_239 = tpu.memref_slice %arg2[%dma_wait3A_237, %dma_wait3A_238] : memref<61440x128xf32, #tpu.memory_space<hbm>> -> memref<61440x128xf32, #tpu.memory_space<hbm>>
    tpu.wait_indirect_dma semaphore(%arg14 : memref<!tpu.dma_semaphore, #tpu.memory_space<semaphore_mem>>) src(%dma_wait3A_239 : memref<61440x128xf32, #tpu.memory_space<hbm>>) dst(%arg12 : memref<128x128xf32, #tpu.memory_space<vmem>>)
    "tpu.region"() ({
      %run_scoped3A = tpu.sem_alloc : memref<!tpu.dma_semaphore, #tpu.memory_space<semaphore_mem>>
      %dma_start3A_273 = arith.constant 0 : i32
      %dma_start3A_274 = arith.constant 0 : i32
      %dma_start3A_275 = tpu.memref_slice %arg13[%dma_start3A_273, %dma_start3A_274] : memref<10240x128xf32, #tpu.memory_space<vmem_shared>> -> memref<10240x128xf32, #tpu.memory_space<vmem_shared>>
      tpu.enqueue_indirect_dma source(%arg12 : memref<128x128xf32, #tpu.memory_space<vmem>>) target(%dma_start3A_275 : memref<10240x128xf32, #tpu.memory_space<vmem_shared>>) offsets(%arg10 : memref<128xi32, #tpu.memory_space<vmem>>) semaphore(%run_scoped3A : memref<!tpu.dma_semaphore, #tpu.memory_space<semaphore_mem>>) {add = true}
      %dma_wait3A_276 = arith.constant 0 : i32
      %dma_wait3A_277 = arith.constant 0 : i32
      %dma_wait3A_278 = tpu.memref_slice %arg13[%dma_wait3A_276, %dma_wait3A_277] : memref<10240x128xf32, #tpu.memory_space<vmem_shared>> -> memref<10240x128xf32, #tpu.memory_space<vmem_shared>>
      tpu.wait_indirect_dma semaphore(%run_scoped3A : memref<!tpu.dma_semaphore, #tpu.memory_space<semaphore_mem>>) src(%arg12 : memref<128x128xf32, #tpu.memory_space<vmem>>) dst(%dma_wait3A_278 : memref<10240x128xf32, #tpu.memory_space<vmem_shared>>)
      tpu.yield
    }) : () -> ()
    %barrier3A_240 = arith.constant 0 : index
    tpu.barrier barrier_id(%barrier3A_240)
    %mul3A_241 = arith.constant 3 : i32
    %mul3A_242 = arith.muli %arg0, %mul3A_241 : i32
    %add3A_243 = arith.constant 2 : i32
    %add3A_244 = arith.addi %mul3A_242, %add3A_243 : i32
    %mul3A_245 = arith.constant 10240 : i32
    %mul3A_246 = arith.muli %add3A_244, %mul3A_245 : i32
    %mul3A_247 = arith.constant 640 : i32
    %mul3A_248 = arith.muli %arg1, %mul3A_247 : i32
    %add3A_249 = arith.constant 0 : i32
    %add3A_250 = arith.addi %mul3A_248, %add3A_249 : i32
    %add3A_251 = arith.addi %mul3A_246, %add3A_250 : i32
    "tpu.region"() ({
      %run_scoped3A = tpu.sem_alloc : memref<!tpu.dma_semaphore, #tpu.memory_space<semaphore_mem>>
      %dma_start3A_273 = arith.constant 0 : i32
      %dma_start3A_274 = tpu.memref_slice %arg6[%add3A_251, %dma_start3A_273] : memref<61440x128xf32, #tpu.memory_space<hbm>> -> memref<128x128xf32, #tpu.memory_space<hbm>>
      %dma_start3A_275 = arith.constant 0 : i32
      %dma_start3A_276 = tpu.memref_slice %arg13[%add3A_250, %dma_start3A_275] : memref<10240x128xf32, #tpu.memory_space<vmem_shared>> -> memref<128x128xf32, #tpu.memory_space<vmem_shared>>
      tpu.enqueue_dma source(%dma_start3A_276 : memref<128x128xf32, #tpu.memory_space<vmem_shared>>) target(%dma_start3A_274 : memref<128x128xf32, #tpu.memory_space<hbm>>) target_semaphore(%run_scoped3A : memref<!tpu.dma_semaphore, #tpu.memory_space<semaphore_mem>>)
      %dma_wait3A_277 = arith.constant 0 : i32
      %dma_wait3A_278 = tpu.memref_slice %arg6[%add3A_251, %dma_wait3A_277] : memref<61440x128xf32, #tpu.memory_space<hbm>> -> memref<128x128xf32, #tpu.memory_space<hbm>>
      %dma_wait3A_279 = arith.constant 0 : i32
      %dma_wait3A_280 = tpu.memref_slice %arg13[%add3A_250, %dma_wait3A_279] : memref<10240x128xf32, #tpu.memory_space<vmem_shared>> -> memref<128x128xf32, #tpu.memory_space<vmem_shared>>
      tpu.wait_dma2 semaphore(%run_scoped3A : memref<!tpu.dma_semaphore, #tpu.memory_space<semaphore_mem>>) src(%dma_wait3A_280 : memref<128x128xf32, #tpu.memory_space<vmem_shared>>) dst(%dma_wait3A_278 : memref<128x128xf32, #tpu.memory_space<hbm>>)
      tpu.yield
    }) : () -> ()
    %mul3A_252 = arith.constant 640 : i32
    %mul3A_253 = arith.muli %arg1, %mul3A_252 : i32
    %add3A_254 = arith.constant 128 : i32
    %add3A_255 = arith.addi %mul3A_253, %add3A_254 : i32
    %add3A_256 = arith.addi %mul3A_246, %add3A_255 : i32
    "tpu.region"() ({
      %run_scoped3A = tpu.sem_alloc : memref<!tpu.dma_semaphore, #tpu.memory_space<semaphore_mem>>
      %dma_start3A_273 = arith.constant 0 : i32
      %dma_start3A_274 = tpu.memref_slice %arg6[%add3A_256, %dma_start3A_273] : memref<61440x128xf32, #tpu.memory_space<hbm>> -> memref<128x128xf32, #tpu.memory_space<hbm>>
      %dma_start3A_275 = arith.constant 0 : i32
      %dma_start3A_276 = tpu.memref_slice %arg13[%add3A_255, %dma_start3A_275] : memref<10240x128xf32, #tpu.memory_space<vmem_shared>> -> memref<128x128xf32, #tpu.memory_space<vmem_shared>>
      tpu.enqueue_dma source(%dma_start3A_276 : memref<128x128xf32, #tpu.memory_space<vmem_shared>>) target(%dma_start3A_274 : memref<128x128xf32, #tpu.memory_space<hbm>>) target_semaphore(%run_scoped3A : memref<!tpu.dma_semaphore, #tpu.memory_space<semaphore_mem>>)
      %dma_wait3A_277 = arith.constant 0 : i32
      %dma_wait3A_278 = tpu.memref_slice %arg6[%add3A_256, %dma_wait3A_277] : memref<61440x128xf32, #tpu.memory_space<hbm>> -> memref<128x128xf32, #tpu.memory_space<hbm>>
      %dma_wait3A_279 = arith.constant 0 : i32
      %dma_wait3A_280 = tpu.memref_slice %arg13[%add3A_255, %dma_wait3A_279] : memref<10240x128xf32, #tpu.memory_space<vmem_shared>> -> memref<128x128xf32, #tpu.memory_space<vmem_shared>>
      tpu.wait_dma2 semaphore(%run_scoped3A : memref<!tpu.dma_semaphore, #tpu.memory_space<semaphore_mem>>) src(%dma_wait3A_280 : memref<128x128xf32, #tpu.memory_space<vmem_shared>>) dst(%dma_wait3A_278 : memref<128x128xf32, #tpu.memory_space<hbm>>)
      tpu.yield
    }) : () -> ()
    %mul3A_257 = arith.constant 640 : i32
    %mul3A_258 = arith.muli %arg1, %mul3A_257 : i32
    %add3A_259 = arith.constant 256 : i32
    %add3A_260 = arith.addi %mul3A_258, %add3A_259 : i32
    %add3A_261 = arith.addi %mul3A_246, %add3A_260 : i32
    "tpu.region"() ({
      %run_scoped3A = tpu.sem_alloc : memref<!tpu.dma_semaphore, #tpu.memory_space<semaphore_mem>>
      %dma_start3A_273 = arith.constant 0 : i32
      %dma_start3A_274 = tpu.memref_slice %arg6[%add3A_261, %dma_start3A_273] : memref<61440x128xf32, #tpu.memory_space<hbm>> -> memref<128x128xf32, #tpu.memory_space<hbm>>
      %dma_start3A_275 = arith.constant 0 : i32
      %dma_start3A_276 = tpu.memref_slice %arg13[%add3A_260, %dma_start3A_275] : memref<10240x128xf32, #tpu.memory_space<vmem_shared>> -> memref<128x128xf32, #tpu.memory_space<vmem_shared>>
      tpu.enqueue_dma source(%dma_start3A_276 : memref<128x128xf32, #tpu.memory_space<vmem_shared>>) target(%dma_start3A_274 : memref<128x128xf32, #tpu.memory_space<hbm>>) target_semaphore(%run_scoped3A : memref<!tpu.dma_semaphore, #tpu.memory_space<semaphore_mem>>)
      %dma_wait3A_277 = arith.constant 0 : i32
      %dma_wait3A_278 = tpu.memref_slice %arg6[%add3A_261, %dma_wait3A_277] : memref<61440x128xf32, #tpu.memory_space<hbm>> -> memref<128x128xf32, #tpu.memory_space<hbm>>
      %dma_wait3A_279 = arith.constant 0 : i32
      %dma_wait3A_280 = tpu.memref_slice %arg13[%add3A_260, %dma_wait3A_279] : memref<10240x128xf32, #tpu.memory_space<vmem_shared>> -> memref<128x128xf32, #tpu.memory_space<vmem_shared>>
      tpu.wait_dma2 semaphore(%run_scoped3A : memref<!tpu.dma_semaphore, #tpu.memory_space<semaphore_mem>>) src(%dma_wait3A_280 : memref<128x128xf32, #tpu.memory_space<vmem_shared>>) dst(%dma_wait3A_278 : memref<128x128xf32, #tpu.memory_space<hbm>>)
      tpu.yield
    }) : () -> ()
    %mul3A_262 = arith.constant 640 : i32
    %mul3A_263 = arith.muli %arg1, %mul3A_262 : i32
    %add3A_264 = arith.constant 384 : i32
    %add3A_265 = arith.addi %mul3A_263, %add3A_264 : i32
    %add3A_266 = arith.addi %mul3A_246, %add3A_265 : i32
    "tpu.region"() ({
      %run_scoped3A = tpu.sem_alloc : memref<!tpu.dma_semaphore, #tpu.memory_space<semaphore_mem>>
      %dma_start3A_273 = arith.constant 0 : i32
      %dma_start3A_274 = tpu.memref_slice %arg6[%add3A_266, %dma_start3A_273] : memref<61440x128xf32, #tpu.memory_space<hbm>> -> memref<128x128xf32, #tpu.memory_space<hbm>>
      %dma_start3A_275 = arith.constant 0 : i32
      %dma_start3A_276 = tpu.memref_slice %arg13[%add3A_265, %dma_start3A_275] : memref<10240x128xf32, #tpu.memory_space<vmem_shared>> -> memref<128x128xf32, #tpu.memory_space<vmem_shared>>
      tpu.enqueue_dma source(%dma_start3A_276 : memref<128x128xf32, #tpu.memory_space<vmem_shared>>) target(%dma_start3A_274 : memref<128x128xf32, #tpu.memory_space<hbm>>) target_semaphore(%run_scoped3A : memref<!tpu.dma_semaphore, #tpu.memory_space<semaphore_mem>>)
      %dma_wait3A_277 = arith.constant 0 : i32
      %dma_wait3A_278 = tpu.memref_slice %arg6[%add3A_266, %dma_wait3A_277] : memref<61440x128xf32, #tpu.memory_space<hbm>> -> memref<128x128xf32, #tpu.memory_space<hbm>>
      %dma_wait3A_279 = arith.constant 0 : i32
      %dma_wait3A_280 = tpu.memref_slice %arg13[%add3A_265, %dma_wait3A_279] : memref<10240x128xf32, #tpu.memory_space<vmem_shared>> -> memref<128x128xf32, #tpu.memory_space<vmem_shared>>
      tpu.wait_dma2 semaphore(%run_scoped3A : memref<!tpu.dma_semaphore, #tpu.memory_space<semaphore_mem>>) src(%dma_wait3A_280 : memref<128x128xf32, #tpu.memory_space<vmem_shared>>) dst(%dma_wait3A_278 : memref<128x128xf32, #tpu.memory_space<hbm>>)
      tpu.yield
    }) : () -> ()
    %mul3A_267 = arith.constant 640 : i32
    %mul3A_268 = arith.muli %arg1, %mul3A_267 : i32
    %add3A_269 = arith.constant 512 : i32
    %add3A_270 = arith.addi %mul3A_268, %add3A_269 : i32
    %add3A_271 = arith.addi %mul3A_246, %add3A_270 : i32
    "tpu.region"() ({
      %run_scoped3A = tpu.sem_alloc : memref<!tpu.dma_semaphore, #tpu.memory_space<semaphore_mem>>
      %dma_start3A_273 = arith.constant 0 : i32
      %dma_start3A_274 = tpu.memref_slice %arg6[%add3A_271, %dma_start3A_273] : memref<61440x128xf32, #tpu.memory_space<hbm>> -> memref<128x128xf32, #tpu.memory_space<hbm>>
      %dma_start3A_275 = arith.constant 0 : i32
      %dma_start3A_276 = tpu.memref_slice %arg13[%add3A_270, %dma_start3A_275] : memref<10240x128xf32, #tpu.memory_space<vmem_shared>> -> memref<128x128xf32, #tpu.memory_space<vmem_shared>>
      tpu.enqueue_dma source(%dma_start3A_276 : memref<128x128xf32, #tpu.memory_space<vmem_shared>>) target(%dma_start3A_274 : memref<128x128xf32, #tpu.memory_space<hbm>>) target_semaphore(%run_scoped3A : memref<!tpu.dma_semaphore, #tpu.memory_space<semaphore_mem>>)
      %dma_wait3A_277 = arith.constant 0 : i32
      %dma_wait3A_278 = tpu.memref_slice %arg6[%add3A_271, %dma_wait3A_277] : memref<61440x128xf32, #tpu.memory_space<hbm>> -> memref<128x128xf32, #tpu.memory_space<hbm>>
      %dma_wait3A_279 = arith.constant 0 : i32
      %dma_wait3A_280 = tpu.memref_slice %arg13[%add3A_270, %dma_wait3A_279] : memref<10240x128xf32, #tpu.memory_space<vmem_shared>> -> memref<128x128xf32, #tpu.memory_space<vmem_shared>>
      tpu.wait_dma2 semaphore(%run_scoped3A : memref<!tpu.dma_semaphore, #tpu.memory_space<semaphore_mem>>) src(%dma_wait3A_280 : memref<128x128xf32, #tpu.memory_space<vmem_shared>>) dst(%dma_wait3A_278 : memref<128x128xf32, #tpu.memory_space<hbm>>)
      tpu.yield
    }) : () -> ()
    %barrier3A_272 = arith.constant 0 : index
    tpu.barrier barrier_id(%barrier3A_272)
    return
  }
}

module attributes {stable_mosaic.version = 14 : i64} {
  func.func @_stage_b_kernel(%arg0: i32, %arg1: i32, %arg2: memref<2x8x128xf32, #tpu.memory_space<vmem>>, %arg3: memref<8x128x128xf32, #tpu.memory_space<vmem>>, %arg4: memref<1x8x128x128xf32, #tpu.memory_space<vmem>>, %arg5: memref<1x128x128xf32, #tpu.memory_space<vmem>>, %arg6: memref<2x1x8x128x128xf32, #tpu.memory_space<vmem>>) attributes {dimension_semantics = [#tpu.dimension_semantics<arbitrary>, #tpu.dimension_semantics<arbitrary>], iteration_bounds = array<i64: 3, 10>, scalar_prefetch = 0 : i64, scratch_operands = 0 : i64, tpu.core_type = #tpu.core_type<tc>, window_params = [{transform_indices = @transform_0, window_bounds = array<i64: 2, 8, 128>}, {transform_indices = @transform_1, window_bounds = array<i64: 8, 128, 128>}, {transform_indices = @transform_2, window_bounds = array<i64: 1, 8, 128, 128>}, {transform_indices = @transform_3, window_bounds = array<i64: 1, 128, 128>}, {transform_indices = @transform_4, window_bounds = array<i64: 2, 1, 8, 128, 128>}]} {
    %get3A = arith.constant 0 : index
    %get3A_0 = arith.constant 0 : index
    %get3A_1 = arith.constant 0 : index
    %get3A_2 = vector.load %arg2[%get3A, %get3A_0, %get3A_1] : memref<2x8x128xf32, #tpu.memory_space<vmem>>, vector<1x8x128xf32>
    %get3A_3 = vector.shape_cast %get3A_2 : vector<1x8x128xf32> to vector<8x128xf32>
    %get3A_4 = arith.constant 1 : index
    %get3A_5 = arith.constant 0 : index
    %get3A_6 = arith.constant 0 : index
    %get3A_7 = vector.load %arg2[%get3A_4, %get3A_5, %get3A_6] : memref<2x8x128xf32, #tpu.memory_space<vmem>>, vector<1x8x128xf32>
    %get3A_8 = vector.shape_cast %get3A_7 : vector<1x8x128xf32> to vector<8x128xf32>
    %add3A = arith.addf %get3A_3, %get3A_8 : vector<8x128xf32>
    %add3A_9 = arith.constant 1.000000e+00 : f32
    %add3A_10 = vector.broadcast %add3A_9 : f32 to vector<8x128xf32>
    %add3A_11 = arith.addf %add3A, %add3A_10 : vector<8x128xf32>
    %rsqrt3A = math.rsqrt %add3A_11 : vector<8x128xf32>
    %broadcast_in_dim3A = vector.shape_cast %rsqrt3A : vector<8x128xf32> to vector<8x128x1xf32>
    %get3A_12 = arith.constant 0 : index
    %get3A_13 = arith.constant 0 : index
    %get3A_14 = arith.constant 0 : index
    %get3A_15 = vector.load %arg5[%get3A_12, %get3A_13, %get3A_14] : memref<1x128x128xf32, #tpu.memory_space<vmem>>, vector<1x128x128xf32>
    %get3A_16 = vector.shape_cast %get3A_15 : vector<1x128x128xf32> to vector<128x128xf32>
    %get3A_17 = arith.constant 0 : index
    %get3A_18 = arith.constant 0 : index
    %get3A_19 = arith.constant 0 : index
    %get3A_20 = vector.load %arg3[%get3A_17, %get3A_18, %get3A_19] : memref<8x128x128xf32, #tpu.memory_space<vmem>>, vector<8x128x128xf32>
    %mul3A = vector.broadcast %broadcast_in_dim3A : vector<8x128x1xf32> to vector<8x128x128xf32>
    %mul3A_21 = arith.mulf %mul3A, %get3A_20 : vector<8x128x128xf32>
    %dot_general3A = arith.constant dense<0.000000e+00> : vector<8x128x128xf32>
    %dot_general3A_22 = tpu.matmul %mul3A_21, %get3A_16, %dot_general3A {dimension_numbers = #tpu.dot_dimension_numbers<[2], [0], [0, 1], [1], [0, 0, 0, 1, 1, 1], [], []>, transpose_lhs_hint = false} : vector<8x128x128xf32>, vector<128x128xf32>, vector<8x128x128xf32> -> vector<8x128x128xf32>
    %swap3A = arith.constant 0 : index
    %swap3A_23 = arith.constant 0 : index
    %swap3A_24 = arith.constant 0 : index
    %swap3A_25 = arith.constant 0 : index
    %swap3A_26 = arith.constant 0 : index
    %swap3A_27 = vector.load %arg6[%swap3A, %swap3A_23, %swap3A_24, %swap3A_25, %swap3A_26] : memref<2x1x8x128x128xf32, #tpu.memory_space<vmem>>, vector<1x1x8x128x128xf32>
    %swap3A_28 = vector.shape_cast %swap3A_27 : vector<1x1x8x128x128xf32> to vector<8x128x128xf32>
    %swap3A_29 = vector.shape_cast %dot_general3A_22 : vector<8x128x128xf32> to vector<1x1x8x128x128xf32>
    tpu.vector_store %arg6[%swap3A, %swap3A_23, %swap3A_24, %swap3A_25, %swap3A_26], %swap3A_29 {strides = array<i32>} : memref<2x1x8x128x128xf32, #tpu.memory_space<vmem>>, vector<1x1x8x128x128xf32>,
    %get3A_30 = arith.constant 0 : index
    %get3A_31 = arith.constant 0 : index
    %get3A_32 = arith.constant 0 : index
    %get3A_33 = arith.constant 0 : index
    %get3A_34 = vector.load %arg4[%get3A_30, %get3A_31, %get3A_32, %get3A_33] : memref<1x8x128x128xf32, #tpu.memory_space<vmem>>, vector<1x8x128x128xf32>
    %get3A_35 = vector.shape_cast %get3A_34 : vector<1x8x128x128xf32> to vector<8x128x128xf32>
    %mul3A_36 = vector.broadcast %broadcast_in_dim3A : vector<8x128x1xf32> to vector<8x128x128xf32>
    %mul3A_37 = arith.mulf %mul3A_36, %get3A_35 : vector<8x128x128xf32>
    %dot_general3A_38 = arith.constant dense<0.000000e+00> : vector<8x128x128xf32>
    %dot_general3A_39 = tpu.matmul %mul3A_37, %get3A_16, %dot_general3A_38 {dimension_numbers = #tpu.dot_dimension_numbers<[2], [0], [0, 1], [1], [0, 0, 0, 1, 1, 1], [], []>, transpose_lhs_hint = false} : vector<8x128x128xf32>, vector<128x128xf32>, vector<8x128x128xf32> -> vector<8x128x128xf32>
    %swap3A_40 = arith.constant 1 : index
    %swap3A_41 = arith.constant 0 : index
    %swap3A_42 = arith.constant 0 : index
    %swap3A_43 = arith.constant 0 : index
    %swap3A_44 = arith.constant 0 : index
    %swap3A_45 = vector.load %arg6[%swap3A_40, %swap3A_41, %swap3A_42, %swap3A_43, %swap3A_44] : memref<2x1x8x128x128xf32, #tpu.memory_space<vmem>>, vector<1x1x8x128x128xf32>
    %swap3A_46 = vector.shape_cast %swap3A_45 : vector<1x1x8x128x128xf32> to vector<8x128x128xf32>
    %swap3A_47 = vector.shape_cast %dot_general3A_39 : vector<8x128x128xf32> to vector<1x1x8x128x128xf32>
    tpu.vector_store %arg6[%swap3A_40, %swap3A_41, %swap3A_42, %swap3A_43, %swap3A_44], %swap3A_47 {strides = array<i32>} : memref<2x1x8x128x128xf32, #tpu.memory_space<vmem>>, vector<1x1x8x128x128xf32>,
    return
  }
  func.func @transform_0(%arg0: i32, %arg1: i32) -> (i32, i32, i32) {
    %mul3A = arith.constant 10 : i32
    %mul3A_0 = arith.muli %arg0, %mul3A : i32
    %add3A = arith.addi %mul3A_0, %arg1 : i32
    %c0_i32 = arith.constant 0 : i32
    %c0_i32_1 = arith.constant 0 : i32
    %c0_i32_2 = arith.constant 0 : i32
    return %c0_i32, %add3A, %c0_i32_1 : i32, i32, i32
  }
  func.func @transform_1(%arg0: i32, %arg1: i32) -> (i32, i32, i32) {
    %c0_i32 = arith.constant 0 : i32
    %c0_i32_0 = arith.constant 0 : i32
    %c0_i32_1 = arith.constant 0 : i32
    return %arg1, %c0_i32, %c0_i32_0 : i32, i32, i32
  }
  func.func @transform_2(%arg0: i32, %arg1: i32) -> (i32, i32, i32, i32) {
    %c0_i32 = arith.constant 0 : i32
    %c0_i32_0 = arith.constant 0 : i32
    %c0_i32_1 = arith.constant 0 : i32
    return %arg0, %arg1, %c0_i32, %c0_i32_0 : i32, i32, i32, i32
  }
  func.func @transform_3(%arg0: i32, %arg1: i32) -> (i32, i32, i32) {
    %c0_i32 = arith.constant 0 : i32
    %c0_i32_0 = arith.constant 0 : i32
    %c0_i32_1 = arith.constant 0 : i32
    return %arg0, %c0_i32, %c0_i32_0 : i32, i32, i32
  }
  func.func @transform_4(%arg0: i32, %arg1: i32) -> (i32, i32, i32, i32, i32) {
    %c0_i32 = arith.constant 0 : i32
    %c0_i32_0 = arith.constant 0 : i32
    %c0_i32_1 = arith.constant 0 : i32
    %c0_i32_2 = arith.constant 0 : i32
    return %c0_i32, %arg0, %arg1, %c0_i32_0, %c0_i32_1 : i32, i32, i32, i32, i32
  }
}

module attributes {stable_mosaic.version = 14 : i64} {
  func.func @_stage_d_kernel(%arg0: i32, %arg1: i32, %arg2: memref<2x1x8x128x128xf32, #tpu.memory_space<vmem>>, %arg3: memref<2x1x8x128x128xf32, #tpu.memory_space<vmem>>, %arg4: memref<2x8x128xf32, #tpu.memory_space<vmem>>, %arg5: memref<1x1x128xf32, #tpu.memory_space<vmem>>, %arg6: memref<1x8x128x128xf32, #tpu.memory_space<vmem>>, %arg7: memref<1x8x128x128xf32, #tpu.memory_space<vmem>>, %arg8: memref<1x1x128xf32, #tpu.memory_space<vmem>>) attributes {dimension_semantics = [#tpu.dimension_semantics<arbitrary>, #tpu.dimension_semantics<arbitrary>], iteration_bounds = array<i64: 3, 10>, scalar_prefetch = 0 : i64, scratch_operands = 0 : i64, tpu.core_type = #tpu.core_type<tc>, window_params = [{transform_indices = @transform_0, window_bounds = array<i64: 2, 1, 8, 128, 128>}, {transform_indices = @transform_1, window_bounds = array<i64: 2, 1, 8, 128, 128>}, {transform_indices = @transform_2, window_bounds = array<i64: 2, 8, 128>}, {transform_indices = @transform_3, window_bounds = array<i64: 1, 1, 128>}, {transform_indices = @transform_4, window_bounds = array<i64: 1, 8, 128, 128>}, {transform_indices = @transform_5, window_bounds = array<i64: 1, 8, 128, 128>}, {transform_indices = @transform_6, window_bounds = array<i64: 1, 1, 128>}]} {
    %get3A = arith.constant 0 : index
    %get3A_0 = arith.constant 0 : index
    %get3A_1 = arith.constant 0 : index
    %get3A_2 = vector.load %arg4[%get3A, %get3A_0, %get3A_1] : memref<2x8x128xf32, #tpu.memory_space<vmem>>, vector<1x8x128xf32>
    %get3A_3 = vector.shape_cast %get3A_2 : vector<1x8x128xf32> to vector<8x128xf32>
    %get3A_4 = arith.constant 1 : index
    %get3A_5 = arith.constant 0 : index
    %get3A_6 = arith.constant 0 : index
    %get3A_7 = vector.load %arg4[%get3A_4, %get3A_5, %get3A_6] : memref<2x8x128xf32, #tpu.memory_space<vmem>>, vector<1x8x128xf32>
    %get3A_8 = vector.shape_cast %get3A_7 : vector<1x8x128xf32> to vector<8x128xf32>
    %add3A = arith.addf %get3A_3, %get3A_8 : vector<8x128xf32>
    %add3A_9 = arith.constant 1.000000e+00 : f32
    %add3A_10 = vector.broadcast %add3A_9 : f32 to vector<8x128xf32>
    %add3A_11 = arith.addf %add3A, %add3A_10 : vector<8x128xf32>
    %rsqrt3A = math.rsqrt %add3A_11 : vector<8x128xf32>
    %broadcast_in_dim3A = vector.shape_cast %rsqrt3A : vector<8x128xf32> to vector<8x128x1xf32>
    %get3A_12 = arith.constant 0 : index
    %get3A_13 = arith.constant 0 : index
    %get3A_14 = arith.constant 0 : index
    %get3A_15 = vector.load %arg5[%get3A_12, %get3A_13, %get3A_14] : memref<1x1x128xf32, #tpu.memory_space<vmem>>, vector<1x1x128xf32>
    %get3A_16 = vector.shape_cast %get3A_15 : vector<1x1x128xf32> to vector<128xf32>
    %broadcast_in_dim3A_17 = vector.shape_cast %get3A_16 : vector<128xf32> to vector<1x1x128xf32>
    %get3A_18 = arith.constant 0 : index
    %get3A_19 = arith.constant 0 : index
    %get3A_20 = arith.constant 0 : index
    %get3A_21 = arith.constant 0 : index
    %get3A_22 = arith.constant 0 : index
    %get3A_23 = vector.load %arg2[%get3A_18, %get3A_19, %get3A_20, %get3A_21, %get3A_22] : memref<2x1x8x128x128xf32, #tpu.memory_space<vmem>>, vector<1x1x8x128x128xf32>
    %get3A_24 = vector.shape_cast %get3A_23 : vector<1x1x8x128x128xf32> to vector<8x128x128xf32>
    %get3A_25 = arith.constant 0 : index
    %get3A_26 = arith.constant 0 : index
    %get3A_27 = arith.constant 0 : index
    %get3A_28 = arith.constant 0 : index
    %get3A_29 = arith.constant 0 : index
    %get3A_30 = vector.load %arg3[%get3A_25, %get3A_26, %get3A_27, %get3A_28, %get3A_29] : memref<2x1x8x128x128xf32, #tpu.memory_space<vmem>>, vector<1x1x8x128x128xf32>
    %get3A_31 = vector.shape_cast %get3A_30 : vector<1x1x8x128x128xf32> to vector<8x128x128xf32>
    %add3A_32 = arith.addf %get3A_24, %get3A_31 : vector<8x128x128xf32>
    %mul3A = vector.broadcast %broadcast_in_dim3A : vector<8x128x1xf32> to vector<8x128x128xf32>
    %mul3A_33 = arith.mulf %mul3A, %add3A_32 : vector<8x128x128xf32>
    %add3A_34 = vector.broadcast %broadcast_in_dim3A_17 : vector<1x1x128xf32> to vector<8x128x128xf32>
    %add3A_35 = arith.addf %mul3A_33, %add3A_34 : vector<8x128x128xf32>
    %max3A = arith.constant 0.000000e+00 : f32
    %max3A_36 = vector.broadcast %max3A : f32 to vector<8x128x128xf32>
    %max3A_37 = arith.maximumf %add3A_35, %max3A_36 : vector<8x128x128xf32>
    %get3A_38 = arith.constant 1 : index
    %get3A_39 = arith.constant 0 : index
    %get3A_40 = arith.constant 0 : index
    %get3A_41 = arith.constant 0 : index
    %get3A_42 = arith.constant 0 : index
    %get3A_43 = vector.load %arg2[%get3A_38, %get3A_39, %get3A_40, %get3A_41, %get3A_42] : memref<2x1x8x128x128xf32, #tpu.memory_space<vmem>>, vector<1x1x8x128x128xf32>
    %get3A_44 = vector.shape_cast %get3A_43 : vector<1x1x8x128x128xf32> to vector<8x128x128xf32>
    %get3A_45 = arith.constant 1 : index
    %get3A_46 = arith.constant 0 : index
    %get3A_47 = arith.constant 0 : index
    %get3A_48 = arith.constant 0 : index
    %get3A_49 = arith.constant 0 : index
    %get3A_50 = vector.load %arg3[%get3A_45, %get3A_46, %get3A_47, %get3A_48, %get3A_49] : memref<2x1x8x128x128xf32, #tpu.memory_space<vmem>>, vector<1x1x8x128x128xf32>
    %get3A_51 = vector.shape_cast %get3A_50 : vector<1x1x8x128x128xf32> to vector<8x128x128xf32>
    %add3A_52 = arith.addf %get3A_44, %get3A_51 : vector<8x128x128xf32>
    %mul3A_53 = vector.broadcast %broadcast_in_dim3A : vector<8x128x1xf32> to vector<8x128x128xf32>
    %mul3A_54 = arith.mulf %mul3A_53, %add3A_52 : vector<8x128x128xf32>
    %add3A_55 = vector.broadcast %broadcast_in_dim3A_17 : vector<1x1x128xf32> to vector<8x128x128xf32>
    %add3A_56 = arith.addf %mul3A_54, %add3A_55 : vector<8x128x128xf32>
    %max3A_57 = arith.constant 0.000000e+00 : f32
    %max3A_58 = vector.broadcast %max3A_57 : f32 to vector<8x128x128xf32>
    %max3A_59 = arith.maximumf %add3A_56, %max3A_58 : vector<8x128x128xf32>
    %swap3A = arith.constant 0 : index
    %swap3A_60 = arith.constant 0 : index
    %swap3A_61 = arith.constant 0 : index
    %swap3A_62 = arith.constant 0 : index
    %swap3A_63 = vector.load %arg6[%swap3A, %swap3A_60, %swap3A_61, %swap3A_62] : memref<1x8x128x128xf32, #tpu.memory_space<vmem>>, vector<1x8x128x128xf32>
    %swap3A_64 = vector.shape_cast %swap3A_63 : vector<1x8x128x128xf32> to vector<8x128x128xf32>
    %swap3A_65 = vector.shape_cast %max3A_37 : vector<8x128x128xf32> to vector<1x8x128x128xf32>
    tpu.vector_store %arg6[%swap3A, %swap3A_60, %swap3A_61, %swap3A_62], %swap3A_65 {strides = array<i32>} : memref<1x8x128x128xf32, #tpu.memory_space<vmem>>, vector<1x8x128x128xf32>,
    %swap3A_66 = arith.constant 0 : index
    %swap3A_67 = arith.constant 0 : index
    %swap3A_68 = arith.constant 0 : index
    %swap3A_69 = arith.constant 0 : index
    %swap3A_70 = vector.load %arg7[%swap3A_66, %swap3A_67, %swap3A_68, %swap3A_69] : memref<1x8x128x128xf32, #tpu.memory_space<vmem>>, vector<1x8x128x128xf32>
    %swap3A_71 = vector.shape_cast %swap3A_70 : vector<1x8x128x128xf32> to vector<8x128x128xf32>
    %swap3A_72 = vector.shape_cast %max3A_59 : vector<8x128x128xf32> to vector<1x8x128x128xf32>
    tpu.vector_store %arg7[%swap3A_66, %swap3A_67, %swap3A_68, %swap3A_69], %swap3A_72 {strides = array<i32>} : memref<1x8x128x128xf32, #tpu.memory_space<vmem>>, vector<1x8x128x128xf32>,
    %iota3A = tpu.iota {dimensions = array<i32: 0>} : vector<8x128x1xi32>
    %iota3A_73 = tpu.iota {dimensions = array<i32: 1>} : vector<8x128x1xi32>
    %mul3A_74 = arith.constant 1024 : i32
    %mul3A_75 = arith.muli %arg1, %mul3A_74 : i32
    %mul3A_76 = arith.constant 128 : i32
    %mul3A_77 = vector.broadcast %mul3A_76 : i32 to vector<8x128x1xi32>
    %mul3A_78 = arith.muli %iota3A, %mul3A_77 : vector<8x128x1xi32>
    %add3A_79 = vector.broadcast %mul3A_75 : i32 to vector<8x128x1xi32>
    %add3A_80 = arith.addi %add3A_79, %mul3A_78 : vector<8x128x1xi32>
    %add3A_81 = arith.addi %add3A_80, %iota3A_73 : vector<8x128x1xi32>
    %lt3A = arith.constant 10000 : i32
    %lt3A_82 = vector.broadcast %lt3A : i32 to vector<8x128x1xi32>
    %lt3A_83 = arith.cmpi slt, %add3A_81, %lt3A_82 : vector<8x128x1xi32>
    %jit3A = arith.constant 0.000000e+00 : f32
    %broadcast_in_dim3A_84 = vector.shape_cast %lt3A_83 : vector<8x128x1xi1> to vector<8x128x1xi1>
    %broadcast_in_dim3A_85 = vector.broadcast %broadcast_in_dim3A_84 : vector<8x128x1xi1> to vector<8x128x128xi1>
    %broadcast_in_dim3A_86 = vector.broadcast %jit3A : f32 to vector<8x128x128xf32>
    %select_n3A = arith.select %broadcast_in_dim3A_85, %max3A_37, %broadcast_in_dim3A_86 : vector<8x128x128xi1>, vector<8x128x128xf32>
    %eq3A = arith.constant 0 : i32
    %eq3A_87 = arith.cmpi eq, %arg1, %eq3A : i32
    %convert_element_type3A = arith.extui %eq3A_87 : i1 to i32
    %cond3A = arith.constant 0 : i32
    %cond3A_88 = arith.cmpi ne, %convert_element_type3A, %cond3A : i32
    scf.if %cond3A_88 {
      %broadcast_in_dim3A_107 = arith.constant 0.000000e+00 : f32
      %broadcast_in_dim3A_108 = vector.broadcast %broadcast_in_dim3A_107 : f32 to vector<1x1x128xf32>
      %swap3A_109 = arith.constant 0 : index
      %swap3A_110 = arith.constant 0 : index
      %swap3A_111 = arith.constant 0 : index
      %swap3A_112 = vector.load %arg8[%swap3A_109, %swap3A_110, %swap3A_111] : memref<1x1x128xf32, #tpu.memory_space<vmem>>, vector<1x1x128xf32>
      tpu.vector_store %arg8[%swap3A_109, %swap3A_110, %swap3A_111], %broadcast_in_dim3A_108 {strides = array<i32>} : memref<1x1x128xf32, #tpu.memory_space<vmem>>, vector<1x1x128xf32>,
    } else {
    }
    %get3A_89 = arith.constant 0 : index
    %get3A_90 = arith.constant 0 : index
    %get3A_91 = arith.constant 0 : index
    %get3A_92 = vector.load %arg8[%get3A_89, %get3A_90, %get3A_91] : memref<1x1x128xf32, #tpu.memory_space<vmem>>, vector<1x1x128xf32>
    %get3A_93 = vector.shape_cast %get3A_92 : vector<1x1x128xf32> to vector<128xf32>
    %reduce_sum3A = arith.constant dense<0.000000e+00> : vector<128xf32>
    %reduce_sum3A_94 = vector.multi_reduction <add>, %select_n3A, %reduce_sum3A [0, 1] : vector<8x128x128xf32> to vector<128xf32>
    %add3A_95 = arith.addf %get3A_93, %reduce_sum3A_94 : vector<128xf32>
    %swap3A_96 = arith.constant 0 : index
    %swap3A_97 = arith.constant 0 : index
    %swap3A_98 = arith.constant 0 : index
    %swap3A_99 = vector.load %arg8[%swap3A_96, %swap3A_97, %swap3A_98] : memref<1x1x128xf32, #tpu.memory_space<vmem>>, vector<1x1x128xf32>
    %swap3A_100 = vector.shape_cast %swap3A_99 : vector<1x1x128xf32> to vector<128xf32>
    %swap3A_101 = vector.shape_cast %add3A_95 : vector<128xf32> to vector<1x1x128xf32>
    tpu.vector_store %arg8[%swap3A_96, %swap3A_97, %swap3A_98], %swap3A_101 {strides = array<i32>} : memref<1x1x128xf32, #tpu.memory_space<vmem>>, vector<1x1x128xf32>,
    %eq3A_102 = arith.constant 9 : i32
    %eq3A_103 = arith.cmpi eq, %arg1, %eq3A_102 : i32
    %convert_element_type3A_104 = arith.extui %eq3A_103 : i1 to i32
    %cond3A_105 = arith.constant 0 : i32
    %cond3A_106 = arith.cmpi ne, %convert_element_type3A_104, %cond3A_105 : i32
    scf.if %cond3A_106 {
      %get3A_107 = arith.constant 0 : index
      %get3A_108 = arith.constant 0 : index
      %get3A_109 = arith.constant 0 : index
      %get3A_110 = vector.load %arg8[%get3A_107, %get3A_108, %get3A_109] : memref<1x1x128xf32, #tpu.memory_space<vmem>>, vector<1x1x128xf32>
      %mul3A_111 = arith.constant 9.99999974E-5 : f32
      %mul3A_112 = vector.broadcast %mul3A_111 : f32 to vector<1x1x128xf32>
      %mul3A_113 = arith.mulf %get3A_110, %mul3A_112 : vector<1x1x128xf32>
      %logistic3A = arith.negf %mul3A_113 : vector<1x1x128xf32>
      %logistic3A_114 = math.exp %logistic3A : vector<1x1x128xf32>
      %logistic3A_115 = arith.constant 1.000000e+00 : f32
      %logistic3A_116 = vector.broadcast %logistic3A_115 : f32 to vector<1x1x128xf32>
      %logistic3A_117 = arith.addf %logistic3A_116, %logistic3A_114 : vector<1x1x128xf32>
      %logistic3A_118 = arith.divf %logistic3A_116, %logistic3A_117 : vector<1x1x128xf32>
      %swap3A_119 = arith.constant 0 : index
      %swap3A_120 = arith.constant 0 : index
      %swap3A_121 = arith.constant 0 : index
      %swap3A_122 = vector.load %arg8[%swap3A_119, %swap3A_120, %swap3A_121] : memref<1x1x128xf32, #tpu.memory_space<vmem>>, vector<1x1x128xf32>
      tpu.vector_store %arg8[%swap3A_119, %swap3A_120, %swap3A_121], %logistic3A_118 {strides = array<i32>} : memref<1x1x128xf32, #tpu.memory_space<vmem>>, vector<1x1x128xf32>,
    } else {
    }
    return
  }
  func.func @transform_0(%arg0: i32, %arg1: i32) -> (i32, i32, i32, i32, i32) {
    %c0_i32 = arith.constant 0 : i32
    %c0_i32_0 = arith.constant 0 : i32
    %c0_i32_1 = arith.constant 0 : i32
    %c0_i32_2 = arith.constant 0 : i32
    return %c0_i32, %arg0, %arg1, %c0_i32_0, %c0_i32_1 : i32, i32, i32, i32, i32
  }
  func.func @transform_1(%arg0: i32, %arg1: i32) -> (i32, i32, i32, i32, i32) {
    %c0_i32 = arith.constant 0 : i32
    %c0_i32_0 = arith.constant 0 : i32
    %c0_i32_1 = arith.constant 0 : i32
    %c0_i32_2 = arith.constant 0 : i32
    return %c0_i32, %arg0, %arg1, %c0_i32_0, %c0_i32_1 : i32, i32, i32, i32, i32
  }
  func.func @transform_2(%arg0: i32, %arg1: i32) -> (i32, i32, i32) {
    %mul3A = arith.constant 10 : i32
    %mul3A_0 = arith.muli %arg0, %mul3A : i32
    %add3A = arith.addi %mul3A_0, %arg1 : i32
    %c0_i32 = arith.constant 0 : i32
    %c0_i32_1 = arith.constant 0 : i32
    %c0_i32_2 = arith.constant 0 : i32
    return %c0_i32, %add3A, %c0_i32_1 : i32, i32, i32
  }
  func.func @transform_3(%arg0: i32, %arg1: i32) -> (i32, i32, i32) {
    %c0_i32 = arith.constant 0 : i32
    %c0_i32_0 = arith.constant 0 : i32
    %c0_i32_1 = arith.constant 0 : i32
    return %arg0, %c0_i32, %c0_i32_0 : i32, i32, i32
  }
  func.func @transform_4(%arg0: i32, %arg1: i32) -> (i32, i32, i32, i32) {
    %c0_i32 = arith.constant 0 : i32
    %c0_i32_0 = arith.constant 0 : i32
    %c0_i32_1 = arith.constant 0 : i32
    return %arg0, %arg1, %c0_i32, %c0_i32_0 : i32, i32, i32, i32
  }
  func.func @transform_5(%arg0: i32, %arg1: i32) -> (i32, i32, i32, i32) {
    %c0_i32 = arith.constant 0 : i32
    %c0_i32_0 = arith.constant 0 : i32
    %c0_i32_1 = arith.constant 0 : i32
    return %arg0, %arg1, %c0_i32, %c0_i32_0 : i32, i32, i32, i32
  }
  func.func @transform_6(%arg0: i32, %arg1: i32) -> (i32, i32, i32) {
    %c0_i32 = arith.constant 0 : i32
    %c0_i32_0 = arith.constant 0 : i32
    %c0_i32_1 = arith.constant 0 : i32
    return %arg0, %c0_i32, %c0_i32_0 : i32, i32, i32
  }
}

</mosaic_0001>

<sc_bundles>
// kernel: kernel.6.cloned.1.call-start
scs
__scs_entry_jumppad:
0x0: {  	(pc) =	sbr.rel $0x88, $3  }
0x1: {  	(tag) =	ssettag $0x0;
	lr =	simm.s32 $0x1  }
0x2: {  	[smem:$0x3F9C] =	sst lr;
	_ =	strace $0xD0000000  }
0x3: {  	_ = 	snop  }
0x4: {  	_ = 	snop  }
0x5: {  	_ = 	snop  }
0x6: {  	_ = 	snop  }
0x7: {  	_ = 	snop  }
__scs_overlays_trampoline_lowered:
0x8: {  	[smem:$0x3FAB] =	sst s0  }
0x9: {  	[smem:$0x3FAC] =	sst s1  }
0xa: {  	[smem:$0x3FAD] =	sst s2  }
0xb: {  	[smem:$0x3FAE] =	sst s3  }
0xc: {  	[smem:$0x3FAF] =	sst s4  }
0xd: {  	[smem:$0x3FB0] =	sst s5  }
0xe: {  	[smem:$0x3FB1] =	sst s6  }
0xf: {  	[smem:$0x3FB2] =	sst s7  }
0x10: {  	[smem:$0x3FB3] =	sst s8  }
0x11: {  	[smem:$0x3FB4] =	sst s9;
	s0 =	simm.s32 @!p0 $0x0  }
0x12: {  	s1 =	sld [smem:$0x3F9A];
	s0 =	simm.s32 @p0 $0x1  }
0x13: {  	[smem:$0x3FB5] =	sst s0;
	s0 =	simm.s32 @!p1 $0x0  }
0x14: {  	s2 =	sld [smem:$0x3F99];
	s0 =	simm.s32 @p1 $0x1  }
0x15: {  	[smem:$0x3FB6] =	sst s0;
	s0 =	simm.s32 @!p2 $0x0  }
0x16: {  	s3 =	sld [smem:$0x3FDB];
	s0 =	simm.s32 @p2 $0x1  }
0x17: {  	s4 =	simm.s32 $0x1BF5;
	[smem:$0x3FB8] =	sst s0  }
0x18: {  	s0 =	sld [smem:$0x3F9B];
	_ =	swait.ge [sflag:s4], $0x0  }
0x19: {  	s7 =	sld [smem:$0x3F9C]  }
0x1a: {  	s8 =	sadd.s32 $0xFFFFE003, lr  }
0x1b: {  	s9 =	sadd.s32 $0xFFFFFEF7, lr;
	s5 =	simm.s32 $0xFFFFFFFF;
	p2 =	slt.u32 s8, $0xFFFFF086  }
0x1c: {  	p1 =	slt.u32 s9, $0xF7A;
	s5 =	simm.s32 @!p2 $0x0  }
0x1d: {  	s5 =	simm.s32 @p1 $0x1;
	p0 =	seq.s32 s7, s2  }
0x1e: {  	s7 =	smul.u32 @!p0 $0xF7A, s2;
	p2 =	seq.s32 @!p0 s5, $0x0  }
0x1f: {  	s9 =	smul.u32 $0xF7A, s1;
	s8 =	simm.s32 @!p0 $0x1BF5;
	p2 =	por !p2, p0  }
0x20: {  	[sflag:s8] =	ssyncset.s32 @!p0 $0xFFFFF086;
	s6 =	sadd.s32 @!p0 s3, s7;
	s7 =	simm.s32 @!p0 $0x108  }
0x21: {  	s3 =	sadd.s32 s3, s9;
	s6 =	sadd.s32 @!p0 $0x88, s6;
	s7 =	simm.s32 @p2 $0x1082  }
0x22: {  	[simem:s7], [sflag:s8] =	dma.local @!p0 [hbm:s6], $0xF7A  }
0x23: {  	s9 =	sor.u32 $0xD0000000, s2;
	s6 =	simm.s32 $0x108;
	_ =	swait.ge @!p0 [sflag:s8], $0x0  }
0x24: {  	s3 =	sadd.s32 $0x88, s3;
	s6 =	simm.s32 @!p1 $0x1082;
	[sflag:s4] =	ssyncset.s32 $0xFFFFF086  }
0x25: {  	[simem:s6], [sflag:s4] =	dma.local [hbm:s3], $0xF7A  }
0x26: {  	[smem:$0x3F9C] =	sst s1;
	(tag) =	ssettag s2;
	_ =	strace s9  }
0x27: {  	s1 =	sld [smem:$0x3FAC]  }
0x28: {  	s2 =	sld [smem:$0x3FAD]  }
0x29: {  	s4 =	sld [smem:$0x3FAF]  }
0x2a: {  	p0 =	seq.s32 s5, $0x0;
	s5 =	sld [smem:$0x3FB0]  }
0x2b: {  	s6 =	sld [smem:$0x3FB1]  }
0x2c: {  	s7 =	sld [smem:$0x3FB2]  }
0x2d: {  	s3 =	simm.s32 $0x108;
	s8 =	sld [smem:$0x3FB3]  }
0x2e: {  	s3 =	simm.s32 @!p0 $0x1082;
	s9 =	sld [smem:$0x3FB4]  }
0x2f: {  	lr =	sadd.s32 s0, s3;
	s0 =	sld [smem:$0x3FAB]  }
0x30: {  	s3 =	sld [smem:$0x3FAE]  }
0x31: {  	[smem:$0x3FB7] =	sst s10  }
0x32: {  	s10 =	sld [smem:$0x3FB5];
	_ =	sdelay $0x3  }
0x33: {  	p0 =	seq.s32 s10, $0x1;
	s10 =	sld [smem:$0x3FB7];
	_ =	sdelay $0x3  }
0x34: {  	[smem:$0x3FB7] =	sst s10  }
0x35: {  	s10 =	sld [smem:$0x3FB6];
	_ =	sdelay $0x3  }
0x36: {  	p1 =	seq.s32 s10, $0x1;
	s10 =	sld [smem:$0x3FB7];
	_ =	sdelay $0x3  }
0x37: {  	[smem:$0x3FB7] =	sst s10  }
0x38: {  	s10 =	sld [smem:$0x3FB8]  }
0x39: {  	_ = 	snop;
	(pc) =	sbr.ind lr, $3  }
0x3a: {  	_ = 	snop  }
0x3b: {  	_ = 	snop  }
0x3c: {  	p2 =	seq.s32 s10, $0x1;
	s10 =	sld [smem:$0x3FB7]  }
0x3d: {  	_ =	shalt  }
0x3e: {  	_ =	shalt  }
0x3f: {  	_ =	shalt  }
0x40: {  	_ =	shalt  }
0x41: {  	_ =	shalt  }
0x42: {  	_ =	shalt  }
0x43: {  	_ =	shalt  }
0x44: {  	_ =	shalt  }
0x45: {  	_ =	shalt  }
0x46: {  	_ =	shalt  }
0x47: {  	_ =	shalt  }
0x48: {  	_ =	shalt  }
0x49: {  	_ =	shalt  }
0x4a: {  	_ =	shalt  }
0x4b: {  	_ =	shalt  }
0x4c: {  	_ =	shalt  }
0x4d: {  	_ =	shalt  }
0x4e: {  	_ =	shalt  }
0x4f: {  	_ =	shalt  }
0x50: {  	_ =	shalt  }
0x51: {  	_ =	shalt  }
0x52: {  	_ =	shalt  }
0x53: {  	_ =	shalt  }
0x54: {  	_ =	shalt  }
0x55: {  	_ =	shalt  }
0x56: {  	_ =	shalt  }
0x57: {  	_ =	shalt  }
0x58: {  	_ =	shalt  }
0x59: {  	_ =	shalt  }
0x5a: {  	_ =	shalt  }
0x5b: {  	_ =	shalt  }
0x5c: {  	_ =	shalt  }
0x5d: {  	_ =	shalt  }
0x5e: {  	_ =	shalt  }
0x5f: {  	_ =	shalt  }
0x60: {  	_ =	shalt  }
0x61: {  	_ =	shalt  }
0x62: {  	_ =	shalt  }
0x63: {  	_ =	shalt  }
0x64: {  	_ =	shalt  }
0x65: {  	_ =	shalt  }
0x66: {  	_ =	shalt  }
0x67: {  	_ =	shalt  }
0x68: {  	_ =	shalt  }
0x69: {  	_ =	shalt  }
0x6a: {  	_ =	shalt  }
0x6b: {  	_ =	shalt  }
0x6c: {  	_ =	shalt  }
0x6d: {  	_ =	shalt  }
0x6e: {  	_ =	shalt  }
0x6f: {  	_ =	shalt  }
0x70: {  	_ =	shalt  }
0x71: {  	_ =	shalt  }
0x72: {  	_ =	shalt  }
0x73: {  	_ =	shalt  }
0x74: {  	_ =	shalt  }
0x75: {  	_ =	shalt  }
0x76: {  	_ =	shalt  }
0x77: {  	_ =	shalt  }
0x78: {  	_ =	shalt  }
0x79: {  	_ =	shalt  }
0x7a: {  	_ =	shalt  }
0x7b: {  	_ =	shalt  }
0x7c: {  	_ =	shalt  }
0x7d: {  	_ =	shalt  }
0x7e: {  	_ =	shalt  }
0x7f: {  	_ =	shalt  }
0x80: {  	_ =	shalt  }
0x81: {  	_ =	shalt  }
0x82: {  	_ =	shalt  }
0x83: {  	_ =	shalt  }
0x84: {  	_ =	shalt  }
0x85: {  	_ =	shalt  }
0x86: {  	_ =	shalt  }
0x87: {  	_ =	shalt  }
.Lfunc_end0:
.L_simem_size_0:
called_computation_lowered:
.L_overlay_start_0:
0x88: {  	s2 =	sld [smem:$0x3FD9]  }
0x89: {  	s3 =	sld [smem:$0x3FFE];
	_ =	sdelay $0x1  }
0x8a: {  	s1 =	srdreg.scid  }
0x8b: {  	s0 =	sand.u32 $0x1, s1  }
0x8c: {  	s17 =	sshll.u32 s0, $0xA;
	s2 =	sadd.s32 s3, s2  }
0x8d: {  	s2 =	sadd.s32 s2, s17  }
0x8e: {  	[smem:$0x3FC3] =	sst s2  }
0x8f: {  	_ = 	snop  }
0x90: {  	s2 =	sld [smem:$0x3FC9];
	(tm) =	ssettm $0x1  }
0x91: {  	s18 =	sld [smem:$0x3FFB];
	_ =	sdelay $0x3  }
0x92: {  	_ =	strace s18  }
0x93: {  	s3 =	sld [smem:$0x3FFC];
	_ =	sdelay $0x3  }
0x94: {  	_ =	strace s3  }
0x95: {  	s3 =	sld [smem:$0x3FFD];
	_ =	sdelay $0x3  }
0x96: {  	_ =	strace s3  }
0x97: {  	_ =	strace $0x8FFFFFFF  }
0x98: {  	s19 =	sld [smem:$0x3FDB];
	_ =	sdelay $0x1  }
0x99: {  	s4 =	simm.s32 $_scs_section_size  }
0x9a: {  	s5 =	simm.s32 $_size__tile_overlayer_lowered;
	s6 =	simm.s32 $_tile_overlayer_lowered  }
0x9b: {  	s22 =	simm.s32 $0x1BFF;
	s21 =	sshll.u32 s6, $0x1;
	s3 =	sadd.s32 s4, s19  }
0x9c: {  	s7 =	simm.s32 $0x0;
	s20 =	sshll.u32 s5, $0x1;
	s5 =	sadd.s32 s21, s3  }
0x9d: {  	[timem:s7], [sflag:s22] =	dma.local [hbm:s5], s20  }
0x9e: {  	_ =	swait.ge [sflag:s22], s20  }
0x9f: {  	s4 =	ssub.s32 $0x0, s20;
	[sflag:s22] =	ssyncset.done $0x0  }
0xa0: {  	[sflag:s22] =	ssyncadd.s32 s4;
	_ =	sdelay $0x1  }
0xa1: {  	s23 =	simm.s32 $0x1B8B  }
0xa2: {  	_ =	swait.ge [sflag:s23], $0x1  }
0xa3: {  	[sflag:s23] =	ssyncset.done $0x0  }
0xa4: {  	s25 =	simm.s32 $0x1B8E;
	s24 =	sld [smem:$0x3FFE];
	[sflag:s23] =	ssyncadd.s32 $0xFFFFFFFF  }
0xa5: {  	s26 =	simm.s32 $execute0_lowered;
	[smem:$0x3FD2] =	sst s25  }
0xa6: {  	s5 =	sshll.u32 s26, $0x1;
	_ =	strace $0x80000046;
	[dreg:$0x1] =	wrdreg $0xFFFFFFFF  }
0xa7: {  	s28 =	simm.s32 $_size_execute0_lowered;
	s3 =	sadd.s32 s3, s5;
	[dreg:$0x0] =	wrdreg $0x0  }
0xa8: {  	s5 =	sshll.u32 s28, $0x1;
	[dreg:$0x2] =	wrdreg s3  }
0xa9: {  	[dreg:$0x3] =	wrdreg s5  }
0xaa: {  	[dreg:$0x4] =	wrdreg $0xC0  }
0xab: {  	_ =	task [dreg:s7], $0x5FFFF  }
0xac: {  	[dreg:$0x1] =	wrdreg $0xFFFFFFFF  }
0xad: {  	[dreg:$0x0] =	wrdreg $0x60  }
0xae: {  	[dreg:$0x2] =	wrdreg s24  }
0xaf: {  	[dreg:$0x3] =	wrdreg s2  }
0xb0: {  	[dreg:$0x4] =	wrdreg $0x76000  }
0xb1: {  	[dreg:$0x5] =	wrdreg $0x9  }
0xb2: {  	_ =	task.clear_ibuf [dreg:s7], $0x6FFFF;
	_ =	strace $0x90000046  }
0xb3: {  	s29 =	simm.s32 $0x9;
	_ =	strace $0x80000048  }
0xb4: {  	_ =	swait.ge [sflag:s29], $0x1  }
0xb5: {  	[sflag:s29] =	ssyncadd.s32 $0xFFFFFFFF  }
0xb6: {  	_ =	strace $0x90000048  }
0xb7: {  	_ =	sfence  }
0xb8: {  	s30 =	sld [smem:$0x0];
	_ =	sdelay $0x2  }
0xb9: {  	s31 =	sshll.u32 s1, $0xD;
	s1 =	sshrl.u32 s1, $0x2  }
0xba: {  	s3 =	sand.u32 $0x4000, s31;
	s1 =	sadd.s32 s1, s30  }
0xbb: {  	s0 =	sor.u32 s3, s0;
	s1 =	sshll.u32 s1, $0x11  }
0xbc: {  	s0 =	sor.u32 s1, s0  }
0xbd: {  	s0 =	sadd.s32 $0x8F2B, s0  }
0xbe: {  	[sflag:s0] =	ssyncadd.remote.s32 $0x1  }
0xbf: {  	_ =	sfence.sel $0xFFFF  }
0xc0: {  	[dreg:$0x0] =	wrdreg $0xFFFFFFFF;
	(pc) =	sbr.abs _section_cstart, $3  }
0xc1: {  	[dreg:$0x1] =	wrdreg $0xFFFFFFFF  }
0xc2: {  	_ =	task.clear_ibuf [dreg:s7], $0x2FFFF;
	_ =	strace $0x9FFFFFFF  }
0xc3: {  	(tm) =	ssettm $0x7FFFFFFF  }
tec
execute0_lowered:
.L_overlay_start_1:
0x0: {  	(tag) =	ssettag $0x1  }
0x1: {  	s0 =	rddreg [dreg:$0x0];
	s1 =	srdreg.scid  }
0x2: {  	s2 =	rddreg [dreg:$0x1];
	s14 =	stileid.u32  }
0x3: {  	s3 =	rddreg [dreg:$0x2];
	s4 =	simm.s32 $0x0;
	s28 =	simm.s32 $0x4B0  }
0x4: {  	s29 =	simm.s32 $0x500;
	s30 =	simm.s32 $0x50;
	s6 =	smul.u32 $0x7530, s14  }
0x5: {  	s1 =	sand.u32 $0x1, s1;
	s18 =	smul.u32 $0x780, s14;
	[smem:$0x7FF] =	sst s4  }
0x6: {  	s9 =	sadd.s32 $0x21E00, s0;
	s19 =	sadd.s32 $0x21C00, s0;
	s13 =	smul.u32 $0x28000, s14  }
0x7: {  	s23 =	smul.u32 $0x50, s14;
	_ =	strace $0x80000047;
	[dreg:$0x4] =	wrdreg s9  }
0x8: {  	s20 =	sadd.s32 $0x22000, s0;
	s5 =	smul.u32 $0x75300, s1;
	[dreg:$0x5] =	wrdreg s19  }
0x9: {  	s31 =	simm.s32 $0x4E00;
	s7 =	smul.u32 $0x7800, s1;
	[dreg:$0x6] =	wrdreg s20  }
0xa: {  	s9 =	sadd.s32 $0x22800, s0;
	s21 =	ssub.s32 $0x2, s1;
	s17 =	smul.u32 $0x500, s1  }
0xb: {  	s11 =	sshll.u32 s1, $0x4;
	s1 =	smul.u32 $0x28000, s1;
	s10 =	sshrl.u32 s21, $0x1  }
0xc: {  	s11 =	sor.u32 s14, s11;
	s24 =	sadd.s32 s9, s13;
	s5 =	sadd.s32 s6, s5  }
0xd: {  	s7 =	sadd.s32 s18, s7;
	s13 =	sadd.s32 $0x27100, s24;
	s25 =	ssub.s32 $0x7C, s11  }
0xe: {  	s17 =	sadd.s32 s23, s17;
	s23 =	simm.s32 $0x580;
	p0 =	sgt.u32 s11, $0x2  }
0xf: {  	s5 =	sshrl.u32 s5, $0x3;
	s7 =	sshrl.u32 s7, $0x3;
	s26 =	sshrl.u32 s25, $0x5  }
0x10: {  	s19 =	sadd.s32 $0x2710, s17;
	s25 =	simm.s32 $0xA80;
	s8 =	sadd.s32 s5, s0  }
0x11: {  	s5 =	sadd.s32 $0x3600, s0;
	s7 =	sadd.s32 s7, s0;
	s0 =	ssub.s32 s21, s10  }
0x12: {  	s10 =	sadd.s32 s18, s3;
	s18 =	smul.u32 $0x2800, s14;
	s14 =	sadd.s32 $0x27880, s24  }
0x13: {  	s16 =	sxor.u32 $0xFFFFFFFF, s26;
	s21 =	sadd.s32 $0x4E20, s17;
	s24 =	simm.s32 $0x2  }
0x14: {  	s26 =	simm.s32 $0x0;
	s22 =	sadd.s32 $0x9A800, s7;
	s12 =	smax.u32 s0, $0x1  }
0x15: {  	s15 =	sadd.s32 $0x4600, s8;
	[dreg:$0x7] =	wrdreg s22;
	s6 =	sadd.s32 s18, s1  }
0x16: {  	s1 =	simm.s32 $0x1;
	s20 =	sadd.s32 $0x140000, s6;
	s22 =	sor.u32 $0x280000, s6  }
.LBB2_1:
0x17: {  	s0 =	rddreg [dreg:$0x4]  }
0x18: {  	[tilespmem:s23], [sflag:$0x2] =	stream.linear.gather [hbm4b:s0+s4], $0x500, $0x38;
	[tilespmem:$0x7D80] =	vst v63  }
0x19: {  	_ =	swait.ge [sflag:s24], $0x500  }
0x1a: {  	[sflag:s24] =	ssyncset.done $0x0  }
0x1b: {  	s8 =	rddreg [dreg:$0x5];
	[sflag:s24] =	ssyncadd.s32 $0xFFFFFB00  }
0x1c: {  	[tilespmem:s25], [sflag:$0x2] =	stream.linear.gather [hbm4b:s8+s4], $0x780, $0x38;
	[tilespmem:$0x7D80] =	vst v63  }
0x1d: {  	_ =	swait.ge [sflag:s24], $0x780  }
0x1e: {  	[sflag:s24] =	ssyncset.done $0x0  }
0x1f: {  	s7 =	simm.s32 $0x1200;
	s11 =	rddreg [dreg:$0x6];
	[sflag:s24] =	ssyncadd.s32 $0xFFFFF880  }
0x20: {  	[tilespmem:s7], [sflag:$0x2] =	stream.linear.gather [hbm4b:s11+s4], $0x3C00, $0x38;
	[tilespmem:$0x7D80] =	vst v63  }
0x21: {  	_ =	swait.ge [sflag:s24], $0x3C00  }
0x22: {  	[sflag:s24] =	ssyncset.done $0x0  }
0x23: {  	[sflag:s24] =	ssyncadd.s32 $0xFFFFC400  }
0x24: {  	[spmem:s10] =	stream.linear.scatter [tilespmem:s25], [sflag:$0x2], $0x780, $0x38;
	[tilespmem:$0x7D80] =	vst v63  }
0x25: {  	_ =	swait.ge [sflag:s24], $0x780  }
0x26: {  	[sflag:s24] =	ssyncset.done $0x0  }
0x27: {  	[sflag:s24] =	ssyncadd.s32 $0xFFFFF880  }
0x28: {  	s18 =	sadd.s32 $0x0, s15;
	[bflag:$0x0] =	sbarrier.arrive $0xFFFF  }
0x29: {  	[tilespmem:s4], [sflag:$0x2] =	stream.linear.gather [hbm4b:s18+s4], $0x4B0, $0x38;
	[tilespmem:$0x7D80] =	vst v63  }
0x2a: {  	_ =	swait.ge [sflag:s24], $0x4B0  }
0x2b: {  	[sflag:s24] =	ssyncset.done $0x0  }
0x2c: {  	[sflag:s24] =	ssyncadd.s32 $0xFFFFFB50  }
0x2d: {  	[spmem:s3] =	stream.indirect.scatter.add.f32 [tilespmem:s23], [sflag:$0x2], $0x1, s4, s28, $0xb8;
	[tilespmem:$0x7D80] =	vst v63  }
0x2e: {  	_ =	swait.ge [sflag:s24], $0x4B0  }
0x2f: {  	s0 =	simm.s32 $0x96;
	s7 =	simm.s32 $0x12C;
	[sflag:s24] =	ssyncset.done $0x0  }
.LBB2_2:
0x30: {  	s8 =	sadd.s32 s0, s15  }
0x31: {  	[sflag:s24] =	ssyncadd.s32 $0xFFFFFB50;
	s0 =	smov.u32 s7;
	s11 =	sadd.s32 $0x96, s7  }
0x32: {  	[tilespmem:s4], [sflag:$0x2] =	stream.linear.gather [hbm4b:s8+s4], $0x4B0, $0x38;
	[tilespmem:$0x7D80] =	vst v63  }
0x33: {  	p1 =	sne.s32 s7, $0xE10;
	_ =	swait.ge [sflag:s24], $0x4B0  }
.Ltmp0:
0x34: {  	[sflag:s24] =	ssyncset.done $0x0;
	(pc) =	sbr.rel @p1 .LBB2_2-.Ltmp0, $4  }
0x35: {  	[sflag:s24] =	ssyncadd.s32 $0xFFFFFB50  }
0x36: {  	[spmem:s3] =	stream.indirect.scatter.add.f32 [tilespmem:s23], [sflag:$0x2], $0x1, s4, s28, $0xb8;
	[tilespmem:$0x7D80] =	vst v63  }
0x37: {  	_ =	swait.ge [sflag:s24], $0x4B0  }
0x38: {  	s7 =	smov.u32 s11;
	[sflag:s24] =	ssyncset.done $0x0  }
0x39: {  	s0 =	sadd.s32 s0, s15;
	[sflag:s24] =	ssyncadd.s32 $0xFFFFFB50  }
0x3a: {  	[tilespmem:s4], [sflag:$0x2] =	stream.linear.gather [hbm4b:s0+s4], $0x4B0, $0x38;
	[tilespmem:$0x7D80] =	vst v63  }
0x3b: {  	_ =	swait.ge [sflag:s24], $0x4B0  }
0x3c: {  	[sflag:s24] =	ssyncset.done $0x0  }
0x3d: {  	[sflag:s24] =	ssyncadd.s32 $0xFFFFFB50  }
0x3e: {  	[spmem:s3] =	stream.indirect.scatter.add.f32 [tilespmem:s23], [sflag:$0x2], $0x1, s4, s28, $0xb8;
	[tilespmem:$0x7D80] =	vst v63  }
0x3f: {  	_ =	swait.ge [sflag:s24], $0x4B0  }
0x40: {  	[sflag:s24] =	ssyncset.done $0x0  }
0x41: {  	s18 =	stileid.u32;
	[sflag:s24] =	ssyncadd.s32 $0xFFFFFB50  }
0x42: {  	s0 =	sshll.u32 s18, $0x6;
	[bflag:$0x0] =	sbarrier.arrive $0xFFFF  }
0x43: {  	s7 =	sshrl.u32 s10, $0x3;
	s0 =	sor.u32 $0x1C02, s0;
	s8 =	rddreg [dreg:$0x7]  }
0x44: {  	[hbm:s8], [sflag:s0] =	dma.local [spmem:s7], $0xF0  }
0x45: {  	_ =	swait.ge [sflag:s24], $0xF0  }
0x46: {  	s0 =	simm.s32 @!p0 $0x0;
	[sflag:s24] =	ssyncset.done $0x0  }
0x47: {  	s7 =	simm.s32 @!p0 $0x1200;
	s8 =	simm.s32 @!p0 $0x2;
	[sflag:s24] =	ssyncadd.s32 $0xFFFFFF10  }
0x48: {  	[hbm4b:s13+s0] =	stream.linear.scatter @!p0 [tilespmem:s7], [sflag:$0x2], $0x3C00, $0x38;
	[tilespmem:$0x7D80] =	vst v63  }
0x49: {  	_ =	swait.ge @!p0 [sflag:s8], $0x3C00  }
0x4a: {  	[sflag:s8] =	ssyncset.done @!p0 $0x0  }
0x4b: {  	[sflag:s8] =	ssyncadd.s32 @!p0 $0xFFFFC400  }
0x4c: {  	[hbm4b:s14+s0] =	stream.linear.scatter @!p0 [tilespmem:s7], [sflag:$0x2], $0x3C00, $0x38;
	[tilespmem:$0x7D80] =	vst v63  }
0x4d: {  	s0 =	sadd.s32 $0x1, s16  }
0x4e: {  	p1 =	seq.s32 s0, $0x0  }
.Ltmp1:
0x4f: {  	_ = 	snop;
	(pc) =	sbr.rel @p1 .LBB2_4-.Ltmp1, $4  }
0x50: {  	_ = 	snop  }
0x51: {  	_ =	swait.ge @!p0 [sflag:s8], $0x3C00  }
0x52: {  	[sflag:s8] =	ssyncset.done @!p0 $0x0  }
0x53: {  	s11 =	sshrl.u32 s17, $0x3;
	p2 =	por $0x0, $0x0;
	[sflag:s8] =	ssyncadd.s32 @!p0 $0xFFFFC400  }
0x54: {  	s7 =	sadd.s32 s5, s11  }
0x55: {  	[tilespmem:s29], [sflag:$0x2] =	stream.linear.gather [hbm4b:s7+s4], $0x50, $0x38;
	[tilespmem:$0x7D80] =	vst v63  }
0x56: {  	_ =	swait.ge [sflag:s24], $0x50  }
0x57: {  	[sflag:s24] =	ssyncset.done $0x0  }
0x58: {  	[sflag:s24] =	ssyncadd.s32 $0xFFFFFFB0  }
0x59: {  	[tilespmem:s31], [sflag:$0x1] =	stream.indirect.gather [hbm4b:s2+s30], $0x80, s29, s30, $0xb8;
	[tilespmem:$0x7D80] =	vst v63  }
0x5a: {  	_ =	swait.ge [sflag:s1], $0x2800  }
0x5b: {  	s18 =	sshrl.u32 s6, $0x3;
	[sflag:s1] =	ssyncset.done $0x0  }
0x5c: {  	s7 =	sadd.s32 s9, s18;
	[sflag:s1] =	ssyncadd.s32 $0xFFFFD800  }
0x5d: {  	[hbm4b:s7+s4] =	stream.linear.scatter [tilespmem:s31], [sflag:$0x2], $0x2800, $0x38;
	[tilespmem:$0x7D80] =	vst v63  }
0x5e: {  	s7 =	sadd.s32 $0x1, s0  }
0x5f: {  	p4 =	seq.s32 s7, $0x0  }
.Ltmp2:
0x60: {  	_ = 	snop;
	(pc) =	sbr.rel @p4 .LBB2_7-.Ltmp2, $3  }
0x61: {  	_ =	sdelay $0x1  }
0x62: {  	s8 =	sadd.s32 $0xA00, s17;
	p3 =	por $0x1, $0x1;
	_ =	swait.ge [sflag:s24], $0x2800  }
0x63: {  	s11 =	sshrl.u32 s8, $0x3;
	s18 =	sadd.s32 $0x50000, s6;
	[sflag:s24] =	ssyncset.done $0x0  }
.LBB2_6:
0x64: {  	s7 =	sadd.s32 $0x1, s7;
	s11 =	sadd.s32 s5, s11;
	[sflag:s24] =	ssyncadd.s32 $0xFFFFD800  }
0x65: {  	[tilespmem:s29], [sflag:$0x2] =	stream.linear.gather [hbm4b:s11+s4], $0x50, $0x38;
	[tilespmem:$0x7D80] =	vst v63  }
0x66: {  	p4 =	seq.s32 s7, $0x0;
	_ =	swait.ge [sflag:s24], $0x50  }
0x67: {  	[sflag:s24] =	ssyncset.done $0x0  }
0x68: {  	[sflag:s24] =	ssyncadd.s32 $0xFFFFFFB0  }
0x69: {  	[tilespmem:s31], [sflag:$0x1] =	stream.indirect.gather [hbm4b:s2+s30], $0x80, s29, s30, $0xb8;
	[tilespmem:$0x7D80] =	vst v63  }
0x6a: {  	_ =	swait.ge [sflag:s1], $0x2800  }
.Ltmp3:
0x6b: {  	s11 =	sshrl.u32 s18, $0x3;
	[sflag:s1] =	ssyncset.done $0x0;
	(pc) =	sbr.rel @!p4 .LBB2_6-.Ltmp3, $4  }
0x6c: {  	s11 =	sadd.s32 s9, s11;
	[sflag:s1] =	ssyncadd.s32 $0xFFFFD800  }
0x6d: {  	[hbm4b:s11+s4] =	stream.linear.scatter [tilespmem:s31], [sflag:$0x2], $0x2800, $0x38;
	[tilespmem:$0x7D80] =	vst v63  }
0x6e: {  	s8 =	sadd.s32 $0xA00, s8;
	_ =	swait.ge [sflag:s24], $0x2800  }
0x6f: {  	s18 =	sadd.s32 $0x50000, s18;
	s11 =	sshrl.u32 s8, $0x3;
	[sflag:s24] =	ssyncset.done $0x0  }
.LBB2_7:
0x70: {  	s7 =	sadd.s32 s5, s11;
	[sflag:s24] =	ssyncadd.s32 @p3 $0xFFFFD800  }
0x71: {  	[tilespmem:s29], [sflag:$0x2] =	stream.linear.gather [hbm4b:s7+s4], $0x50, $0x38;
	[tilespmem:$0x7D80] =	vst v63  }
0x72: {  	_ =	swait.ge [sflag:s24], $0x50  }
0x73: {  	[sflag:s24] =	ssyncset.done $0x0  }
0x74: {  	[sflag:s24] =	ssyncadd.s32 $0xFFFFFFB0  }
0x75: {  	[tilespmem:s31], [sflag:$0x1] =	stream.indirect.gather [hbm4b:s2+s30], $0x80, s29, s30, $0xb8;
	[tilespmem:$0x7D80] =	vst v63  }
0x76: {  	_ =	swait.ge [sflag:s1], $0x2800  }
0x77: {  	s18 =	sshrl.u32 s18, $0x3;
	[sflag:s1] =	ssyncset.done $0x0  }
.Ltmp4:
0x78: {  	s7 =	sadd.s32 s9, s18;
	[sflag:s1] =	ssyncadd.s32 $0xFFFFD800;
	(pc) =	sbr.rel @p1 .LBB2_8-.Ltmp4, $4  }
0x79: {  	[hbm4b:s7+s4] =	stream.linear.scatter [tilespmem:s31], [sflag:$0x2], $0x2800, $0x38;
	[tilespmem:$0x7D80] =	vst v63  }
0x7a: {  	_ =	swait.ge [sflag:s24], $0x2800  }
0x7b: {  	[sflag:s24] =	ssyncset.done $0x0  }
0x7c: {  	s11 =	sshrl.u32 s19, $0x3;
	[sflag:s24] =	ssyncadd.s32 $0xFFFFD800  }
0x7d: {  	s7 =	sadd.s32 s5, s11  }
0x7e: {  	[tilespmem:s29], [sflag:$0x2] =	stream.linear.gather [hbm4b:s7+s4], $0x50, $0x38;
	[tilespmem:$0x7D80] =	vst v63  }
0x7f: {  	_ =	swait.ge [sflag:s24], $0x50  }
0x80: {  	[sflag:s24] =	ssyncset.done $0x0  }
0x81: {  	[sflag:s24] =	ssyncadd.s32 $0xFFFFFFB0  }
0x82: {  	[tilespmem:s31], [sflag:$0x1] =	stream.indirect.gather [hbm4b:s2+s30], $0x80, s29, s30, $0xb8;
	[tilespmem:$0x7D80] =	vst v63  }
0x83: {  	_ =	swait.ge [sflag:s1], $0x2800  }
0x84: {  	s18 =	sshrl.u32 s20, $0x3;
	[sflag:s1] =	ssyncset.done $0x0  }
0x85: {  	s7 =	sadd.s32 s9, s18;
	[sflag:s1] =	ssyncadd.s32 $0xFFFFD800  }
0x86: {  	[hbm4b:s7+s4] =	stream.linear.scatter [tilespmem:s31], [sflag:$0x2], $0x2800, $0x38;
	[tilespmem:$0x7D80] =	vst v63  }
0x87: {  	s7 =	sadd.s32 $0x1, s0  }
0x88: {  	p3 =	seq.s32 s7, $0x0  }
.Ltmp5:
0x89: {  	_ = 	snop;
	(pc) =	sbr.rel @p3 .LBB2_11-.Ltmp5, $3  }
0x8a: {  	_ =	sdelay $0x1  }
0x8b: {  	s8 =	sadd.s32 $0xA00, s19;
	p2 =	por $0x1, $0x1;
	_ =	swait.ge [sflag:s24], $0x2800  }
0x8c: {  	s11 =	sshrl.u32 s8, $0x3;
	s18 =	sadd.s32 $0x50000, s20;
	[sflag:s24] =	ssyncset.done $0x0  }
.LBB2_10:
0x8d: {  	s7 =	sadd.s32 $0x1, s7;
	s11 =	sadd.s32 s5, s11;
	[sflag:s24] =	ssyncadd.s32 $0xFFFFD800  }
0x8e: {  	[tilespmem:s29], [sflag:$0x2] =	stream.linear.gather [hbm4b:s11+s4], $0x50, $0x38;
	[tilespmem:$0x7D80] =	vst v63  }
0x8f: {  	p3 =	seq.s32 s7, $0x0;
	_ =	swait.ge [sflag:s24], $0x50  }
0x90: {  	[sflag:s24] =	ssyncset.done $0x0  }
0x91: {  	[sflag:s24] =	ssyncadd.s32 $0xFFFFFFB0  }
0x92: {  	[tilespmem:s31], [sflag:$0x1] =	stream.indirect.gather [hbm4b:s2+s30], $0x80, s29, s30, $0xb8;
	[tilespmem:$0x7D80] =	vst v63  }
0x93: {  	_ =	swait.ge [sflag:s1], $0x2800  }
.Ltmp6:
0x94: {  	s11 =	sshrl.u32 s18, $0x3;
	[sflag:s1] =	ssyncset.done $0x0;
	(pc) =	sbr.rel @!p3 .LBB2_10-.Ltmp6, $4  }
0x95: {  	s11 =	sadd.s32 s9, s11;
	[sflag:s1] =	ssyncadd.s32 $0xFFFFD800  }
0x96: {  	[hbm4b:s11+s4] =	stream.linear.scatter [tilespmem:s31], [sflag:$0x2], $0x2800, $0x38;
	[tilespmem:$0x7D80] =	vst v63  }
0x97: {  	s8 =	sadd.s32 $0xA00, s8;
	_ =	swait.ge [sflag:s24], $0x2800  }
0x98: {  	s18 =	sadd.s32 $0x50000, s18;
	s11 =	sshrl.u32 s8, $0x3;
	[sflag:s24] =	ssyncset.done $0x0  }
.LBB2_11:
0x99: {  	s7 =	sadd.s32 s5, s11;
	[sflag:s24] =	ssyncadd.s32 @p2 $0xFFFFD800  }
0x9a: {  	[tilespmem:s29], [sflag:$0x2] =	stream.linear.gather [hbm4b:s7+s4], $0x50, $0x38;
	[tilespmem:$0x7D80] =	vst v63  }
0x9b: {  	_ =	swait.ge [sflag:s24], $0x50  }
0x9c: {  	[sflag:s24] =	ssyncset.done $0x0  }
0x9d: {  	[sflag:s24] =	ssyncadd.s32 $0xFFFFFFB0  }
0x9e: {  	[tilespmem:s31], [sflag:$0x1] =	stream.indirect.gather [hbm4b:s2+s30], $0x80, s29, s30, $0xb8;
	[tilespmem:$0x7D80] =	vst v63  }
0x9f: {  	_ =	swait.ge [sflag:s1], $0x2800  }
0xa0: {  	s18 =	sshrl.u32 s18, $0x3;
	[sflag:s1] =	ssyncset.done $0x0  }
.Ltmp7:
0xa1: {  	s7 =	sadd.s32 s9, s18;
	[sflag:s1] =	ssyncadd.s32 $0xFFFFD800;
	(pc) =	sbr.rel @p1 .LBB2_12-.Ltmp7, $4  }
0xa2: {  	[hbm4b:s7+s4] =	stream.linear.scatter [tilespmem:s31], [sflag:$0x2], $0x2800, $0x38;
	[tilespmem:$0x7D80] =	vst v63  }
0xa3: {  	_ =	swait.ge [sflag:s24], $0x2800  }
0xa4: {  	[sflag:s24] =	ssyncset.done $0x0  }
0xa5: {  	s11 =	sshrl.u32 s21, $0x3;
	p2 =	por $0x0, $0x0;
	[sflag:s24] =	ssyncadd.s32 $0xFFFFD800  }
0xa6: {  	s7 =	sadd.s32 s5, s11  }
0xa7: {  	[tilespmem:s29], [sflag:$0x2] =	stream.linear.gather [hbm4b:s7+s4], $0x50, $0x38;
	[tilespmem:$0x7D80] =	vst v63  }
0xa8: {  	_ =	swait.ge [sflag:s24], $0x50  }
0xa9: {  	[sflag:s24] =	ssyncset.done $0x0  }
0xaa: {  	[sflag:s24] =	ssyncadd.s32 $0xFFFFFFB0  }
0xab: {  	[tilespmem:s31], [sflag:$0x1] =	stream.indirect.gather [hbm4b:s2+s30], $0x80, s29, s30, $0xb8;
	[tilespmem:$0x7D80] =	vst v63  }
0xac: {  	_ =	swait.ge [sflag:s1], $0x2800  }
0xad: {  	s18 =	sshrl.u32 s22, $0x3;
	[sflag:s1] =	ssyncset.done $0x0  }
0xae: {  	s7 =	sadd.s32 s9, s18;
	[sflag:s1] =	ssyncadd.s32 $0xFFFFD800  }
0xaf: {  	[hbm4b:s7+s4] =	stream.linear.scatter [tilespmem:s31], [sflag:$0x2], $0x2800, $0x38;
	[tilespmem:$0x7D80] =	vst v63  }
0xb0: {  	s7 =	sadd.s32 $0x1, s0  }
0xb1: {  	p1 =	seq.s32 s7, $0x0  }
.Ltmp8:
0xb2: {  	_ = 	snop;
	(pc) =	sbr.rel @p1 .LBB2_15-.Ltmp8, $3  }
0xb3: {  	_ =	sdelay $0x1  }
0xb4: {  	s8 =	sadd.s32 $0xA00, s21;
	p2 =	por $0x1, $0x1;
	_ =	swait.ge [sflag:s24], $0x2800  }
0xb5: {  	s11 =	sshrl.u32 s8, $0x3;
	s0 =	sadd.s32 $0x50000, s22;
	[sflag:s24] =	ssyncset.done $0x0  }
.LBB2_14:
0xb6: {  	s7 =	sadd.s32 $0x1, s7;
	s11 =	sadd.s32 s5, s11;
	[sflag:s24] =	ssyncadd.s32 $0xFFFFD800  }
0xb7: {  	[tilespmem:s29], [sflag:$0x2] =	stream.linear.gather [hbm4b:s11+s4], $0x50, $0x38;
	[tilespmem:$0x7D80] =	vst v63  }
0xb8: {  	p1 =	seq.s32 s7, $0x0;
	_ =	swait.ge [sflag:s24], $0x50  }
0xb9: {  	[sflag:s24] =	ssyncset.done $0x0  }
0xba: {  	[sflag:s24] =	ssyncadd.s32 $0xFFFFFFB0  }
0xbb: {  	[tilespmem:s31], [sflag:$0x1] =	stream.indirect.gather [hbm4b:s2+s30], $0x80, s29, s30, $0xb8;
	[tilespmem:$0x7D80] =	vst v63  }
0xbc: {  	_ =	swait.ge [sflag:s1], $0x2800  }
.Ltmp9:
0xbd: {  	s11 =	sshrl.u32 s0, $0x3;
	[sflag:s1] =	ssyncset.done $0x0;
	(pc) =	sbr.rel @!p1 .LBB2_14-.Ltmp9, $4  }
0xbe: {  	s11 =	sadd.s32 s9, s11;
	[sflag:s1] =	ssyncadd.s32 $0xFFFFD800  }
0xbf: {  	[hbm4b:s11+s4] =	stream.linear.scatter [tilespmem:s31], [sflag:$0x2], $0x2800, $0x38;
	[tilespmem:$0x7D80] =	vst v63  }
0xc0: {  	s8 =	sadd.s32 $0xA00, s8;
	_ =	swait.ge [sflag:s24], $0x2800  }
0xc1: {  	s0 =	sadd.s32 $0x50000, s0;
	s11 =	sshrl.u32 s8, $0x3;
	[sflag:s24] =	ssyncset.done $0x0  }
.LBB2_15:
0xc2: {  	s7 =	sadd.s32 s5, s11;
	[sflag:s24] =	ssyncadd.s32 @p2 $0xFFFFD800  }
0xc3: {  	[tilespmem:s29], [sflag:$0x2] =	stream.linear.gather [hbm4b:s7+s4], $0x50, $0x38;
	[tilespmem:$0x7D80] =	vst v63  }
0xc4: {  	_ =	swait.ge [sflag:s24], $0x50  }
0xc5: {  	[sflag:s24] =	ssyncset.done $0x0  }
0xc6: {  	[sflag:s24] =	ssyncadd.s32 $0xFFFFFFB0  }
0xc7: {  	[tilespmem:s31], [sflag:$0x1] =	stream.indirect.gather [hbm4b:s2+s30], $0x80, s29, s30, $0xb8;
	[tilespmem:$0x7D80] =	vst v63  }
0xc8: {  	_ =	swait.ge [sflag:s1], $0x2800  }
0xc9: {  	s0 =	sshrl.u32 s0, $0x3;
	s26 =	sadd.s32 $0x1, s26;
	[sflag:s1] =	ssyncset.done $0x0  }
0xca: {  	s0 =	sadd.s32 s9, s0;
	p1 =	sne.s32 s26, s12;
	[sflag:s1] =	ssyncadd.s32 $0xFFFFD800  }
0xcb: {  	[hbm4b:s0+s4] =	stream.linear.scatter [tilespmem:s31], [sflag:$0x2], $0x2800, $0x38;
	[tilespmem:$0x7D80] =	vst v63  }
.Ltmp10:
0xcc: {  	_ = 	snop;
	(pc) =	sbr.rel @p1 .LBB2_1-.Ltmp10, $4  }
.Ltmp11:
0xcd: {  	_ = 	snop;
	(pc) =	sbr.rel @!p1 .LBB2_16-.Ltmp11, $4  }
0xce: {  	_ =	swait.ge [sflag:s24], $0x2800  }
0xcf: {  	[sflag:s24] =	ssyncset.done $0x0  }
0xd0: {  	[sflag:s24] =	ssyncadd.s32 $0xFFFFD800  }
0xd1: {  	_ = 	snop  }
.LBB2_4:
.Ltmp12:
0xd2: {  	(pc) =	sbr.rel .LBB2_7-.Ltmp12, $2  }
0xd3: {  	_ =	sdelay $0x2  }
0xd4: {  	s18 =	smov.u32 s6;
	p3 =	por $0x0, $0x0  }
.LBB2_8:
.Ltmp13:
0xd5: {  	(pc) =	sbr.rel .LBB2_11-.Ltmp13, $2  }
0xd6: {  	_ =	sdelay $0x2  }
0xd7: {  	s18 =	smov.u32 s20  }
.LBB2_12:
.Ltmp14:
0xd8: {  	(pc) =	sbr.rel .LBB2_15-.Ltmp14, $2  }
0xd9: {  	_ =	sdelay $0x2  }
0xda: {  	s0 =	smov.u32 s22  }
.LBB2_16:
0xdb: {  	_ =	sfence.sel $0x180000  }
0xdc: {  	[bflag:$0x0] =	sbarrier.arrive $0xFFFF  }
0xdd: {  	_ =	strace $0x90000047  }
0xde: {  	s0 =	stileid.u32;
	[bflag:$0x2] =	sbarrier.arrive $0xFFFF  }
0xdf: {  	p0 =	sne.s32 s0, $0x0;
	s0 =	rddreg [dreg:$0x3]  }
0xe0: {  	s0 =	sadd.s32 @!p0 $0x100000, s0  }
0xe1: {  	[sflag:s0] =	ssyncadd.tile.s32 @!p0 $0x1;
	_ =	shalt  }
.Lfunc_end2:
_tile_overlayer_lowered:
.L_overlay_start_2:
0xe2: {  	(tag) =	ssettag $0x2  }
0xe3: {  	s0 =	rddreg [dreg:$0x0];
	s2 =	stileid.u32  }
0xe4: {  	s1 =	rddreg [dreg:$0x1];
	p0 =	sne.s32 s2, $0x0  }
0xe5: {  	s3 =	rddreg [dreg:$0x2];
	[bflag:$0x3] =	sbarrier.arrive $0xFFFF;
	s2 =	simm.s32 @!p0 $0x1C02  }
0xe6: {  	[timem:s3], [sflag:s2] =	dma.local @!p0 [hbm:s0], s1  }
0xe7: {  	s0 =	simm.s32 @!p0 $0x2  }
0xe8: {  	_ =	swait.ge @!p0 [sflag:s0], s1  }
0xe9: {  	s1 =	ssub.s32 @!p0 $0x0, s1;
	[sflag:s0] =	ssyncset.done @!p0 $0x0  }
0xea: {  	[sflag:s0] =	ssyncadd.s32 @!p0 s1  }
0xeb: {  	[bflag:$0x3] =	sbarrier.arrive $0xFFFF  }
0xec: {  	_ =	shalt  }

// kernel: kernel.9.cloned.1.call-start
scs
__scs_entry_jumppad:
0x0: {  	(pc) =	sbr.rel $0x88, $3  }
0x1: {  	(tag) =	ssettag $0x0;
	lr =	simm.s32 $0x1  }
0x2: {  	[smem:$0x3F9C] =	sst lr;
	_ =	strace $0xD0000000  }
0x3: {  	_ = 	snop  }
0x4: {  	_ = 	snop  }
0x5: {  	_ = 	snop  }
0x6: {  	_ = 	snop  }
0x7: {  	_ = 	snop  }
__scs_overlays_trampoline_lowered:
0x8: {  	[smem:$0x3FAB] =	sst s0  }
0x9: {  	[smem:$0x3FAC] =	sst s1  }
0xa: {  	[smem:$0x3FAD] =	sst s2  }
0xb: {  	[smem:$0x3FAE] =	sst s3  }
0xc: {  	[smem:$0x3FAF] =	sst s4  }
0xd: {  	[smem:$0x3FB0] =	sst s5  }
0xe: {  	[smem:$0x3FB1] =	sst s6  }
0xf: {  	[smem:$0x3FB2] =	sst s7  }
0x10: {  	[smem:$0x3FB3] =	sst s8  }
0x11: {  	[smem:$0x3FB4] =	sst s9;
	s0 =	simm.s32 @!p0 $0x0  }
0x12: {  	s1 =	sld [smem:$0x3F9A];
	s0 =	simm.s32 @p0 $0x1  }
0x13: {  	[smem:$0x3FB5] =	sst s0;
	s0 =	simm.s32 @!p1 $0x0  }
0x14: {  	s2 =	sld [smem:$0x3F99];
	s0 =	simm.s32 @p1 $0x1  }
0x15: {  	[smem:$0x3FB6] =	sst s0;
	s0 =	simm.s32 @!p2 $0x0  }
0x16: {  	s3 =	sld [smem:$0x3FDB];
	s0 =	simm.s32 @p2 $0x1  }
0x17: {  	s4 =	simm.s32 $0x1BF5;
	[smem:$0x3FB8] =	sst s0  }
0x18: {  	s0 =	sld [smem:$0x3F9B];
	_ =	swait.ge [sflag:s4], $0x0  }
0x19: {  	s7 =	sld [smem:$0x3F9C]  }
0x1a: {  	s8 =	sadd.s32 $0xFFFFE003, lr  }
0x1b: {  	s9 =	sadd.s32 $0xFFFFFEF7, lr;
	s5 =	simm.s32 $0xFFFFFFFF;
	p2 =	slt.u32 s8, $0xFFFFF086  }
0x1c: {  	p1 =	slt.u32 s9, $0xF7A;
	s5 =	simm.s32 @!p2 $0x0  }
0x1d: {  	s5 =	simm.s32 @p1 $0x1;
	p0 =	seq.s32 s7, s2  }
0x1e: {  	s7 =	smul.u32 @!p0 $0xF7A, s2;
	p2 =	seq.s32 @!p0 s5, $0x0  }
0x1f: {  	s9 =	smul.u32 $0xF7A, s1;
	s8 =	simm.s32 @!p0 $0x1BF5;
	p2 =	por !p2, p0  }
0x20: {  	[sflag:s8] =	ssyncset.s32 @!p0 $0xFFFFF086;
	s6 =	sadd.s32 @!p0 s3, s7;
	s7 =	simm.s32 @!p0 $0x108  }
0x21: {  	s3 =	sadd.s32 s3, s9;
	s6 =	sadd.s32 @!p0 $0x88, s6;
	s7 =	simm.s32 @p2 $0x1082  }
0x22: {  	[simem:s7], [sflag:s8] =	dma.local @!p0 [hbm:s6], $0xF7A  }
0x23: {  	s9 =	sor.u32 $0xD0000000, s2;
	s6 =	simm.s32 $0x108;
	_ =	swait.ge @!p0 [sflag:s8], $0x0  }
0x24: {  	s3 =	sadd.s32 $0x88, s3;
	s6 =	simm.s32 @!p1 $0x1082;
	[sflag:s4] =	ssyncset.s32 $0xFFFFF086  }
0x25: {  	[simem:s6], [sflag:s4] =	dma.local [hbm:s3], $0xF7A  }
0x26: {  	[smem:$0x3F9C] =	sst s1;
	(tag) =	ssettag s2;
	_ =	strace s9  }
0x27: {  	s1 =	sld [smem:$0x3FAC]  }
0x28: {  	s2 =	sld [smem:$0x3FAD]  }
0x29: {  	s4 =	sld [smem:$0x3FAF]  }
0x2a: {  	p0 =	seq.s32 s5, $0x0;
	s5 =	sld [smem:$0x3FB0]  }
0x2b: {  	s6 =	sld [smem:$0x3FB1]  }
0x2c: {  	s7 =	sld [smem:$0x3FB2]  }
0x2d: {  	s3 =	simm.s32 $0x108;
	s8 =	sld [smem:$0x3FB3]  }
0x2e: {  	s3 =	simm.s32 @!p0 $0x1082;
	s9 =	sld [smem:$0x3FB4]  }
0x2f: {  	lr =	sadd.s32 s0, s3;
	s0 =	sld [smem:$0x3FAB]  }
0x30: {  	s3 =	sld [smem:$0x3FAE]  }
0x31: {  	[smem:$0x3FB7] =	sst s10  }
0x32: {  	s10 =	sld [smem:$0x3FB5];
	_ =	sdelay $0x3  }
0x33: {  	p0 =	seq.s32 s10, $0x1;
	s10 =	sld [smem:$0x3FB7];
	_ =	sdelay $0x3  }
0x34: {  	[smem:$0x3FB7] =	sst s10  }
0x35: {  	s10 =	sld [smem:$0x3FB6];
	_ =	sdelay $0x3  }
0x36: {  	p1 =	seq.s32 s10, $0x1;
	s10 =	sld [smem:$0x3FB7];
	_ =	sdelay $0x3  }
0x37: {  	[smem:$0x3FB7] =	sst s10  }
0x38: {  	s10 =	sld [smem:$0x3FB8]  }
0x39: {  	_ = 	snop;
	(pc) =	sbr.ind lr, $3  }
0x3a: {  	_ = 	snop  }
0x3b: {  	_ = 	snop  }
0x3c: {  	p2 =	seq.s32 s10, $0x1;
	s10 =	sld [smem:$0x3FB7]  }
0x3d: {  	_ =	shalt  }
0x3e: {  	_ =	shalt  }
0x3f: {  	_ =	shalt  }
0x40: {  	_ =	shalt  }
0x41: {  	_ =	shalt  }
0x42: {  	_ =	shalt  }
0x43: {  	_ =	shalt  }
0x44: {  	_ =	shalt  }
0x45: {  	_ =	shalt  }
0x46: {  	_ =	shalt  }
0x47: {  	_ =	shalt  }
0x48: {  	_ =	shalt  }
0x49: {  	_ =	shalt  }
0x4a: {  	_ =	shalt  }
0x4b: {  	_ =	shalt  }
0x4c: {  	_ =	shalt  }
0x4d: {  	_ =	shalt  }
0x4e: {  	_ =	shalt  }
0x4f: {  	_ =	shalt  }
0x50: {  	_ =	shalt  }
0x51: {  	_ =	shalt  }
0x52: {  	_ =	shalt  }
0x53: {  	_ =	shalt  }
0x54: {  	_ =	shalt  }
0x55: {  	_ =	shalt  }
0x56: {  	_ =	shalt  }
0x57: {  	_ =	shalt  }
0x58: {  	_ =	shalt  }
0x59: {  	_ =	shalt  }
0x5a: {  	_ =	shalt  }
0x5b: {  	_ =	shalt  }
0x5c: {  	_ =	shalt  }
0x5d: {  	_ =	shalt  }
0x5e: {  	_ =	shalt  }
0x5f: {  	_ =	shalt  }
0x60: {  	_ =	shalt  }
0x61: {  	_ =	shalt  }
0x62: {  	_ =	shalt  }
0x63: {  	_ =	shalt  }
0x64: {  	_ =	shalt  }
0x65: {  	_ =	shalt  }
0x66: {  	_ =	shalt  }
0x67: {  	_ =	shalt  }
0x68: {  	_ =	shalt  }
0x69: {  	_ =	shalt  }
0x6a: {  	_ =	shalt  }
0x6b: {  	_ =	shalt  }
0x6c: {  	_ =	shalt  }
0x6d: {  	_ =	shalt  }
0x6e: {  	_ =	shalt  }
0x6f: {  	_ =	shalt  }
0x70: {  	_ =	shalt  }
0x71: {  	_ =	shalt  }
0x72: {  	_ =	shalt  }
0x73: {  	_ =	shalt  }
0x74: {  	_ =	shalt  }
0x75: {  	_ =	shalt  }
0x76: {  	_ =	shalt  }
0x77: {  	_ =	shalt  }
0x78: {  	_ =	shalt  }
0x79: {  	_ =	shalt  }
0x7a: {  	_ =	shalt  }
0x7b: {  	_ =	shalt  }
0x7c: {  	_ =	shalt  }
0x7d: {  	_ =	shalt  }
0x7e: {  	_ =	shalt  }
0x7f: {  	_ =	shalt  }
0x80: {  	_ =	shalt  }
0x81: {  	_ =	shalt  }
0x82: {  	_ =	shalt  }
0x83: {  	_ =	shalt  }
0x84: {  	_ =	shalt  }
0x85: {  	_ =	shalt  }
0x86: {  	_ =	shalt  }
0x87: {  	_ =	shalt  }
.Lfunc_end0:
.L_simem_size_0:
called_computation.1_lowered:
.L_overlay_start_0:
0x88: {  	s2 =	sld [smem:$0x3FD9]  }
0x89: {  	s3 =	sld [smem:$0x3FFE];
	_ =	sdelay $0x1  }
0x8a: {  	s1 =	srdreg.scid  }
0x8b: {  	s0 =	sand.u32 $0x1, s1  }
0x8c: {  	s14 =	sshll.u32 s0, $0xA;
	s2 =	sadd.s32 s3, s2  }
0x8d: {  	s2 =	sadd.s32 s2, s14  }
0x8e: {  	[smem:$0x3FC3] =	sst s2  }
0x8f: {  	_ = 	snop  }
0x90: {  	s2 =	sld [smem:$0x3FD0];
	_ =	sdelay $0x2  }
0x91: {  	s15 =	simm.s32 $0xA;
	s4 =	simm.s32 $0x10  }
0x92: {  	[smem:s4], [sflag:s15] =	dma.local [hbm:s2], $0x1  }
0x93: {  	_ =	swait.eq [sflag:s15], $0x1  }
0x94: {  	[sflag:s15] =	ssyncset.done $0x0  }
0x95: {  	s16 =	sld [smem:$0x10];
	[sflag:s15] =	ssyncadd.s32 $0xFFFFFFFF  }
0x96: {  	s17 =	sld [smem:$0x11];
	(tm) =	ssettm $0x1  }
0x97: {  	s18 =	sld [smem:$0x3FFB];
	_ =	sdelay $0x3  }
0x98: {  	_ =	strace s18  }
0x99: {  	s4 =	sld [smem:$0x3FFC];
	_ =	sdelay $0x3  }
0x9a: {  	_ =	strace s4  }
0x9b: {  	s4 =	sld [smem:$0x3FFD];
	_ =	sdelay $0x3  }
0x9c: {  	_ =	strace s4  }
0x9d: {  	_ =	strace $0x8FFFFFFF  }
0x9e: {  	s19 =	sld [smem:$0x3FDB];
	_ =	sdelay $0x1  }
0x9f: {  	s5 =	simm.s32 $_scs_section_size  }
0xa0: {  	s6 =	simm.s32 $_size__tile_overlayer_lowered;
	s7 =	simm.s32 $_tile_overlayer_lowered  }
0xa1: {  	s22 =	simm.s32 $0x1BFF;
	s21 =	sshll.u32 s7, $0x1;
	s4 =	sadd.s32 s5, s19  }
0xa2: {  	s8 =	simm.s32 $0x0;
	s20 =	sshll.u32 s6, $0x1;
	s6 =	sadd.s32 s21, s4  }
0xa3: {  	[timem:s8], [sflag:s22] =	dma.local [hbm:s6], s20  }
0xa4: {  	_ =	swait.ge [sflag:s22], s20  }
0xa5: {  	s5 =	ssub.s32 $0x0, s20;
	[sflag:s22] =	ssyncset.done $0x0  }
0xa6: {  	[sflag:s22] =	ssyncadd.s32 s5;
	_ =	sdelay $0x1  }
0xa7: {  	s23 =	simm.s32 $0x1B8B  }
0xa8: {  	_ =	swait.ge [sflag:s23], $0x1  }
0xa9: {  	[sflag:s23] =	ssyncset.done $0x0  }
0xaa: {  	s25 =	simm.s32 $0x1B8E;
	s24 =	sld [smem:$0x3FFE];
	[sflag:s23] =	ssyncadd.s32 $0xFFFFFFFF  }
0xab: {  	s26 =	simm.s32 $execute0_lowered;
	[smem:$0x3FD2] =	sst s25  }
0xac: {  	s6 =	sshll.u32 s26, $0x1;
	_ =	strace $0x80000049;
	[dreg:$0x1] =	wrdreg $0xFFFFFFFF  }
0xad: {  	s28 =	simm.s32 $_size_execute0_lowered;
	s4 =	sadd.s32 s4, s6;
	[dreg:$0x0] =	wrdreg $0x0  }
0xae: {  	s6 =	sshll.u32 s28, $0x1;
	[dreg:$0x2] =	wrdreg s4  }
0xaf: {  	[dreg:$0x3] =	wrdreg s6  }
0xb0: {  	[dreg:$0x4] =	wrdreg $0xC0  }
0xb1: {  	_ =	task [dreg:s8], $0x5FFFF  }
0xb2: {  	[dreg:$0x1] =	wrdreg $0xFFFFFFFF  }
0xb3: {  	[dreg:$0x0] =	wrdreg $0x60  }
0xb4: {  	[dreg:$0x2] =	wrdreg s24  }
0xb5: {  	[dreg:$0x3] =	wrdreg s17  }
0xb6: {  	[dreg:$0x4] =	wrdreg s16  }
0xb7: {  	[dreg:$0x5] =	wrdreg $0x82000  }
0xb8: {  	[dreg:$0x6] =	wrdreg $0x9  }
0xb9: {  	_ =	task.clear_ibuf [dreg:s8], $0x7FFFF;
	_ =	strace $0x90000049  }
0xba: {  	s29 =	simm.s32 $0x9;
	_ =	strace $0x8000004B  }
0xbb: {  	_ =	swait.ge [sflag:s29], $0x1  }
0xbc: {  	[sflag:s29] =	ssyncadd.s32 $0xFFFFFFFF  }
0xbd: {  	_ =	strace $0x9000004B  }
0xbe: {  	_ =	sfence  }
0xbf: {  	s30 =	sld [smem:$0x0];
	_ =	sdelay $0x2  }
0xc0: {  	s31 =	sshll.u32 s1, $0xD;
	s1 =	sshrl.u32 s1, $0x2  }
0xc1: {  	s3 =	sand.u32 $0x4000, s31;
	s1 =	sadd.s32 s1, s30  }
0xc2: {  	s0 =	sor.u32 s3, s0;
	s1 =	sshll.u32 s1, $0x11  }
0xc3: {  	s0 =	sor.u32 s1, s0  }
0xc4: {  	s0 =	sadd.s32 $0x8F2B, s0  }
0xc5: {  	[sflag:s0] =	ssyncadd.remote.s32 $0x1  }
0xc6: {  	_ =	sfence.sel $0xFFFF  }
0xc7: {  	[dreg:$0x0] =	wrdreg $0xFFFFFFFF;
	(pc) =	sbr.abs _section_cstart, $3  }
0xc8: {  	[dreg:$0x1] =	wrdreg $0xFFFFFFFF  }
0xc9: {  	_ =	task.clear_ibuf [dreg:s8], $0x2FFFF;
	_ =	strace $0x9FFFFFFF  }
0xca: {  	(tm) =	ssettm $0x7FFFFFFF  }
0xcb: {  	_ =	shalt  }
tec
execute0_lowered:
.L_overlay_start_1:
0x0: {  	(tag) =	ssettag $0x1  }
0x1: {  	s17 =	stileid.u32  }
0x2: {  	s0 =	srdreg.scid;
	s3 =	smul.u32 $0x280, s17  }
0x3: {  	s1 =	sand.u32 $0x1, s0;
	s10 =	smul.u32 $0x5000, s17  }
0x4: {  	s2 =	rddreg [dreg:$0x0];
	s9 =	smul.u32 $0xF0000, s1  }
0x5: {  	s31 =	rddreg [dreg:$0x3];
	s12 =	smul.u32 $0x7800, s1  }
0x6: {  	s11 =	sadd.s32 $0xF3E00, s2;
	s0 =	ssub.s32 $0x2, s1;
	s1 =	smul.u32 $0x3, s1  }
0x7: {  	s4 =	sshrl.u32 s0, $0x1;
	s5 =	sadd.s32 $0x100, s3;
	s6 =	sadd.s32 $0x180, s3  }
0x8: {  	s7 =	sadd.s32 $0x200, s3;
	s8 =	ssub.s32 s0, s4;
	s4 =	sadd.s32 $0x80, s3  }
0x9: {  	s0 =	sadd.s32 s10, s9;
	s21 =	sadd.s32 s3, s12;
	s23 =	sadd.s32 s12, s5  }
0xa: {  	s1 =	sadd.s32 $0x1, s1;
	s25 =	sadd.s32 s12, s6;
	s14 =	sadd.s32 s12, s7  }
0xb: {  	s9 =	sshll.u32 s21, $0x4;
	s13 =	sadd.s32 s12, s4;
	s26 =	smul.u32 $0x2800, s1  }
0xc: {  	s24 =	sshll.u32 s23, $0x4;
	s1 =	smul.u32 $0x50000, s1;
	s16 =	sshll.u32 s14, $0x4  }
0xd: {  	s12 =	sadd.s32 $0x5000, s12;
	s9 =	sadd.s32 s11, s9;
	s22 =	sshll.u32 s13, $0x4  }
0xe: {  	[dreg:$0x5] =	wrdreg s9;
	s9 =	sadd.s32 s11, s22;
	s18 =	sadd.s32 s3, s26  }
0xf: {  	s1 =	sadd.s32 s10, s1;
	s20 =	sadd.s32 s4, s26;
	s21 =	sadd.s32 s5, s26  }
0x10: {  	s15 =	sadd.s32 s6, s26;
	s3 =	sadd.s32 s3, s12;
	[dreg:$0x6] =	wrdreg s9  }
0x11: {  	s9 =	sadd.s32 s11, s24;
	s19 =	sshll.u32 s18, $0x4;
	s14 =	sshll.u32 s21, $0x4  }
0x12: {  	s23 =	sshll.u32 s15, $0x4;
	s24 =	sadd.s32 s7, s26;
	s3 =	sshll.u32 s3, $0x4  }
0x13: {  	s15 =	sadd.s32 s6, s12;
	s21 =	sshrl.u32 s10, $0x3;
	s1 =	sshrl.u32 s1, $0x3  }
0x14: {  	s10 =	sadd.s32 $0xA0100, s0;
	s6 =	sshll.u32 s6, $0x7;
	[dreg:$0x7] =	wrdreg s9  }
0x15: {  	s9 =	sshll.u32 s25, $0x4;
	s22 =	sadd.s32 s11, s14;
	s25 =	sadd.s32 s4, s12  }
0x16: {  	s3 =	sadd.s32 s11, s3;
	s14 =	sadd.s32 s5, s12;
	s12 =	sadd.s32 s7, s12  }
0x17: {  	s4 =	sshll.u32 s4, $0x7;
	s5 =	sshll.u32 s5, $0x7;
	[dreg:$0xc] =	wrdreg s22  }
0x18: {  	s6 =	sadd.s32 s6, s31;
	s7 =	sshll.u32 s7, $0x7;
	[dreg:$0xf] =	wrdreg s3  }
0x19: {  	s9 =	sadd.s32 s11, s9;
	s26 =	sshll.u32 s25, $0x4;
	s22 =	rddreg [dreg:$0x2]  }
0x1a: {  	s3 =	sshll.u32 s14, $0x4;
	[dreg:$0x8] =	wrdreg s9;
	s9 =	sadd.s32 s11, s16  }
0x1b: {  	s18 =	sshll.u32 s12, $0x4;
	s13 =	sadd.s32 s11, s26;
	[dreg:$0x9] =	wrdreg s9  }
0x1c: {  	s5 =	sadd.s32 s5, s31;
	s3 =	sadd.s32 s11, s3;
	[dreg:$0x10] =	wrdreg s13  }
0x1d: {  	s16 =	sshll.u32 s15, $0x4;
	s9 =	sadd.s32 s11, s19;
	[dreg:$0x11] =	wrdreg s3  }
0x1e: {  	s7 =	sadd.s32 s7, s31;
	s3 =	sadd.s32 s11, s16;
	[dreg:$0xa] =	wrdreg s9  }
0x1f: {  	s12 =	sadd.s32 s22, s21;
	s19 =	sadd.s32 s11, s18;
	[dreg:$0x12] =	wrdreg s3  }
0x20: {  	s26 =	sadd.s32 $0xA0000, s0;
	s16 =	simm.s32 $0x0;
	[dreg:$0x13] =	wrdreg s19  }
0x21: {  	s13 =	sshrl.u32 s26, $0x3;
	s9 =	sshll.u32 s20, $0x4;
	[smem:$0x7FF] =	sst s16  }
0x22: {  	s20 =	smul.u32 $0xA00, s17;
	s3 =	rddreg [dreg:$0x1];
	s19 =	sor.u32 $0x100, s0  }
0x23: {  	s9 =	sadd.s32 s11, s9;
	s25 =	sadd.s32 $0x10, s3;
	s14 =	sadd.s32 s3, s1  }
0x24: {  	[dreg:$0xb] =	wrdreg s9;
	s9 =	sadd.s32 s11, s23;
	s18 =	sadd.s32 s20, s22  }
0x25: {  	s23 =	sshrl.u32 s0, $0x3;
	[dreg:$0x17] =	wrdreg s14;
	s1 =	sadd.s32 s1, s25  }
0x26: {  	s15 =	sadd.s32 s13, s25;
	s20 =	sor.u32 $0x180, s0;
	[dreg:$0xd] =	wrdreg s9  }
0x27: {  	s22 =	sadd.s32 $0x50100, s0;
	s9 =	sshll.u32 s24, $0x4;
	[dreg:$0x18] =	wrdreg s1  }
0x28: {  	s24 =	sadd.s32 s3, s23;
	[dreg:$0x19] =	wrdreg s15;
	s1 =	sshrl.u32 s19, $0x3  }
0x29: {  	s21 =	sshrl.u32 s20, $0x3;
	s19 =	smax.u32 s8, $0x1;
	s20 =	sadd.s32 $0x10, s12  }
0x2a: {  	s9 =	sadd.s32 s11, s9;
	[dreg:$0x15] =	wrdreg s24;
	s26 =	sadd.s32 s21, s3  }
0x2b: {  	[dreg:$0xe] =	wrdreg s9;
	s9 =	sadd.s32 s23, s25;
	s25 =	sadd.s32 s1, s3  }
0x2c: {  	s1 =	sadd.s32 $0x3600, s2;
	[dreg:$0x16] =	wrdreg s9;
	s9 =	sadd.s32 s3, s13  }
0x2d: {  	s2 =	sadd.s32 $0xF3600, s2;
	s13 =	smul.u32 $0x50000, s17;
	[dreg:$0x1a] =	wrdreg s9  }
0x2e: {  	s17 =	sadd.s32 s4, s31;
	_ =	strace $0x8000004A;
	[dreg:$0x1b] =	wrdreg s2  }
0x2f: {  	s24 =	sadd.s32 $0x50180, s0;
	s11 =	sshrl.u32 s10, $0x3;
	[dreg:$0x1d] =	wrdreg s17  }
0x30: {  	s0 =	sadd.s32 $0xA0180, s0;
	s21 =	sadd.s32 $0xA000, s12;
	[dreg:$0x1e] =	wrdreg s19  }
0x31: {  	s23 =	sshrl.u32 s22, $0x3;
	s0 =	sshrl.u32 s0, $0x3;
	[dreg:$0x1f] =	wrdreg s20  }
0x32: {  	s30 =	sadd.s32 s11, s3;
	s22 =	sadd.s32 $0xA010, s12;
	[smem:$0x7FA] =	sst s21  }
0x33: {  	s28 =	sadd.s32 s23, s3;
	s23 =	sadd.s32 $0x14000, s12;
	[smem:$0x7FB] =	sst s22  }
0x34: {  	s0 =	sadd.s32 s0, s3;
	s9 =	sshrl.u32 s24, $0x3;
	[smem:$0x7FC] =	sst s23  }
0x35: {  	s24 =	sadd.s32 $0x14010, s12;
	s29 =	sadd.s32 s9, s3;
	[dreg:$0x14] =	wrdreg s12  }
0x36: {  	s14 =	sshrl.u32 s13, $0x2;
	[smem:$0x7FD] =	sst s24;
	s19 =	simm.s32 $0x100  }
0x37: {  	s20 =	simm.s32 $0x80;
	s21 =	simm.s32 $0x180;
	s22 =	simm.s32 $0x1  }
0x38: {  	s23 =	simm.s32 $0x4200;
	s24 =	simm.s32 $0x0;
	s15 =	sadd.s32 s14, s31  }
0x39: {  	s14 =	simm.s32 $0x200;
	[dreg:$0x1c] =	wrdreg s15;
	s15 =	simm.s32 $0x2  }
.LBB2_1:
0x3a: {  	s2 =	rddreg [dreg:$0x1b]  }
0x3b: {  	[tilespmem:s14], [sflag:$0x2] =	stream.linear.gather [hbm4b:s2+s16], $0x4000, $0x38;
	[tilespmem:$0x1C200] =	vst v63  }
0x3c: {  	_ =	swait.ge [sflag:s15], $0x4000  }
0x3d: {  	[sflag:s15] =	ssyncset.done $0x0  }
0x3e: {  	s4 =	rddreg [dreg:$0x1c];
	[sflag:s15] =	ssyncadd.s32 $0xFFFFC000  }
0x3f: {  	[spmem:s4] =	stream.linear.scatter [tilespmem:s14], [sflag:$0x2], $0x4000, $0x38;
	[tilespmem:$0x1C200] =	vst v63  }
0x40: {  	_ =	swait.ge [sflag:s15], $0x4000  }
0x41: {  	[sflag:s15] =	ssyncset.done $0x0  }
0x42: {  	s8 =	rddreg [dreg:$0x1d];
	[sflag:s15] =	ssyncadd.s32 $0xFFFFC000  }
0x43: {  	[spmem:s8] =	stream.linear.scatter [tilespmem:s14], [sflag:$0x2], $0x4000, $0x38;
	[tilespmem:$0x1C200] =	vst v63  }
0x44: {  	_ =	swait.ge [sflag:s15], $0x4000  }
0x45: {  	[sflag:s15] =	ssyncset.done $0x0  }
0x46: {  	[sflag:s15] =	ssyncadd.s32 $0xFFFFC000  }
0x47: {  	[spmem:s5] =	stream.linear.scatter [tilespmem:s14], [sflag:$0x2], $0x4000, $0x38;
	[tilespmem:$0x1C200] =	vst v63  }
0x48: {  	_ =	swait.ge [sflag:s15], $0x4000  }
0x49: {  	[sflag:s15] =	ssyncset.done $0x0  }
0x4a: {  	[sflag:s15] =	ssyncadd.s32 $0xFFFFC000  }
0x4b: {  	[spmem:s6] =	stream.linear.scatter [tilespmem:s14], [sflag:$0x2], $0x4000, $0x38;
	[tilespmem:$0x1C200] =	vst v63  }
0x4c: {  	_ =	swait.ge [sflag:s15], $0x4000  }
0x4d: {  	[sflag:s15] =	ssyncset.done $0x0  }
0x4e: {  	[sflag:s15] =	ssyncadd.s32 $0xFFFFC000  }
0x4f: {  	[spmem:s7] =	stream.linear.scatter [tilespmem:s14], [sflag:$0x2], $0x4000, $0x38;
	[tilespmem:$0x1C200] =	vst v63  }
0x50: {  	_ =	swait.ge [sflag:s15], $0x4000  }
0x51: {  	[sflag:s15] =	ssyncset.done $0x0  }
0x52: {  	[sflag:s15] =	ssyncadd.s32 $0xFFFFC000  }
0x53: {  	[bflag:$0x0] =	sbarrier.arrive $0xFFFF  }
0x54: {  	s9 =	rddreg [dreg:$0x15]  }
0x55: {  	[tilespmem:s16], [sflag:$0x2] =	stream.linear.gather [hbm4b:s9+s16], $0x80, $0x38;
	[tilespmem:$0x1C200] =	vst v63  }
0x56: {  	_ =	swait.ge [sflag:s15], $0x80  }
0x57: {  	[sflag:s15] =	ssyncset.done $0x0  }
0x58: {  	s10 =	rddreg [dreg:$0x14];
	[sflag:s15] =	ssyncadd.s32 $0xFFFFFF80  }
0x59: {  	[tilespmem:s19], [sflag:$0x2] =	stream.linear.gather [hbm4b:s10+s16], $0x80, $0x38;
	[tilespmem:$0x1C200] =	vst v63  }
0x5a: {  	_ =	swait.ge [sflag:s15], $0x80  }
0x5b: {  	[sflag:s15] =	ssyncset.done $0x0  }
0x5c: {  	[sflag:s15] =	ssyncadd.s32 $0xFFFFFF80  }
0x5d: {  	[tilespmem:s14], [sflag:$0x1] =	stream.indirect.gather [hbm4b:s1+s20], $0x80, s16, s20, $0xb8;
	[tilespmem:$0x1C200] =	vst v63  }
0x5e: {  	s11 =	rddreg [dreg:$0x16]  }
0x5f: {  	[tilespmem:s20], [sflag:$0x2] =	stream.linear.gather [hbm4b:s11+s16], $0x80, $0x38;
	[tilespmem:$0x1C200] =	vst v63  }
0x60: {  	_ =	swait.ge [sflag:s15], $0x80  }
0x61: {  	[sflag:s15] =	ssyncset.done $0x0  }
0x62: {  	s12 =	rddreg [dreg:$0x1f];
	[sflag:s15] =	ssyncadd.s32 $0xFFFFFF80  }
0x63: {  	[tilespmem:s21], [sflag:$0x2] =	stream.linear.gather [hbm4b:s12+s16], $0x80, $0x38;
	[tilespmem:$0x1C200] =	vst v63  }
0x64: {  	_ =	swait.ge [sflag:s15], $0x80  }
0x65: {  	[sflag:s15] =	ssyncset.done $0x0  }
0x66: {  	[sflag:s15] =	ssyncadd.s32 $0xFFFFFF80  }
0x67: {  	_ =	swait.ge [sflag:s22], $0x4000  }
0x68: {  	[sflag:s22] =	ssyncset.done $0x0  }
0x69: {  	[sflag:s22] =	ssyncadd.s32 $0xFFFFC000  }
0x6a: {  	[tilespmem:s23], [sflag:$0x1] =	stream.indirect.gather [hbm4b:s1+s20], $0x80, s20, s20, $0xb8;
	[tilespmem:$0x1C200] =	vst v63  }
0x6b: {  	_ = 	snop  }
0x6c: {  	[spmem:s31] =	stream.indirect.scatter.add.f32 [tilespmem:s14], [sflag:$0x2], $0x80, s19, s20, $0xb8;
	[tilespmem:$0x1C200] =	vst v63  }
0x6d: {  	_ =	swait.ge [sflag:s15], $0x4000  }
0x6e: {  	[sflag:s15] =	ssyncset.done $0x0  }
0x6f: {  	s8 =	sadd.s32 $0x0, s25;
	[sflag:s15] =	ssyncadd.s32 $0xFFFFC000  }
0x70: {  	[tilespmem:s16], [sflag:$0x2] =	stream.linear.gather [hbm4b:s8+s16], $0x80, $0x38;
	[tilespmem:$0x1C200] =	vst v63  }
0x71: {  	_ =	swait.ge [sflag:s15], $0x80  }
0x72: {  	s13 =	sadd.s32 $0x0, s18;
	[sflag:s15] =	ssyncset.done $0x0  }
0x73: {  	s9 =	sadd.s32 $0x20, s13;
	[sflag:s15] =	ssyncadd.s32 $0xFFFFFF80  }
0x74: {  	[tilespmem:s19], [sflag:$0x2] =	stream.linear.gather [hbm4b:s9+s16], $0x80, $0x38;
	[tilespmem:$0x1C200] =	vst v63  }
0x75: {  	_ =	swait.ge [sflag:s15], $0x80  }
0x76: {  	[sflag:s15] =	ssyncset.done $0x0  }
0x77: {  	[sflag:s15] =	ssyncadd.s32 $0xFFFFFF80  }
0x78: {  	[tilespmem:s14], [sflag:$0x1] =	stream.indirect.gather [hbm4b:s1+s20], $0x80, s16, s20, $0xb8;
	[tilespmem:$0x1C200] =	vst v63  }
0x79: {  	_ =	swait.ge [sflag:s22], $0x4000  }
0x7a: {  	[sflag:s22] =	ssyncset.done $0x0  }
0x7b: {  	[sflag:s22] =	ssyncadd.s32 $0xFFFFC000  }
0x7c: {  	[spmem:s31] =	stream.indirect.scatter.add.f32 [tilespmem:s23], [sflag:$0x2], $0x80, s21, s20, $0xb8;
	[tilespmem:$0x1C200] =	vst v63  }
0x7d: {  	_ =	swait.ge [sflag:s15], $0x4000  }
0x7e: {  	[sflag:s15] =	ssyncset.done $0x0  }
0x7f: {  	s17 =	sadd.s32 $0x0, s26;
	[sflag:s15] =	ssyncadd.s32 $0xFFFFC000  }
0x80: {  	[tilespmem:s20], [sflag:$0x2] =	stream.linear.gather [hbm4b:s17+s16], $0x80, $0x38;
	[tilespmem:$0x1C200] =	vst v63  }
0x81: {  	_ =	swait.ge [sflag:s15], $0x80  }
0x82: {  	[sflag:s15] =	ssyncset.done $0x0  }
0x83: {  	s8 =	sadd.s32 $0x30, s13;
	[sflag:s15] =	ssyncadd.s32 $0xFFFFFF80  }
0x84: {  	[tilespmem:s21], [sflag:$0x2] =	stream.linear.gather [hbm4b:s8+s16], $0x80, $0x38;
	[tilespmem:$0x1C200] =	vst v63  }
0x85: {  	_ =	swait.ge [sflag:s15], $0x80  }
0x86: {  	s8 =	simm.s32 $0x20;
	[sflag:s15] =	ssyncset.done $0x0  }
.LBB2_2:
0x87: {  	p0 =	sne.s32 s8, $0x9C0  }
0x88: {  	[sflag:s15] =	ssyncadd.s32 $0xFFFFFF80;
	s9 =	smov.u32 s8;
	s8 =	sadd.s32 $0x20, s8  }
0x89: {  	_ =	swait.ge [sflag:s22], $0x4000  }
0x8a: {  	[sflag:s22] =	ssyncset.done $0x0  }
0x8b: {  	[sflag:s22] =	ssyncadd.s32 $0xFFFFC000  }
0x8c: {  	[tilespmem:s23], [sflag:$0x1] =	stream.indirect.gather [hbm4b:s1+s20], $0x80, s20, s20, $0xb8;
	[tilespmem:$0x1C200] =	vst v63  }
0x8d: {  	_ = 	snop  }
0x8e: {  	[spmem:s31] =	stream.indirect.scatter.add.f32 [tilespmem:s14], [sflag:$0x2], $0x80, s19, s20, $0xb8;
	[tilespmem:$0x1C200] =	vst v63  }
0x8f: {  	_ =	swait.ge [sflag:s15], $0x4000  }
0x90: {  	[sflag:s15] =	ssyncset.done $0x0  }
0x91: {  	s10 =	sadd.s32 s9, s25;
	[sflag:s15] =	ssyncadd.s32 $0xFFFFC000  }
0x92: {  	[tilespmem:s16], [sflag:$0x2] =	stream.linear.gather [hbm4b:s10+s16], $0x80, $0x38;
	[tilespmem:$0x1C200] =	vst v63  }
0x93: {  	_ =	swait.ge [sflag:s15], $0x80  }
0x94: {  	s10 =	sadd.s32 s9, s18;
	[sflag:s15] =	ssyncset.done $0x0  }
0x95: {  	s11 =	sadd.s32 $0x20, s10;
	[sflag:s15] =	ssyncadd.s32 $0xFFFFFF80  }
0x96: {  	[tilespmem:s19], [sflag:$0x2] =	stream.linear.gather [hbm4b:s11+s16], $0x80, $0x38;
	[tilespmem:$0x1C200] =	vst v63  }
0x97: {  	_ =	swait.ge [sflag:s15], $0x80  }
0x98: {  	[sflag:s15] =	ssyncset.done $0x0  }
0x99: {  	[sflag:s15] =	ssyncadd.s32 $0xFFFFFF80  }
0x9a: {  	[tilespmem:s14], [sflag:$0x1] =	stream.indirect.gather [hbm4b:s1+s20], $0x80, s16, s20, $0xb8;
	[tilespmem:$0x1C200] =	vst v63  }
0x9b: {  	_ =	swait.ge [sflag:s22], $0x4000  }
0x9c: {  	[sflag:s22] =	ssyncset.done $0x0  }
0x9d: {  	[sflag:s22] =	ssyncadd.s32 $0xFFFFC000  }
0x9e: {  	[spmem:s31] =	stream.indirect.scatter.add.f32 [tilespmem:s23], [sflag:$0x2], $0x80, s21, s20, $0xb8;
	[tilespmem:$0x1C200] =	vst v63  }
0x9f: {  	_ =	swait.ge [sflag:s15], $0x4000  }
0xa0: {  	[sflag:s15] =	ssyncset.done $0x0  }
0xa1: {  	s9 =	sadd.s32 s9, s26;
	[sflag:s15] =	ssyncadd.s32 $0xFFFFC000  }
0xa2: {  	[tilespmem:s20], [sflag:$0x2] =	stream.linear.gather [hbm4b:s9+s16], $0x80, $0x38;
	[tilespmem:$0x1C200] =	vst v63  }
0xa3: {  	_ =	swait.ge [sflag:s15], $0x80  }
.Ltmp0:
0xa4: {  	[sflag:s15] =	ssyncset.done $0x0;
	(pc) =	sbr.rel @p0 .LBB2_2-.Ltmp0, $4  }
0xa5: {  	s9 =	sadd.s32 $0x30, s10;
	[sflag:s15] =	ssyncadd.s32 $0xFFFFFF80  }
0xa6: {  	[tilespmem:s21], [sflag:$0x2] =	stream.linear.gather [hbm4b:s9+s16], $0x80, $0x38;
	[tilespmem:$0x1C200] =	vst v63  }
0xa7: {  	_ =	swait.ge [sflag:s15], $0x80  }
0xa8: {  	[sflag:s15] =	ssyncset.done $0x0  }
0xa9: {  	[sflag:s15] =	ssyncadd.s32 $0xFFFFFF80  }
0xaa: {  	_ =	swait.ge [sflag:s22], $0x4000  }
0xab: {  	[sflag:s22] =	ssyncset.done $0x0  }
0xac: {  	[sflag:s22] =	ssyncadd.s32 $0xFFFFC000  }
0xad: {  	[tilespmem:s23], [sflag:$0x1] =	stream.indirect.gather [hbm4b:s1+s20], $0x80, s20, s20, $0xb8;
	[tilespmem:$0x1C200] =	vst v63  }
0xae: {  	_ = 	snop  }
0xaf: {  	[spmem:s31] =	stream.indirect.scatter.add.f32 [tilespmem:s14], [sflag:$0x2], $0x80, s19, s20, $0xb8;
	[tilespmem:$0x1C200] =	vst v63  }
0xb0: {  	_ =	swait.ge [sflag:s15], $0x4000  }
0xb1: {  	[sflag:s15] =	ssyncset.done $0x0  }
0xb2: {  	[sflag:s15] =	ssyncadd.s32 $0xFFFFC000  }
0xb3: {  	_ =	swait.ge [sflag:s22], $0x4000  }
0xb4: {  	[sflag:s22] =	ssyncset.done $0x0  }
0xb5: {  	[sflag:s22] =	ssyncadd.s32 $0xFFFFC000  }
0xb6: {  	[spmem:s31] =	stream.indirect.scatter.add.f32 [tilespmem:s23], [sflag:$0x2], $0x80, s21, s20, $0xb8;
	[tilespmem:$0x1C200] =	vst v63  }
0xb7: {  	_ =	swait.ge [sflag:s15], $0x4000  }
0xb8: {  	[sflag:s15] =	ssyncset.done $0x0  }
0xb9: {  	[sflag:s15] =	ssyncadd.s32 $0xFFFFC000  }
0xba: {  	s2 =	stileid.u32;
	[bflag:$0x0] =	sbarrier.arrive $0xFFFF  }
0xbb: {  	s8 =	sshll.u32 s2, $0x6;
	s3 =	rddreg [dreg:$0x1c]  }
0xbc: {  	s8 =	sor.u32 $0x1C02, s8;
	s10 =	rddreg [dreg:$0x5];
	s9 =	sshrl.u32 s3, $0x3  }
0xbd: {  	[hbm:s10], [sflag:s8] =	dma.local [spmem:s9], $0x800  }
0xbe: {  	_ =	swait.ge [sflag:s15], $0x800  }
0xbf: {  	[sflag:s15] =	ssyncset.done $0x0;
	s4 =	rddreg [dreg:$0x1d]  }
0xc0: {  	s11 =	rddreg [dreg:$0x6];
	[sflag:s15] =	ssyncadd.s32 $0xFFFFF800;
	s10 =	sshrl.u32 s4, $0x3  }
0xc1: {  	[hbm:s11], [sflag:s8] =	dma.local [spmem:s10], $0x800  }
0xc2: {  	_ =	swait.ge [sflag:s15], $0x800  }
0xc3: {  	[sflag:s15] =	ssyncset.done $0x0  }
0xc4: {  	s11 =	sshrl.u32 s5, $0x3;
	s12 =	rddreg [dreg:$0x7];
	[sflag:s15] =	ssyncadd.s32 $0xFFFFF800  }
0xc5: {  	[hbm:s12], [sflag:s8] =	dma.local [spmem:s11], $0x800  }
0xc6: {  	_ =	swait.ge [sflag:s15], $0x800  }
0xc7: {  	[sflag:s15] =	ssyncset.done $0x0  }
0xc8: {  	s12 =	sshrl.u32 s6, $0x3;
	s13 =	rddreg [dreg:$0x8];
	[sflag:s15] =	ssyncadd.s32 $0xFFFFF800  }
0xc9: {  	[hbm:s13], [sflag:s8] =	dma.local [spmem:s12], $0x800  }
0xca: {  	_ =	swait.ge [sflag:s15], $0x800  }
0xcb: {  	[sflag:s15] =	ssyncset.done $0x0  }
0xcc: {  	s13 =	sshrl.u32 s7, $0x3;
	s17 =	rddreg [dreg:$0x9];
	[sflag:s15] =	ssyncadd.s32 $0xFFFFF800  }
0xcd: {  	[hbm:s17], [sflag:s8] =	dma.local [spmem:s13], $0x800  }
0xce: {  	_ =	swait.ge [sflag:s15], $0x800  }
0xcf: {  	[sflag:s15] =	ssyncset.done $0x0  }
0xd0: {  	[sflag:s15] =	ssyncadd.s32 $0xFFFFF800  }
0xd1: {  	[bflag:$0x0] =	sbarrier.arrive $0xFFFF  }
0xd2: {  	s17 =	simm.s32 $0x0;
	s2 =	rddreg [dreg:$0x1b]  }
0xd3: {  	[tilespmem:s14], [sflag:$0x2] =	stream.linear.gather [hbm4b:s2+s17], $0x4000, $0x38;
	[tilespmem:$0x1C200] =	vst v63  }
0xd4: {  	_ =	swait.ge [sflag:s15], $0x4000  }
0xd5: {  	[sflag:s15] =	ssyncset.done $0x0  }
0xd6: {  	[sflag:s15] =	ssyncadd.s32 $0xFFFFC000  }
0xd7: {  	[spmem:s3] =	stream.linear.scatter [tilespmem:s14], [sflag:$0x2], $0x4000, $0x38;
	[tilespmem:$0x1C200] =	vst v63  }
0xd8: {  	_ =	swait.ge [sflag:s15], $0x4000  }
0xd9: {  	[sflag:s15] =	ssyncset.done $0x0  }
0xda: {  	[sflag:s15] =	ssyncadd.s32 $0xFFFFC000  }
0xdb: {  	[spmem:s4] =	stream.linear.scatter [tilespmem:s14], [sflag:$0x2], $0x4000, $0x38;
	[tilespmem:$0x1C200] =	vst v63  }
0xdc: {  	_ =	swait.ge [sflag:s15], $0x4000  }
0xdd: {  	[sflag:s15] =	ssyncset.done $0x0  }
0xde: {  	[sflag:s15] =	ssyncadd.s32 $0xFFFFC000  }
0xdf: {  	[spmem:s5] =	stream.linear.scatter [tilespmem:s14], [sflag:$0x2], $0x4000, $0x38;
	[tilespmem:$0x1C200] =	vst v63  }
0xe0: {  	_ =	swait.ge [sflag:s15], $0x4000  }
0xe1: {  	[sflag:s15] =	ssyncset.done $0x0  }
0xe2: {  	[sflag:s15] =	ssyncadd.s32 $0xFFFFC000  }
0xe3: {  	[spmem:s6] =	stream.linear.scatter [tilespmem:s14], [sflag:$0x2], $0x4000, $0x38;
	[tilespmem:$0x1C200] =	vst v63  }
0xe4: {  	_ =	swait.ge [sflag:s15], $0x4000  }
0xe5: {  	[sflag:s15] =	ssyncset.done $0x0  }
0xe6: {  	[sflag:s15] =	ssyncadd.s32 $0xFFFFC000  }
0xe7: {  	[spmem:s7] =	stream.linear.scatter [tilespmem:s14], [sflag:$0x2], $0x4000, $0x38;
	[tilespmem:$0x1C200] =	vst v63  }
0xe8: {  	_ =	swait.ge [sflag:s15], $0x4000  }
0xe9: {  	[sflag:s15] =	ssyncset.done $0x0  }
0xea: {  	[sflag:s15] =	ssyncadd.s32 $0xFFFFC000  }
0xeb: {  	[bflag:$0x0] =	sbarrier.arrive $0xFFFF  }
0xec: {  	s3 =	rddreg [dreg:$0x17]  }
0xed: {  	[tilespmem:s17], [sflag:$0x2] =	stream.linear.gather [hbm4b:s3+s17], $0x80, $0x38;
	[tilespmem:$0x1C200] =	vst v63  }
0xee: {  	_ =	swait.ge [sflag:s15], $0x80  }
0xef: {  	s4 =	sld [smem:$0x7FA]  }
0xf0: {  	[sflag:s15] =	ssyncset.done $0x0  }
0xf1: {  	[sflag:s15] =	ssyncadd.s32 $0xFFFFFF80  }
0xf2: {  	[tilespmem:s19], [sflag:$0x2] =	stream.linear.gather [hbm4b:s4+s17], $0x80, $0x38;
	[tilespmem:$0x1C200] =	vst v63  }
0xf3: {  	_ =	swait.ge [sflag:s15], $0x80  }
0xf4: {  	[sflag:s15] =	ssyncset.done $0x0  }
0xf5: {  	[sflag:s15] =	ssyncadd.s32 $0xFFFFFF80  }
0xf6: {  	[tilespmem:s14], [sflag:$0x1] =	stream.indirect.gather [hbm4b:s1+s20], $0x80, s17, s20, $0xb8;
	[tilespmem:$0x1C200] =	vst v63  }
0xf7: {  	s3 =	rddreg [dreg:$0x18]  }
0xf8: {  	[tilespmem:s20], [sflag:$0x2] =	stream.linear.gather [hbm4b:s3+s17], $0x80, $0x38;
	[tilespmem:$0x1C200] =	vst v63  }
0xf9: {  	_ =	swait.ge [sflag:s15], $0x80  }
0xfa: {  	s4 =	sld [smem:$0x7FB]  }
0xfb: {  	[sflag:s15] =	ssyncset.done $0x0  }
0xfc: {  	[sflag:s15] =	ssyncadd.s32 $0xFFFFFF80  }
0xfd: {  	[tilespmem:s21], [sflag:$0x2] =	stream.linear.gather [hbm4b:s4+s17], $0x80, $0x38;
	[tilespmem:$0x1C200] =	vst v63  }
0xfe: {  	_ =	swait.ge [sflag:s15], $0x80  }
0xff: {  	[sflag:s15] =	ssyncset.done $0x0  }
0x100: {  	[sflag:s15] =	ssyncadd.s32 $0xFFFFFF80  }
0x101: {  	_ =	swait.ge [sflag:s22], $0x4000  }
0x102: {  	[sflag:s22] =	ssyncset.done $0x0  }
0x103: {  	[sflag:s22] =	ssyncadd.s32 $0xFFFFC000  }
0x104: {  	[tilespmem:s23], [sflag:$0x1] =	stream.indirect.gather [hbm4b:s1+s20], $0x80, s20, s20, $0xb8;
	[tilespmem:$0x1C200] =	vst v63  }
0x105: {  	_ = 	snop  }
0x106: {  	[spmem:s31] =	stream.indirect.scatter.add.f32 [tilespmem:s14], [sflag:$0x2], $0x80, s19, s20, $0xb8;
	[tilespmem:$0x1C200] =	vst v63  }
0x107: {  	_ =	swait.ge [sflag:s15], $0x4000  }
0x108: {  	[sflag:s15] =	ssyncset.done $0x0  }
0x109: {  	s2 =	sadd.s32 $0x0, s28;
	[sflag:s15] =	ssyncadd.s32 $0xFFFFC000  }
0x10a: {  	[tilespmem:s16], [sflag:$0x2] =	stream.linear.gather [hbm4b:s2+s16], $0x80, $0x38;
	[tilespmem:$0x1C200] =	vst v63  }
0x10b: {  	_ =	swait.ge [sflag:s15], $0x80  }
0x10c: {  	s17 =	sadd.s32 $0x0, s18;
	[sflag:s15] =	ssyncset.done $0x0  }
0x10d: {  	s3 =	sadd.s32 $0xA020, s17;
	[sflag:s15] =	ssyncadd.s32 $0xFFFFFF80  }
0x10e: {  	[tilespmem:s19], [sflag:$0x2] =	stream.linear.gather [hbm4b:s3+s16], $0x80, $0x38;
	[tilespmem:$0x1C200] =	vst v63  }
0x10f: {  	_ =	swait.ge [sflag:s15], $0x80  }
0x110: {  	[sflag:s15] =	ssyncset.done $0x0  }
0x111: {  	[sflag:s15] =	ssyncadd.s32 $0xFFFFFF80  }
0x112: {  	[tilespmem:s14], [sflag:$0x1] =	stream.indirect.gather [hbm4b:s1+s20], $0x80, s16, s20, $0xb8;
	[tilespmem:$0x1C200] =	vst v63  }
0x113: {  	_ =	swait.ge [sflag:s22], $0x4000  }
0x114: {  	[sflag:s22] =	ssyncset.done $0x0  }
0x115: {  	[sflag:s22] =	ssyncadd.s32 $0xFFFFC000  }
0x116: {  	[spmem:s31] =	stream.indirect.scatter.add.f32 [tilespmem:s23], [sflag:$0x2], $0x80, s21, s20, $0xb8;
	[tilespmem:$0x1C200] =	vst v63  }
0x117: {  	_ =	swait.ge [sflag:s15], $0x4000  }
0x118: {  	[sflag:s15] =	ssyncset.done $0x0  }
0x119: {  	s4 =	sadd.s32 $0x0, s29;
	[sflag:s15] =	ssyncadd.s32 $0xFFFFC000  }
0x11a: {  	[tilespmem:s20], [sflag:$0x2] =	stream.linear.gather [hbm4b:s4+s16], $0x80, $0x38;
	[tilespmem:$0x1C200] =	vst v63  }
0x11b: {  	_ =	swait.ge [sflag:s15], $0x80  }
0x11c: {  	[sflag:s15] =	ssyncset.done $0x0  }
0x11d: {  	s17 =	sadd.s32 $0xA030, s17;
	[sflag:s15] =	ssyncadd.s32 $0xFFFFFF80  }
0x11e: {  	[tilespmem:s21], [sflag:$0x2] =	stream.linear.gather [hbm4b:s17+s16], $0x80, $0x38;
	[tilespmem:$0x1C200] =	vst v63  }
0x11f: {  	_ =	swait.ge [sflag:s15], $0x80  }
0x120: {  	s17 =	simm.s32 $0x20;
	[sflag:s15] =	ssyncset.done $0x0  }
.LBB2_4:
0x121: {  	p0 =	sne.s32 s17, $0x9C0  }
0x122: {  	[sflag:s15] =	ssyncadd.s32 $0xFFFFFF80;
	s2 =	smov.u32 s17;
	s17 =	sadd.s32 $0x20, s17  }
0x123: {  	_ =	swait.ge [sflag:s22], $0x4000  }
0x124: {  	[sflag:s22] =	ssyncset.done $0x0  }
0x125: {  	[sflag:s22] =	ssyncadd.s32 $0xFFFFC000  }
0x126: {  	[tilespmem:s23], [sflag:$0x1] =	stream.indirect.gather [hbm4b:s1+s20], $0x80, s20, s20, $0xb8;
	[tilespmem:$0x1C200] =	vst v63  }
0x127: {  	_ = 	snop  }
0x128: {  	[spmem:s31] =	stream.indirect.scatter.add.f32 [tilespmem:s14], [sflag:$0x2], $0x80, s19, s20, $0xb8;
	[tilespmem:$0x1C200] =	vst v63  }
0x129: {  	_ =	swait.ge [sflag:s15], $0x4000  }
0x12a: {  	[sflag:s15] =	ssyncset.done $0x0  }
0x12b: {  	s3 =	sadd.s32 s2, s28;
	[sflag:s15] =	ssyncadd.s32 $0xFFFFC000  }
0x12c: {  	[tilespmem:s16], [sflag:$0x2] =	stream.linear.gather [hbm4b:s3+s16], $0x80, $0x38;
	[tilespmem:$0x1C200] =	vst v63  }
0x12d: {  	_ =	swait.ge [sflag:s15], $0x80  }
0x12e: {  	s3 =	sadd.s32 s2, s18;
	[sflag:s15] =	ssyncset.done $0x0  }
0x12f: {  	s4 =	sadd.s32 $0xA020, s3;
	[sflag:s15] =	ssyncadd.s32 $0xFFFFFF80  }
0x130: {  	[tilespmem:s19], [sflag:$0x2] =	stream.linear.gather [hbm4b:s4+s16], $0x80, $0x38;
	[tilespmem:$0x1C200] =	vst v63  }
0x131: {  	_ =	swait.ge [sflag:s15], $0x80  }
0x132: {  	[sflag:s15] =	ssyncset.done $0x0  }
0x133: {  	[sflag:s15] =	ssyncadd.s32 $0xFFFFFF80  }
0x134: {  	[tilespmem:s14], [sflag:$0x1] =	stream.indirect.gather [hbm4b:s1+s20], $0x80, s16, s20, $0xb8;
	[tilespmem:$0x1C200] =	vst v63  }
0x135: {  	_ =	swait.ge [sflag:s22], $0x4000  }
0x136: {  	[sflag:s22] =	ssyncset.done $0x0  }
0x137: {  	[sflag:s22] =	ssyncadd.s32 $0xFFFFC000  }
0x138: {  	[spmem:s31] =	stream.indirect.scatter.add.f32 [tilespmem:s23], [sflag:$0x2], $0x80, s21, s20, $0xb8;
	[tilespmem:$0x1C200] =	vst v63  }
0x139: {  	_ =	swait.ge [sflag:s15], $0x4000  }
0x13a: {  	[sflag:s15] =	ssyncset.done $0x0  }
0x13b: {  	s2 =	sadd.s32 s2, s29;
	[sflag:s15] =	ssyncadd.s32 $0xFFFFC000  }
0x13c: {  	[tilespmem:s20], [sflag:$0x2] =	stream.linear.gather [hbm4b:s2+s16], $0x80, $0x38;
	[tilespmem:$0x1C200] =	vst v63  }
0x13d: {  	_ =	swait.ge [sflag:s15], $0x80  }
.Ltmp1:
0x13e: {  	[sflag:s15] =	ssyncset.done $0x0;
	(pc) =	sbr.rel @p0 .LBB2_4-.Ltmp1, $4  }
0x13f: {  	s2 =	sadd.s32 $0xA030, s3;
	[sflag:s15] =	ssyncadd.s32 $0xFFFFFF80  }
0x140: {  	[tilespmem:s21], [sflag:$0x2] =	stream.linear.gather [hbm4b:s2+s16], $0x80, $0x38;
	[tilespmem:$0x1C200] =	vst v63  }
0x141: {  	_ =	swait.ge [sflag:s15], $0x80  }
0x142: {  	[sflag:s15] =	ssyncset.done $0x0  }
0x143: {  	[sflag:s15] =	ssyncadd.s32 $0xFFFFFF80  }
0x144: {  	_ =	swait.ge [sflag:s22], $0x4000  }
0x145: {  	[sflag:s22] =	ssyncset.done $0x0  }
0x146: {  	[sflag:s22] =	ssyncadd.s32 $0xFFFFC000  }
0x147: {  	[tilespmem:s23], [sflag:$0x1] =	stream.indirect.gather [hbm4b:s1+s20], $0x80, s20, s20, $0xb8;
	[tilespmem:$0x1C200] =	vst v63  }
0x148: {  	_ = 	snop  }
0x149: {  	[spmem:s31] =	stream.indirect.scatter.add.f32 [tilespmem:s14], [sflag:$0x2], $0x80, s19, s20, $0xb8;
	[tilespmem:$0x1C200] =	vst v63  }
0x14a: {  	_ =	swait.ge [sflag:s15], $0x4000  }
0x14b: {  	[sflag:s15] =	ssyncset.done $0x0  }
0x14c: {  	[sflag:s15] =	ssyncadd.s32 $0xFFFFC000  }
0x14d: {  	_ =	swait.ge [sflag:s22], $0x4000  }
0x14e: {  	[sflag:s22] =	ssyncset.done $0x0  }
0x14f: {  	[sflag:s22] =	ssyncadd.s32 $0xFFFFC000  }
0x150: {  	[spmem:s31] =	stream.indirect.scatter.add.f32 [tilespmem:s23], [sflag:$0x2], $0x80, s21, s20, $0xb8;
	[tilespmem:$0x1C200] =	vst v63  }
0x151: {  	_ =	swait.ge [sflag:s15], $0x4000  }
0x152: {  	[sflag:s15] =	ssyncset.done $0x0  }
0x153: {  	[sflag:s15] =	ssyncadd.s32 $0xFFFFC000  }
0x154: {  	[bflag:$0x0] =	sbarrier.arrive $0xFFFF  }
0x155: {  	s2 =	rddreg [dreg:$0xa]  }
0x156: {  	[hbm:s2], [sflag:s8] =	dma.local [spmem:s9], $0x800  }
0x157: {  	_ =	swait.ge [sflag:s15], $0x800  }
0x158: {  	[sflag:s15] =	ssyncset.done $0x0  }
0x159: {  	s3 =	rddreg [dreg:$0xb];
	[sflag:s15] =	ssyncadd.s32 $0xFFFFF800  }
0x15a: {  	[hbm:s3], [sflag:s8] =	dma.local [spmem:s10], $0x800  }
0x15b: {  	_ =	swait.ge [sflag:s15], $0x800  }
0x15c: {  	[sflag:s15] =	ssyncset.done $0x0  }
0x15d: {  	s4 =	rddreg [dreg:$0xc];
	[sflag:s15] =	ssyncadd.s32 $0xFFFFF800  }
0x15e: {  	[hbm:s4], [sflag:s8] =	dma.local [spmem:s11], $0x800  }
0x15f: {  	_ =	swait.ge [sflag:s15], $0x800  }
0x160: {  	[sflag:s15] =	ssyncset.done $0x0  }
0x161: {  	s17 =	rddreg [dreg:$0xd];
	[sflag:s15] =	ssyncadd.s32 $0xFFFFF800  }
0x162: {  	[hbm:s17], [sflag:s8] =	dma.local [spmem:s12], $0x800  }
0x163: {  	_ =	swait.ge [sflag:s15], $0x800  }
0x164: {  	[sflag:s15] =	ssyncset.done $0x0  }
0x165: {  	s3 =	rddreg [dreg:$0xe];
	[sflag:s15] =	ssyncadd.s32 $0xFFFFF800  }
0x166: {  	[hbm:s3], [sflag:s8] =	dma.local [spmem:s13], $0x800  }
0x167: {  	_ =	swait.ge [sflag:s15], $0x800  }
0x168: {  	[sflag:s15] =	ssyncset.done $0x0  }
0x169: {  	[sflag:s15] =	ssyncadd.s32 $0xFFFFF800  }
0x16a: {  	[bflag:$0x0] =	sbarrier.arrive $0xFFFF  }
0x16b: {  	s2 =	simm.s32 $0x0;
	s3 =	rddreg [dreg:$0x1b]  }
0x16c: {  	[tilespmem:s14], [sflag:$0x2] =	stream.linear.gather [hbm4b:s3+s2], $0x4000, $0x38;
	[tilespmem:$0x1C200] =	vst v63  }
0x16d: {  	_ =	swait.ge [sflag:s15], $0x4000  }
0x16e: {  	[sflag:s15] =	ssyncset.done $0x0  }
0x16f: {  	s4 =	rddreg [dreg:$0x1c];
	[sflag:s15] =	ssyncadd.s32 $0xFFFFC000  }
0x170: {  	[spmem:s4] =	stream.linear.scatter [tilespmem:s14], [sflag:$0x2], $0x4000, $0x38;
	[tilespmem:$0x1C200] =	vst v63  }
0x171: {  	_ =	swait.ge [sflag:s15], $0x4000  }
0x172: {  	[sflag:s15] =	ssyncset.done $0x0  }
0x173: {  	s17 =	rddreg [dreg:$0x1d];
	[sflag:s15] =	ssyncadd.s32 $0xFFFFC000  }
0x174: {  	[spmem:s17] =	stream.linear.scatter [tilespmem:s14], [sflag:$0x2], $0x4000, $0x38;
	[tilespmem:$0x1C200] =	vst v63  }
0x175: {  	_ =	swait.ge [sflag:s15], $0x4000  }
0x176: {  	[sflag:s15] =	ssyncset.done $0x0  }
0x177: {  	[sflag:s15] =	ssyncadd.s32 $0xFFFFC000  }
0x178: {  	[spmem:s5] =	stream.linear.scatter [tilespmem:s14], [sflag:$0x2], $0x4000, $0x38;
	[tilespmem:$0x1C200] =	vst v63  }
0x179: {  	_ =	swait.ge [sflag:s15], $0x4000  }
0x17a: {  	[sflag:s15] =	ssyncset.done $0x0  }
0x17b: {  	[sflag:s15] =	ssyncadd.s32 $0xFFFFC000  }
0x17c: {  	[spmem:s6] =	stream.linear.scatter [tilespmem:s14], [sflag:$0x2], $0x4000, $0x38;
	[tilespmem:$0x1C200] =	vst v63  }
0x17d: {  	_ =	swait.ge [sflag:s15], $0x4000  }
0x17e: {  	[sflag:s15] =	ssyncset.done $0x0  }
0x17f: {  	[sflag:s15] =	ssyncadd.s32 $0xFFFFC000  }
0x180: {  	[spmem:s7] =	stream.linear.scatter [tilespmem:s14], [sflag:$0x2], $0x4000, $0x38;
	[tilespmem:$0x1C200] =	vst v63  }
0x181: {  	_ =	swait.ge [sflag:s15], $0x4000  }
0x182: {  	[sflag:s15] =	ssyncset.done $0x0  }
0x183: {  	[sflag:s15] =	ssyncadd.s32 $0xFFFFC000  }
0x184: {  	[bflag:$0x0] =	sbarrier.arrive $0xFFFF  }
0x185: {  	s4 =	rddreg [dreg:$0x1a]  }
0x186: {  	[tilespmem:s2], [sflag:$0x2] =	stream.linear.gather [hbm4b:s4+s2], $0x80, $0x38;
	[tilespmem:$0x1C200] =	vst v63  }
0x187: {  	_ =	swait.ge [sflag:s15], $0x80  }
0x188: {  	s17 =	sld [smem:$0x7FC]  }
0x189: {  	[sflag:s15] =	ssyncset.done $0x0  }
0x18a: {  	[sflag:s15] =	ssyncadd.s32 $0xFFFFFF80  }
0x18b: {  	[tilespmem:s19], [sflag:$0x2] =	stream.linear.gather [hbm4b:s17+s2], $0x80, $0x38;
	[tilespmem:$0x1C200] =	vst v63  }
0x18c: {  	_ =	swait.ge [sflag:s15], $0x80  }
0x18d: {  	[sflag:s15] =	ssyncset.done $0x0  }
0x18e: {  	[sflag:s15] =	ssyncadd.s32 $0xFFFFFF80  }
0x18f: {  	[tilespmem:s14], [sflag:$0x1] =	stream.indirect.gather [hbm4b:s1+s20], $0x80, s2, s20, $0xb8;
	[tilespmem:$0x1C200] =	vst v63  }
0x190: {  	s4 =	rddreg [dreg:$0x19]  }
0x191: {  	[tilespmem:s20], [sflag:$0x2] =	stream.linear.gather [hbm4b:s4+s2], $0x80, $0x38;
	[tilespmem:$0x1C200] =	vst v63  }
0x192: {  	_ =	swait.ge [sflag:s15], $0x80  }
0x193: {  	s17 =	sld [smem:$0x7FD]  }
0x194: {  	[sflag:s15] =	ssyncset.done $0x0  }
0x195: {  	[sflag:s15] =	ssyncadd.s32 $0xFFFFFF80  }
0x196: {  	[tilespmem:s21], [sflag:$0x2] =	stream.linear.gather [hbm4b:s17+s2], $0x80, $0x38;
	[tilespmem:$0x1C200] =	vst v63  }
0x197: {  	_ =	swait.ge [sflag:s15], $0x80  }
0x198: {  	[sflag:s15] =	ssyncset.done $0x0  }
0x199: {  	[sflag:s15] =	ssyncadd.s32 $0xFFFFFF80  }
0x19a: {  	_ =	swait.ge [sflag:s22], $0x4000  }
0x19b: {  	[sflag:s22] =	ssyncset.done $0x0  }
0x19c: {  	[sflag:s22] =	ssyncadd.s32 $0xFFFFC000  }
0x19d: {  	[tilespmem:s23], [sflag:$0x1] =	stream.indirect.gather [hbm4b:s1+s20], $0x80, s20, s20, $0xb8;
	[tilespmem:$0x1C200] =	vst v63  }
0x19e: {  	_ = 	snop  }
0x19f: {  	[spmem:s31] =	stream.indirect.scatter.add.f32 [tilespmem:s14], [sflag:$0x2], $0x80, s19, s20, $0xb8;
	[tilespmem:$0x1C200] =	vst v63  }
0x1a0: {  	_ =	swait.ge [sflag:s15], $0x4000  }
0x1a1: {  	[sflag:s15] =	ssyncset.done $0x0  }
0x1a2: {  	s3 =	sadd.s32 $0x0, s30;
	[sflag:s15] =	ssyncadd.s32 $0xFFFFC000  }
0x1a3: {  	[tilespmem:s16], [sflag:$0x2] =	stream.linear.gather [hbm4b:s3+s16], $0x80, $0x38;
	[tilespmem:$0x1C200] =	vst v63  }
0x1a4: {  	_ =	swait.ge [sflag:s15], $0x80  }
0x1a5: {  	s2 =	sadd.s32 $0x0, s18;
	[sflag:s15] =	ssyncset.done $0x0  }
0x1a6: {  	s4 =	sadd.s32 $0x14020, s2;
	[sflag:s15] =	ssyncadd.s32 $0xFFFFFF80  }
0x1a7: {  	[tilespmem:s19], [sflag:$0x2] =	stream.linear.gather [hbm4b:s4+s16], $0x80, $0x38;
	[tilespmem:$0x1C200] =	vst v63  }
0x1a8: {  	_ =	swait.ge [sflag:s15], $0x80  }
0x1a9: {  	[sflag:s15] =	ssyncset.done $0x0  }
0x1aa: {  	[sflag:s15] =	ssyncadd.s32 $0xFFFFFF80  }
0x1ab: {  	[tilespmem:s14], [sflag:$0x1] =	stream.indirect.gather [hbm4b:s1+s20], $0x80, s16, s20, $0xb8;
	[tilespmem:$0x1C200] =	vst v63  }
0x1ac: {  	_ =	swait.ge [sflag:s22], $0x4000  }
0x1ad: {  	[sflag:s22] =	ssyncset.done $0x0  }
0x1ae: {  	[sflag:s22] =	ssyncadd.s32 $0xFFFFC000  }
0x1af: {  	[spmem:s31] =	stream.indirect.scatter.add.f32 [tilespmem:s23], [sflag:$0x2], $0x80, s21, s20, $0xb8;
	[tilespmem:$0x1C200] =	vst v63  }
0x1b0: {  	_ =	swait.ge [sflag:s15], $0x4000  }
0x1b1: {  	[sflag:s15] =	ssyncset.done $0x0  }
0x1b2: {  	s17 =	sadd.s32 $0x0, s0;
	[sflag:s15] =	ssyncadd.s32 $0xFFFFC000  }
0x1b3: {  	[tilespmem:s20], [sflag:$0x2] =	stream.linear.gather [hbm4b:s17+s16], $0x80, $0x38;
	[tilespmem:$0x1C200] =	vst v63  }
0x1b4: {  	_ =	swait.ge [sflag:s15], $0x80  }
0x1b5: {  	[sflag:s15] =	ssyncset.done $0x0  }
0x1b6: {  	s2 =	sadd.s32 $0x14030, s2;
	[sflag:s15] =	ssyncadd.s32 $0xFFFFFF80  }
0x1b7: {  	[tilespmem:s21], [sflag:$0x2] =	stream.linear.gather [hbm4b:s2+s16], $0x80, $0x38;
	[tilespmem:$0x1C200] =	vst v63  }
0x1b8: {  	_ =	swait.ge [sflag:s15], $0x80  }
0x1b9: {  	s17 =	simm.s32 $0x20;
	[sflag:s15] =	ssyncset.done $0x0  }
.LBB2_6:
0x1ba: {  	p0 =	sne.s32 s17, $0x9C0  }
0x1bb: {  	[sflag:s15] =	ssyncadd.s32 $0xFFFFFF80;
	s2 =	smov.u32 s17;
	s17 =	sadd.s32 $0x20, s17  }
0x1bc: {  	_ =	swait.ge [sflag:s22], $0x4000  }
0x1bd: {  	[sflag:s22] =	ssyncset.done $0x0  }
0x1be: {  	[sflag:s22] =	ssyncadd.s32 $0xFFFFC000  }
0x1bf: {  	[tilespmem:s23], [sflag:$0x1] =	stream.indirect.gather [hbm4b:s1+s20], $0x80, s20, s20, $0xb8;
	[tilespmem:$0x1C200] =	vst v63  }
0x1c0: {  	_ = 	snop  }
0x1c1: {  	[spmem:s31] =	stream.indirect.scatter.add.f32 [tilespmem:s14], [sflag:$0x2], $0x80, s19, s20, $0xb8;
	[tilespmem:$0x1C200] =	vst v63  }
0x1c2: {  	_ =	swait.ge [sflag:s15], $0x4000  }
0x1c3: {  	[sflag:s15] =	ssyncset.done $0x0  }
0x1c4: {  	s3 =	sadd.s32 s2, s30;
	[sflag:s15] =	ssyncadd.s32 $0xFFFFC000  }
0x1c5: {  	[tilespmem:s16], [sflag:$0x2] =	stream.linear.gather [hbm4b:s3+s16], $0x80, $0x38;
	[tilespmem:$0x1C200] =	vst v63  }
0x1c6: {  	_ =	swait.ge [sflag:s15], $0x80  }
0x1c7: {  	s3 =	sadd.s32 s2, s18;
	[sflag:s15] =	ssyncset.done $0x0  }
0x1c8: {  	s4 =	sadd.s32 $0x14020, s3;
	[sflag:s15] =	ssyncadd.s32 $0xFFFFFF80  }
0x1c9: {  	[tilespmem:s19], [sflag:$0x2] =	stream.linear.gather [hbm4b:s4+s16], $0x80, $0x38;
	[tilespmem:$0x1C200] =	vst v63  }
0x1ca: {  	_ =	swait.ge [sflag:s15], $0x80  }
0x1cb: {  	[sflag:s15] =	ssyncset.done $0x0  }
0x1cc: {  	[sflag:s15] =	ssyncadd.s32 $0xFFFFFF80  }
0x1cd: {  	[tilespmem:s14], [sflag:$0x1] =	stream.indirect.gather [hbm4b:s1+s20], $0x80, s16, s20, $0xb8;
	[tilespmem:$0x1C200] =	vst v63  }
0x1ce: {  	_ =	swait.ge [sflag:s22], $0x4000  }
0x1cf: {  	[sflag:s22] =	ssyncset.done $0x0  }
0x1d0: {  	[sflag:s22] =	ssyncadd.s32 $0xFFFFC000  }
0x1d1: {  	[spmem:s31] =	stream.indirect.scatter.add.f32 [tilespmem:s23], [sflag:$0x2], $0x80, s21, s20, $0xb8;
	[tilespmem:$0x1C200] =	vst v63  }
0x1d2: {  	_ =	swait.ge [sflag:s15], $0x4000  }
0x1d3: {  	[sflag:s15] =	ssyncset.done $0x0  }
0x1d4: {  	s2 =	sadd.s32 s2, s0;
	[sflag:s15] =	ssyncadd.s32 $0xFFFFC000  }
0x1d5: {  	[tilespmem:s20], [sflag:$0x2] =	stream.linear.gather [hbm4b:s2+s16], $0x80, $0x38;
	[tilespmem:$0x1C200] =	vst v63  }
0x1d6: {  	_ =	swait.ge [sflag:s15], $0x80  }
.Ltmp2:
0x1d7: {  	[sflag:s15] =	ssyncset.done $0x0;
	(pc) =	sbr.rel @p0 .LBB2_6-.Ltmp2, $4  }
0x1d8: {  	s2 =	sadd.s32 $0x14030, s3;
	[sflag:s15] =	ssyncadd.s32 $0xFFFFFF80  }
0x1d9: {  	[tilespmem:s21], [sflag:$0x2] =	stream.linear.gather [hbm4b:s2+s16], $0x80, $0x38;
	[tilespmem:$0x1C200] =	vst v63  }
0x1da: {  	_ =	swait.ge [sflag:s15], $0x80  }
0x1db: {  	[sflag:s15] =	ssyncset.done $0x0  }
0x1dc: {  	[sflag:s15] =	ssyncadd.s32 $0xFFFFFF80  }
0x1dd: {  	_ =	swait.ge [sflag:s22], $0x4000  }
0x1de: {  	[sflag:s22] =	ssyncset.done $0x0  }
0x1df: {  	[sflag:s22] =	ssyncadd.s32 $0xFFFFC000  }
0x1e0: {  	[tilespmem:s23], [sflag:$0x1] =	stream.indirect.gather [hbm4b:s1+s20], $0x80, s20, s20, $0xb8;
	[tilespmem:$0x1C200] =	vst v63  }
0x1e1: {  	_ = 	snop  }
0x1e2: {  	[spmem:s31] =	stream.indirect.scatter.add.f32 [tilespmem:s14], [sflag:$0x2], $0x80, s19, s20, $0xb8;
	[tilespmem:$0x1C200] =	vst v63  }
0x1e3: {  	_ =	swait.ge [sflag:s15], $0x4000  }
0x1e4: {  	[sflag:s15] =	ssyncset.done $0x0  }
0x1e5: {  	[sflag:s15] =	ssyncadd.s32 $0xFFFFC000  }
0x1e6: {  	_ =	swait.ge [sflag:s22], $0x4000  }
0x1e7: {  	[sflag:s22] =	ssyncset.done $0x0  }
0x1e8: {  	[sflag:s22] =	ssyncadd.s32 $0xFFFFC000  }
0x1e9: {  	[spmem:s31] =	stream.indirect.scatter.add.f32 [tilespmem:s23], [sflag:$0x2], $0x80, s21, s20, $0xb8;
	[tilespmem:$0x1C200] =	vst v63  }
0x1ea: {  	_ =	swait.ge [sflag:s15], $0x4000  }
0x1eb: {  	[sflag:s15] =	ssyncset.done $0x0  }
0x1ec: {  	[sflag:s15] =	ssyncadd.s32 $0xFFFFC000  }
0x1ed: {  	[bflag:$0x0] =	sbarrier.arrive $0xFFFF  }
0x1ee: {  	s2 =	rddreg [dreg:$0xf]  }
0x1ef: {  	[hbm:s2], [sflag:s8] =	dma.local [spmem:s9], $0x800  }
0x1f0: {  	_ =	swait.ge [sflag:s15], $0x800  }
0x1f1: {  	[sflag:s15] =	ssyncset.done $0x0  }
0x1f2: {  	s9 =	rddreg [dreg:$0x10];
	[sflag:s15] =	ssyncadd.s32 $0xFFFFF800  }
0x1f3: {  	[hbm:s9], [sflag:s8] =	dma.local [spmem:s10], $0x800  }
0x1f4: {  	_ =	swait.ge [sflag:s15], $0x800  }
0x1f5: {  	[sflag:s15] =	ssyncset.done $0x0  }
0x1f6: {  	s10 =	rddreg [dreg:$0x11];
	[sflag:s15] =	ssyncadd.s32 $0xFFFFF800  }
0x1f7: {  	[hbm:s10], [sflag:s8] =	dma.local [spmem:s11], $0x800  }
0x1f8: {  	_ =	swait.ge [sflag:s15], $0x800  }
0x1f9: {  	[sflag:s15] =	ssyncset.done $0x0  }
0x1fa: {  	s11 =	rddreg [dreg:$0x12];
	[sflag:s15] =	ssyncadd.s32 $0xFFFFF800  }
0x1fb: {  	[hbm:s11], [sflag:s8] =	dma.local [spmem:s12], $0x800  }
0x1fc: {  	_ =	swait.ge [sflag:s15], $0x800  }
0x1fd: {  	[sflag:s15] =	ssyncset.done $0x0  }
0x1fe: {  	s12 =	rddreg [dreg:$0x13];
	[sflag:s15] =	ssyncadd.s32 $0xFFFFF800  }
0x1ff: {  	[hbm:s12], [sflag:s8] =	dma.local [spmem:s13], $0x800  }
0x200: {  	_ =	swait.ge [sflag:s15], $0x800  }
0x201: {  	s24 =	sadd.s32 $0x1, s24;
	s17 =	rddreg [dreg:$0x1e]  }
0x202: {  	p0 =	sne.s32 s24, s17  }
.Ltmp3:
0x203: {  	_ = 	snop;
	(pc) =	sbr.rel @p0 .LBB2_1-.Ltmp3, $3  }
0x204: {  	[sflag:s15] =	ssyncset.done $0x0  }
0x205: {  	[sflag:s15] =	ssyncadd.s32 $0xFFFFF800  }
0x206: {  	[bflag:$0x0] =	sbarrier.arrive $0xFFFF;
	_ =	sdelay $0x1  }
0x207: {  	_ =	sfence.sel $0x180000  }
0x208: {  	[bflag:$0x0] =	sbarrier.arrive $0xFFFF  }
0x209: {  	_ =	strace $0x9000004A  }
0x20a: {  	s0 =	stileid.u32;
	[bflag:$0x2] =	sbarrier.arrive $0xFFFF  }
0x20b: {  	p0 =	sne.s32 s0, $0x0;
	s0 =	rddreg [dreg:$0x4]  }
0x20c: {  	s0 =	sadd.s32 @!p0 $0x100000, s0  }
0x20d: {  	[sflag:s0] =	ssyncadd.tile.s32 @!p0 $0x1;
	_ =	shalt  }
.Lfunc_end2:
_tile_overlayer_lowered:
.L_overlay_start_2:
0x20e: {  	(tag) =	ssettag $0x2  }
0x20f: {  	s0 =	rddreg [dreg:$0x0];
	s2 =	stileid.u32  }
0x210: {  	s1 =	rddreg [dreg:$0x1];
	p0 =	sne.s32 s2, $0x0  }
0x211: {  	s3 =	rddreg [dreg:$0x2];
	[bflag:$0x3] =	sbarrier.arrive $0xFFFF;
	s2 =	simm.s32 @!p0 $0x1C02  }
0x212: {  	[timem:s3], [sflag:s2] =	dma.local @!p0 [hbm:s0], s1  }
0x213: {  	s0 =	simm.s32 @!p0 $0x2  }
0x214: {  	_ =	swait.ge @!p0 [sflag:s0], s1  }
0x215: {  	s1 =	ssub.s32 @!p0 $0x0, s1;
	[sflag:s0] =	ssyncset.done @!p0 $0x0  }
0x216: {  	[sflag:s0] =	ssyncadd.s32 @!p0 s1  }
0x217: {  	[bflag:$0x3] =	sbarrier.arrive $0xFFFF  }
0x218: {  	_ =	shalt  }

</sc_bundles>
